<compile_context>
chip_gen: v7x
topology: tpu7x:2x2x1
jax: 0.10.2.dev20260603
libtpu: 0.0.44.dev20260713+nightly
codegen_flags: <defaults>
</compile_context>

<pallas_src>
import dataclasses
import functools

import jax
import jax.numpy as jnp
from jax import lax
from jax.experimental import pallas as pl
from jax.experimental.pallas import tpu as pltpu
from jax.experimental.pallas import tpu_sc as plsc

NC = 2
NS = 16
LANES = 16
BATCH = 128

_mesh = functools.partial(
    plsc.VectorSubcoreMesh, core_axis_name="c", subcore_axis_name="s",
    num_cores=NC, num_subcores=NS)


def _sc_params():
  cp = pltpu.CompilerParams()
  if "needs_layout_passes" in pltpu.CompilerParams.__dataclass_fields__:
    cp = dataclasses.replace(cp, needs_layout_passes=False)
  return cp


def _ru(a, m):
  return (a + m - 1) // m * m


def _hist_call(dst2, npad):
  erows = dst2.shape[0]
  rpt = erows // (NC * NS)
  hrows = npad // 128

  @functools.partial(
      pl.kernel,
      out_type=jax.ShapeDtypeStruct((NC * NS, hrows, 128), jnp.float32),
      mesh=_mesh(),
      compiler_params=_sc_params(),
      scratch_types=[
          pltpu.VMEM((hrows, 128), jnp.float32),
          pltpu.VMEM((rpt, 128), jnp.int32),
      ],
  )
  def hist_kernel(dst_hbm, deg_hbm, hist, dbuf):
    c = lax.axis_index("c")
    s = lax.axis_index("s")
    wid = c * NS + s

    @pl.loop(0, hrows)
    def _zero(i):
      @pl.loop(0, 128 // LANES)
      def _zc(j):
        hist[i, pl.ds(j * LANES, LANES)] = jnp.zeros((LANES,), jnp.float32)

    pltpu.sync_copy(dst_hbm.at[pl.ds(wid * rpt, rpt)], dbuf)
    ones = jnp.ones((LANES,), jnp.float32)

    @pl.loop(0, rpt)
    def _row(r):
      @pl.loop(0, 128 // LANES)
      def _seg(j):
        d16 = dbuf[r, pl.ds(j * LANES, LANES)]
        plsc.addupdate_scatter(
            hist,
            [lax.shift_right_logical(d16, 7),
             lax.bitwise_and(d16, 127)],
            ones)

    pltpu.sync_copy(hist, deg_hbm.at[wid])

  return hist_kernel(dst2)


def _agg_call(srcoff, dst2, xs_flat, nchunk, npad):
  erows = dst2.shape[0]
  rpt = erows // NS
  passes = nchunk // NC
  stripe = npad // NS
  nzc = stripe // 128

  idxc = 16

  @functools.partial(
      pl.kernel,
      out_type=jax.ShapeDtypeStruct((nchunk * npad, 128), jnp.float32),
      mesh=_mesh(),
      compiler_params=_sc_params(),
      scratch_types=[
          pltpu.VMEM_SHARED((npad, 128), jnp.float32),
          pltpu.VMEM((idxc, 128), jnp.int32),
          pltpu.VMEM((idxc, 128), jnp.int32),
          pltpu.VMEM((2, BATCH, 128), jnp.float32),
          pltpu.SemaphoreType.DMA,
          pltpu.SemaphoreType.DMA,
          pltpu.SemaphoreType.DMA,
          pltpu.SemaphoreType.DMA,
      ],
  )
  def agg_kernel(src_hbm, dst_hbm, xs_hbm, y_hbm,
                 acc, svs, dvs, rows, semg0, semg1, sems0, sems1):
    c = lax.axis_index("c")
    s = lax.axis_index("s")

    @pl.loop(0, passes)
    def _pass(p):
      chunk = c * passes + p

      @pl.loop(0, BATCH)
      def _zr(i):
        @pl.loop(0, 128 // LANES)
        def _zc(j):
          rows[0, i, pl.ds(j * LANES, LANES)] = (
              jnp.zeros((LANES,), jnp.float32))

      @pl.loop(0, nzc)
      def _za(q):
        pltpu.sync_copy(rows.at[0], acc.at[pl.ds(s * stripe + q * 128, 128)])

      plsc.subcore_barrier()

      @pl.loop(0, rpt, step=idxc)
      def _ichunk(ib):
        pltpu.sync_copy(
            src_hbm.at[pl.ds(chunk * erows + s * rpt + ib, idxc)], svs)
        pltpu.sync_copy(dst_hbm.at[pl.ds(s * rpt + ib, idxc)], dvs)

        pltpu.async_copy(xs_hbm.at[svs.at[0]], rows.at[0], semg0)
        pltpu.async_copy(xs_hbm.at[svs.at[1]], rows.at[1], semg1)

        @pl.loop(0, idxc, step=2)
        def _b(b):
          pltpu.make_async_copy(
              xs_hbm.at[svs.at[b]], rows.at[0], semg0).wait()
          pltpu.async_copy(rows.at[0], acc.at[dvs.at[b]], sems0, add=True)

          pltpu.make_async_copy(
              xs_hbm.at[svs.at[b + 1]], rows.at[1], semg1).wait()
          pltpu.async_copy(rows.at[1], acc.at[dvs.at[b + 1]], sems1,
                           add=True)

          @pl.when(b + 2 < idxc)
          def _():
            pltpu.make_async_copy(
                rows.at[0], acc.at[dvs.at[b]], sems0).wait()
            pltpu.async_copy(xs_hbm.at[svs.at[b + 2]], rows.at[0], semg0)
            pltpu.make_async_copy(
                rows.at[1], acc.at[dvs.at[b + 1]], sems1).wait()
            pltpu.async_copy(xs_hbm.at[svs.at[b + 3]], rows.at[1], semg1)

        pltpu.make_async_copy(
            rows.at[0], acc.at[dvs.at[idxc - 2]], sems0).wait()
        pltpu.make_async_copy(
            rows.at[1], acc.at[dvs.at[idxc - 1]], sems1).wait()

      plsc.subcore_barrier()

      pltpu.sync_copy(
          acc.at[pl.ds(s * stripe, stripe)],
          y_hbm.at[pl.ds(chunk * npad + s * stripe, stripe)])

  return agg_kernel(srcoff, dst2, xs_flat)


def _dinv_of(degs_blk):
  return lax.rsqrt(jnp.sum(degs_blk, axis=0) + 1.0)


def _scale_body(x_ref, degs_ref, o_ref):
  dinv = _dinv_of(degs_ref[...])
  o_ref[...] = (x_ref[...] * dinv)[None]


def _scale_call(x_pad, degs3, npad, f_in):
  nchunk = f_in // 128
  grid = (nchunk, npad // 128)
  return pl.pallas_call(
      _scale_body,
      grid=grid,
      in_specs=[
          pl.BlockSpec((128, 128), lambda c, i: (i, c)),
          pl.BlockSpec((NC * NS, 128, 1), lambda c, i: (0, i, 0)),
      ],
      out_specs=pl.BlockSpec((1, 128, 128), lambda c, i: (c, i, 0)),
      out_shape=jax.ShapeDtypeStruct((nchunk, npad, 128), jnp.float32),
  )(x_pad, degs3)


def _mid_body(y_ref, xs_ref, degs_ref, w1_ref, b1_ref, w2_ref, z_ref):
  dinv = _dinv_of(degs_ref[...])
  a = jnp.concatenate(
      [y_ref[k] + xs_ref[k] for k in range(y_ref.shape[0])], axis=1)
  a = a * dinv
  h = jnp.dot(a.astype(jnp.bfloat16), w1_ref[...],
              preferred_element_type=jnp.float32)
  h = jnp.maximum(h + b1_ref[...], 0.0)
  hw = jnp.dot(h.astype(jnp.bfloat16), w2_ref[...],
               preferred_element_type=jnp.float32)
  z = hw * dinv
  for k in range(z_ref.shape[0]):
    z_ref[k] = z[:, k * 128:(k + 1) * 128]


def _mid_call(y1, xs3, degs3, W1, b1r, W2, npad):
  c_in = y1.shape[0]
  c_out = W2.shape[1] // 128
  rb = 256
  grid = (npad // rb,)
  return pl.pallas_call(
      _mid_body,
      grid=grid,
      in_specs=[
          pl.BlockSpec((c_in, rb, 128), lambda i: (0, i, 0)),
          pl.BlockSpec((c_in, rb, 128), lambda i: (0, i, 0)),
          pl.BlockSpec((NC * NS, rb, 1), lambda i: (0, i, 0)),
          pl.BlockSpec(W1.shape, lambda i: (0, 0)),
          pl.BlockSpec(b1r.shape, lambda i: (0, 0)),
          pl.BlockSpec(W2.shape, lambda i: (0, 0)),
      ],
      out_specs=pl.BlockSpec((c_out, rb, 128), lambda i: (0, i, 0)),
      out_shape=jax.ShapeDtypeStruct((c_out, npad, 128), jnp.float32),
  )(y1, xs3, degs3, W1, b1r, W2)


def _fin_body(y2_ref, z_ref, degs_ref, b2_ref, o_ref):
  dinv = _dinv_of(degs_ref[...])
  nc = y2_ref.shape[0]
  for k in range(nc):
    o_ref[:, k * 128:(k + 1) * 128] = (
        (y2_ref[k] + z_ref[k]) * dinv + b2_ref[0:1, k * 128:(k + 1) * 128])


def _fin_call(y2, z3, degs3, b2r, npad):
  nchunk = y2.shape[0]
  f_out = nchunk * 128
  grid = (npad // 128,)
  return pl.pallas_call(
      _fin_body,
      grid=grid,
      in_specs=[
          pl.BlockSpec((nchunk, 128, 128), lambda i: (0, i, 0)),
          pl.BlockSpec((nchunk, 128, 128), lambda i: (0, i, 0)),
          pl.BlockSpec((NC * NS, 128, 1), lambda i: (0, i, 0)),
          pl.BlockSpec(b2r.shape, lambda i: (0, 0)),
      ],
      out_specs=pl.BlockSpec((128, f_out), lambda i: (i, 0)),
      out_shape=jax.ShapeDtypeStruct((npad, f_out), jnp.float32),
  )(y2, z3, degs3, b2r)


def kernel(x, edge_index, W1, b1, W2, b2):
  n, f_in = x.shape
  f_mid = W1.shape[1]
  f_out = W2.shape[1]
  e = edge_index.shape[1]

  npad = _ru(n + NC * NS, 2048)
  epad = _ru(e, 128 * 256)
  padr = npad - n
  c1 = f_in // 128
  c2 = f_out // 128

  ei = edge_index.astype(jnp.int32)
  pad_ix = n + (jnp.arange(epad - e, dtype=jnp.int32) % padr)
  src = jnp.concatenate([ei[0], pad_ix])
  dst = jnp.concatenate([ei[1], pad_ix])
  dst2 = dst.reshape(epad // 128, 128)
  src2 = src.reshape(epad // 128, 128)
  off1 = (jnp.arange(c1, dtype=jnp.int32) * npad)[:, None, None]
  off2 = (jnp.arange(c2, dtype=jnp.int32) * npad)[:, None, None]
  srcoff1 = (src2[None] + off1).reshape(c1 * (epad // 128), 128)
  srcoff2 = (src2[None] + off2).reshape(c2 * (epad // 128), 128)

  x_pad = jnp.zeros((npad, f_in), x.dtype).at[:n].set(x)
  b1r = b1.reshape(1, f_mid)
  b2r = b2.reshape(1, f_out)
  W1h = W1.astype(jnp.bfloat16)
  W2h = W2.astype(jnp.bfloat16)

  degs = _hist_call(dst2, npad)
  degs3 = degs.reshape(NC * NS, npad, 1)
  xs3 = _scale_call(x_pad, degs3, npad, f_in)
  xs_flat = xs3.reshape(c1 * npad, 128)
  y1 = _agg_call(srcoff1, dst2, xs_flat, c1, npad)
  y13 = y1.reshape(c1, npad, 128)
  z3 = _mid_call(y13, xs3, degs3, W1h, b1r, W2h, npad)
  z_flat = z3.reshape(c2 * npad, 128)
  y2 = _agg_call(srcoff2, dst2, z_flat, c2, npad)
  y23 = y2.reshape(c2, npad, 128)
  out = _fin_call(y23, z3, degs3, b2r, npad)
  return out[:n]

# --- scband reference (transcript-rebuilt; emitter-appended) ---
"""Pipeline reference for scband-gcn-18854906429891 (READ-ONLY COPY).

The authoritative reference and input builder live on the scoring server;
editing this copy changes nothing except your own understanding.
"""

import jax, jax.numpy as jnp
import numpy as np

N_NODES = 10000

def gcn_conv(x, edge_index, W, b):
    n = x.shape[0]
    src = edge_index[0]
    dst = edge_index[1]
    # add self-loops (PyG GCNConv default add_self_loops=True)
    loop = jnp.arange(n, dtype=src.dtype)
    src = jnp.concatenate([src, loop])
    dst = jnp.concatenate([dst, loop])
    # linear transform first (in_dim -> out_dim)
    xw = x @ W
    # symmetric normalization: deg computed on destination (col) with unit edge weights
    deg = jnp.zeros((n,), dtype=x.dtype).at[dst].add(1.0)
    dinv = jnp.where(deg > 0, deg ** -0.5, 0.0)
    norm = dinv[src] * dinv[dst]
    msg = xw[src] * norm[:, None]
    out = jnp.zeros((n, W.shape[1]), dtype=x.dtype).at[dst].add(msg)
    return out + b


def setup_inputs(seed: int = 0) -> dict:
    key = jax.random.key(seed)
    k1, k2, k3, k4, k5, k6 = jax.random.split(key, 6)
    x = jax.random.normal(k1, (N_NODES, 256), dtype=jnp.float32)
    edge_index = jax.random.randint(k2, (2, 160000), 0, N_NODES, dtype=jnp.int64)
    # glorot-style init for GCN weights
    W1 = jax.random.normal(k3, (256, 1024), dtype=jnp.float32) * (2.0 / (256 + 1024)) ** 0.5
    b1 = jnp.zeros((1024,), dtype=jnp.float32)
    W2 = jax.random.normal(k4, (1024, 512), dtype=jnp.float32) * (2.0 / (1024 + 512)) ** 0.5
    b2 = jnp.zeros((512,), dtype=jnp.float32)
    return {"x": x, "edge_index": edge_index, "W1": W1, "b1": b1, "W2": W2, "b2": b2}


def reference(x, edge_index, W1, b1, W2, b2):
    # layer 1
    h = gcn_conv(x, edge_index, W1, b1)
    h = jax.nn.relu(h)
    # dropout is identity in eval/inference mode
    # layer 2
    out = gcn_conv(h, edge_index, W2, b2)
    return out

if __name__ == "__main__":
    import jax
    _d = setup_inputs()
    print(jax.jit(kernel)(*tuple(_d.values())))

</pallas_src>

<mosaic_0001>
#map = affine_map<(d0, d1) -> (0, 0)>
#map1 = affine_map<(d0, d1) -> (0, 0, 0)>
module attributes {stable_mosaic.version = 14 : i64} {
  func.func @hist_kernel(%arg0: i32, %arg1: i32, %arg2: memref<1280x128xi32, #tpu.memory_space<hbm>>, %arg3: memref<32x80x128xf32, #tpu.memory_space<hbm>>, %arg4: memref<80x128xf32, #tpu.memory_space<vmem>>, %arg5: memref<40x128xi32, #tpu.memory_space<vmem>>) attributes {dimension_semantics = [#tpu.dimension_semantics<core_parallel>, #tpu.dimension_semantics<subcore_parallel>], iteration_bounds = array<i64: 2, 16>, scalar_prefetch = 0 : i64, scratch_operands = 2 : i64, tpu.core_type = #tpu.core_type<sc_vector_subcore>, window_params = [{transform_indices = #map}, {transform_indices = #map1}]} {
    %mul3A = arith.constant 16 : i32
    %mul3A_0 = arith.muli %arg0, %mul3A : i32
    %add3A = arith.addi %mul3A_0, %arg1 : i32
    %scan3A = arith.constant 0 : i32
    %scan3A_1 = arith.constant 80 : i32
    %scan3A_2 = arith.addi %scan3A, %scan3A_1 : i32
    %scan3A_3 = arith.constant 1 : i32
    scf.for %scan3A_13 = %scan3A to %scan3A_2 step %scan3A_3  : i32 {
      %mul3A_14 = arith.constant 1 : i32
      %mul3A_15 = arith.muli %scan3A_13, %mul3A_14 : i32
      %add3A_16 = arith.constant 0 : i32
      %add3A_17 = arith.addi %add3A_16, %mul3A_15 : i32
      %scan3A_18 = arith.constant 0 : i32
      %scan3A_19 = arith.constant 8 : i32
      %scan3A_20 = arith.addi %scan3A_18, %scan3A_19 : i32
      %scan3A_21 = arith.constant 1 : i32
      scf.for %scan3A_23 = %scan3A_18 to %scan3A_20 step %scan3A_21  : i32 {
        %mul3A_24 = arith.constant 1 : i32
        %mul3A_25 = arith.muli %scan3A_23, %mul3A_24 : i32
        %add3A_26 = arith.constant 0 : i32
        %add3A_27 = arith.addi %add3A_26, %mul3A_25 : i32
        %broadcast_in_dim3A_28 = arith.constant 0.000000e+00 : f32
        %broadcast_in_dim3A_29 = vector.broadcast %broadcast_in_dim3A_28 : f32 to vector<16xf32>
        %mul3A_30 = arith.constant 16 : i32
        %mul3A_31 = arith.muli %add3A_27, %mul3A_30 : i32
        %swap3A = arith.index_cast %add3A_17 : i32 to index
        %swap3A_32 = arith.index_cast %mul3A_31 : i32 to index
        %swap3A_33 = tpu.vector_load %arg4[%swap3A, %swap3A_32] {strides = array<i32>} : memref<80x128xf32, #tpu.memory_space<vmem>>, vector<16xf32>,
        tpu.vector_store %arg4[%swap3A, %swap3A_32], %broadcast_in_dim3A_29 {strides = array<i32>} : memref<80x128xf32, #tpu.memory_space<vmem>>, vector<16xf32>,
      }
      %scan3A_22 = arith.constant 8 : i32
    }
    %scan3A_4 = arith.constant 80 : i32
    %mul3A_5 = arith.constant 40 : i32
    %mul3A_6 = arith.muli %add3A, %mul3A_5 : i32
    "tpu.region"() ({
      %run_scoped3A = tpu.sem_alloc : memref<!tpu.dma_semaphore, #tpu.memory_space<semaphore_mem>>
      %dma_start3A = arith.constant 0 : i32
      %dma_start3A_13 = tpu.memref_slice %arg2[%mul3A_6, %dma_start3A] : memref<1280x128xi32, #tpu.memory_space<hbm>> -> memref<40x128xi32, #tpu.memory_space<hbm>>
      %dma_start3A_14 = arith.constant 0 : i32
      %dma_start3A_15 = tpu.memref_slice %arg2[%mul3A_6, %dma_start3A_14] : memref<1280x128xi32, #tpu.memory_space<hbm>> -> memref<40x128xi32, #tpu.memory_space<hbm>>
      tpu.enqueue_dma source(%dma_start3A_15 : memref<40x128xi32, #tpu.memory_space<hbm>>) target(%arg5 : memref<40x128xi32, #tpu.memory_space<vmem>>) target_semaphore(%run_scoped3A : memref<!tpu.dma_semaphore, #tpu.memory_space<semaphore_mem>>)
      %dma_wait3A = arith.constant 0 : i32
      %dma_wait3A_16 = tpu.memref_slice %arg2[%mul3A_6, %dma_wait3A] : memref<1280x128xi32, #tpu.memory_space<hbm>> -> memref<40x128xi32, #tpu.memory_space<hbm>>
      %dma_wait3A_17 = arith.constant 0 : i32
      %dma_wait3A_18 = tpu.memref_slice %arg2[%mul3A_6, %dma_wait3A_17] : memref<1280x128xi32, #tpu.memory_space<hbm>> -> memref<40x128xi32, #tpu.memory_space<hbm>>
      tpu.wait_dma2 semaphore(%run_scoped3A : memref<!tpu.dma_semaphore, #tpu.memory_space<semaphore_mem>>) src(%dma_wait3A_18 : memref<40x128xi32, #tpu.memory_space<hbm>>) dst(%arg5 : memref<40x128xi32, #tpu.memory_space<vmem>>)
      tpu.yield
    }) : () -> ()
    %broadcast_in_dim3A = arith.constant 1.000000e+00 : f32
    %broadcast_in_dim3A_7 = vector.broadcast %broadcast_in_dim3A : f32 to vector<16xf32>
    %scan3A_8 = arith.constant 0 : i32
    %scan3A_9 = arith.constant 40 : i32
    %scan3A_10 = arith.addi %scan3A_8, %scan3A_9 : i32
    %scan3A_11 = arith.constant 1 : i32
    scf.for %scan3A_13 = %scan3A_8 to %scan3A_10 step %scan3A_11  : i32 {
      %mul3A_14 = arith.constant 1 : i32
      %mul3A_15 = arith.muli %scan3A_13, %mul3A_14 : i32
      %add3A_16 = arith.constant 0 : i32
      %add3A_17 = arith.addi %add3A_16, %mul3A_15 : i32
      %scan3A_18 = arith.constant 0 : i32
      %scan3A_19 = arith.constant 8 : i32
      %scan3A_20 = arith.addi %scan3A_18, %scan3A_19 : i32
      %scan3A_21 = arith.constant 1 : i32
      scf.for %scan3A_23 = %scan3A_18 to %scan3A_20 step %scan3A_21  : i32 {
        %mul3A_24 = arith.constant 1 : i32
        %mul3A_25 = arith.muli %scan3A_23, %mul3A_24 : i32
        %add3A_26 = arith.constant 0 : i32
        %add3A_27 = arith.addi %add3A_26, %mul3A_25 : i32
        %mul3A_28 = arith.constant 16 : i32
        %mul3A_29 = arith.muli %add3A_27, %mul3A_28 : i32
        %get3A = arith.index_cast %add3A_17 : i32 to index
        %get3A_30 = arith.index_cast %mul3A_29 : i32 to index
        %get3A_31 = tpu.vector_load %arg5[%get3A, %get3A_30] {strides = array<i32>} : memref<40x128xi32, #tpu.memory_space<vmem>>, vector<16xi32>,
        %shift_right_logical3A = arith.constant 7 : i32
        %shift_right_logical3A_32 = vector.broadcast %shift_right_logical3A : i32 to vector<16xi32>
        %shift_right_logical3A_33 = arith.shrui %get3A_31, %shift_right_logical3A_32 : vector<16xi32>
        %and3A = arith.constant 127 : i32
        %and3A_34 = vector.broadcast %and3A : i32 to vector<16xi32>
        %and3A_35 = arith.andi %get3A_31, %and3A_34 : vector<16xi32>
        tpu.vector_store_idx %arg4[%shift_right_logical3A_33, %and3A_35], %broadcast_in_dim3A_7 {add = true} : memref<80x128xf32, #tpu.memory_space<vmem>>[vector<16xi32>, vector<16xi32>], vector<16xf32>,
      }
      %scan3A_22 = arith.constant 8 : i32
    }
    %scan3A_12 = arith.constant 40 : i32
    "tpu.region"() ({
      %run_scoped3A = tpu.sem_alloc : memref<!tpu.dma_semaphore, #tpu.memory_space<semaphore_mem>>
      %dma_start3A = arith.constant 0 : i32
      %dma_start3A_13 = arith.constant 0 : i32
      %dma_start3A_14 = tpu.memref_slice %arg3[%add3A, %dma_start3A, %dma_start3A_13] : memref<32x80x128xf32, #tpu.memory_space<hbm>> -> memref<1x80x128xf32, #tpu.memory_space<hbm>>
      %dma_start3A_15 = tpu.memref_squeeze %dma_start3A_14 : memref<1x80x128xf32, #tpu.memory_space<hbm>> -> memref<80x128xf32, #tpu.memory_space<hbm>>
      %dma_start3A_16 = arith.constant 0 : i32
      %dma_start3A_17 = arith.constant 0 : i32
      %dma_start3A_18 = tpu.memref_slice %arg3[%add3A, %dma_start3A_16, %dma_start3A_17] : memref<32x80x128xf32, #tpu.memory_space<hbm>> -> memref<1x80x128xf32, #tpu.memory_space<hbm>>
      %dma_start3A_19 = tpu.memref_squeeze %dma_start3A_18 : memref<1x80x128xf32, #tpu.memory_space<hbm>> -> memref<80x128xf32, #tpu.memory_space<hbm>>
      tpu.enqueue_dma source(%arg4 : memref<80x128xf32, #tpu.memory_space<vmem>>) target(%dma_start3A_19 : memref<80x128xf32, #tpu.memory_space<hbm>>) target_semaphore(%run_scoped3A : memref<!tpu.dma_semaphore, #tpu.memory_space<semaphore_mem>>)
      %dma_wait3A = arith.constant 0 : i32
      %dma_wait3A_20 = arith.constant 0 : i32
      %dma_wait3A_21 = tpu.memref_slice %arg3[%add3A, %dma_wait3A, %dma_wait3A_20] : memref<32x80x128xf32, #tpu.memory_space<hbm>> -> memref<1x80x128xf32, #tpu.memory_space<hbm>>
      %dma_wait3A_22 = tpu.memref_squeeze %dma_wait3A_21 : memref<1x80x128xf32, #tpu.memory_space<hbm>> -> memref<80x128xf32, #tpu.memory_space<hbm>>
      %dma_wait3A_23 = arith.constant 0 : i32
      %dma_wait3A_24 = arith.constant 0 : i32
      %dma_wait3A_25 = tpu.memref_slice %arg3[%add3A, %dma_wait3A_23, %dma_wait3A_24] : memref<32x80x128xf32, #tpu.memory_space<hbm>> -> memref<1x80x128xf32, #tpu.memory_space<hbm>>
      %dma_wait3A_26 = tpu.memref_squeeze %dma_wait3A_25 : memref<1x80x128xf32, #tpu.memory_space<hbm>> -> memref<80x128xf32, #tpu.memory_space<hbm>>
      tpu.wait_dma2 semaphore(%run_scoped3A : memref<!tpu.dma_semaphore, #tpu.memory_space<semaphore_mem>>) src(%arg4 : memref<80x128xf32, #tpu.memory_space<vmem>>) dst(%dma_wait3A_26 : memref<80x128xf32, #tpu.memory_space<hbm>>)
      tpu.yield
    }) : () -> ()
    return
  }
}

#map = affine_map<(d0, d1) -> (0, 0)>
module attributes {stable_mosaic.version = 14 : i64} {
  func.func @agg_kernel(%arg0: i32, %arg1: i32, %arg2: memref<2560x128xi32, #tpu.memory_space<hbm>>, %arg3: memref<1280x128xi32, #tpu.memory_space<hbm>>, %arg4: memref<20480x128xf32, #tpu.memory_space<hbm>>, %arg5: memref<20480x128xf32, #tpu.memory_space<hbm>>, %arg6: memref<10240x128xf32, #tpu.memory_space<vmem_shared>>, %arg7: memref<16x128xi32, #tpu.memory_space<vmem>>, %arg8: memref<16x128xi32, #tpu.memory_space<vmem>>, %arg9: memref<2x128x128xf32, #tpu.memory_space<vmem>>, %arg10: memref<!tpu.dma_semaphore, #tpu.memory_space<semaphore_mem>>, %arg11: memref<!tpu.dma_semaphore, #tpu.memory_space<semaphore_mem>>, %arg12: memref<!tpu.dma_semaphore, #tpu.memory_space<semaphore_mem>>, %arg13: memref<!tpu.dma_semaphore, #tpu.memory_space<semaphore_mem>>) attributes {dimension_semantics = [#tpu.dimension_semantics<core_parallel>, #tpu.dimension_semantics<subcore_parallel>], iteration_bounds = array<i64: 2, 16>, scalar_prefetch = 0 : i64, scratch_operands = 8 : i64, tpu.core_type = #tpu.core_type<sc_vector_subcore>, window_params = [{transform_indices = #map}, {transform_indices = #map}, {transform_indices = #map}, {transform_indices = #map}]} {
    %scan3A = arith.constant 0 : i32
    %mul3A = arith.constant 1 : i32
    %mul3A_0 = arith.muli %scan3A, %mul3A : i32
    %add3A = arith.constant 0 : i32
    %add3A_1 = arith.addi %add3A, %mul3A_0 : i32
    %mul3A_2 = arith.constant 1 : i32
    %mul3A_3 = arith.muli %arg0, %mul3A_2 : i32
    %add3A_4 = arith.addi %mul3A_3, %add3A_1 : i32
    %scan3A_5 = arith.constant 0 : i32
    %scan3A_6 = arith.constant 128 : i32
    %scan3A_7 = arith.addi %scan3A_5, %scan3A_6 : i32
    %scan3A_8 = arith.constant 1 : i32
    scf.for %scan3A_29 = %scan3A_5 to %scan3A_7 step %scan3A_8  : i32 {
      %mul3A_30 = arith.constant 1 : i32
      %mul3A_31 = arith.muli %scan3A_29, %mul3A_30 : i32
      %add3A_32 = arith.constant 0 : i32
      %add3A_33 = arith.addi %add3A_32, %mul3A_31 : i32
      %scan3A_34 = arith.constant 0 : i32
      %scan3A_35 = arith.constant 8 : i32
      %scan3A_36 = arith.addi %scan3A_34, %scan3A_35 : i32
      %scan3A_37 = arith.constant 1 : i32
      scf.for %scan3A_39 = %scan3A_34 to %scan3A_36 step %scan3A_37  : i32 {
        %mul3A_40 = arith.constant 1 : i32
        %mul3A_41 = arith.muli %scan3A_39, %mul3A_40 : i32
        %add3A_42 = arith.constant 0 : i32
        %add3A_43 = arith.addi %add3A_42, %mul3A_41 : i32
        %broadcast_in_dim3A = arith.constant 0.000000e+00 : f32
        %broadcast_in_dim3A_44 = vector.broadcast %broadcast_in_dim3A : f32 to vector<16xf32>
        %mul3A_45 = arith.constant 16 : i32
        %mul3A_46 = arith.muli %add3A_43, %mul3A_45 : i32
        %swap3A = arith.constant 0 : i32
        %swap3A_47 = arith.index_cast %swap3A : i32 to index
        %swap3A_48 = arith.index_cast %add3A_33 : i32 to index
        %swap3A_49 = arith.index_cast %mul3A_46 : i32 to index
        %swap3A_50 = tpu.vector_load %arg9[%swap3A_47, %swap3A_48, %swap3A_49] {strides = array<i32>} : memref<2x128x128xf32, #tpu.memory_space<vmem>>, vector<16xf32>,
        tpu.vector_store %arg9[%swap3A_47, %swap3A_48, %swap3A_49], %broadcast_in_dim3A_44 {strides = array<i32>} : memref<2x128x128xf32, #tpu.memory_space<vmem>>, vector<16xf32>,
      }
      %scan3A_38 = arith.constant 8 : i32
    }
    %scan3A_9 = arith.constant 128 : i32
    %scan3A_10 = arith.constant 0 : i32
    %scan3A_11 = arith.constant 5 : i32
    %scan3A_12 = arith.addi %scan3A_10, %scan3A_11 : i32
    %scan3A_13 = arith.constant 1 : i32
    scf.for %scan3A_29 = %scan3A_10 to %scan3A_12 step %scan3A_13  : i32 {
      %mul3A_30 = arith.constant 1 : i32
      %mul3A_31 = arith.muli %scan3A_29, %mul3A_30 : i32
      %add3A_32 = arith.constant 0 : i32
      %add3A_33 = arith.addi %add3A_32, %mul3A_31 : i32
      %mul3A_34 = arith.constant 640 : i32
      %mul3A_35 = arith.muli %arg1, %mul3A_34 : i32
      %mul3A_36 = arith.constant 128 : i32
      %mul3A_37 = arith.muli %add3A_33, %mul3A_36 : i32
      %add3A_38 = arith.addi %mul3A_35, %mul3A_37 : i32
      %run_scoped3A = arith.constant 0 : i32
      "tpu.region"() ({
        %run_scoped3A_39 = tpu.sem_alloc : memref<!tpu.dma_semaphore, #tpu.memory_space<semaphore_mem>>
        %dma_start3A = arith.constant 0 : i32
        %dma_start3A_40 = arith.constant 0 : i32
        %dma_start3A_41 = tpu.memref_slice %arg9[%run_scoped3A, %dma_start3A, %dma_start3A_40] : memref<2x128x128xf32, #tpu.memory_space<vmem>> -> memref<1x128x128xf32, #tpu.memory_space<vmem>>
        %dma_start3A_42 = tpu.memref_squeeze %dma_start3A_41 : memref<1x128x128xf32, #tpu.memory_space<vmem>> -> memref<128x128xf32, #tpu.memory_space<vmem>>
        %dma_start3A_43 = arith.constant 0 : i32
        %dma_start3A_44 = tpu.memref_slice %arg6[%add3A_38, %dma_start3A_43] : memref<10240x128xf32, #tpu.memory_space<vmem_shared>> -> memref<128x128xf32, #tpu.memory_space<vmem_shared>>
        %dma_start3A_45 = arith.constant 0 : i32
        %dma_start3A_46 = tpu.memref_slice %arg6[%add3A_38, %dma_start3A_45] : memref<10240x128xf32, #tpu.memory_space<vmem_shared>> -> memref<128x128xf32, #tpu.memory_space<vmem_shared>>
        %dma_start3A_47 = arith.constant 0 : i32
        %dma_start3A_48 = arith.constant 0 : i32
        %dma_start3A_49 = tpu.memref_slice %arg9[%run_scoped3A, %dma_start3A_47, %dma_start3A_48] : memref<2x128x128xf32, #tpu.memory_space<vmem>> -> memref<1x128x128xf32, #tpu.memory_space<vmem>>
        %dma_start3A_50 = tpu.memref_squeeze %dma_start3A_49 : memref<1x128x128xf32, #tpu.memory_space<vmem>> -> memref<128x128xf32, #tpu.memory_space<vmem>>
        tpu.enqueue_dma source(%dma_start3A_50 : memref<128x128xf32, #tpu.memory_space<vmem>>) target(%dma_start3A_46 : memref<128x128xf32, #tpu.memory_space<vmem_shared>>) target_semaphore(%run_scoped3A_39 : memref<!tpu.dma_semaphore, #tpu.memory_space<semaphore_mem>>)
        %dma_wait3A = arith.constant 0 : i32
        %dma_wait3A_51 = arith.constant 0 : i32
        %dma_wait3A_52 = tpu.memref_slice %arg9[%run_scoped3A, %dma_wait3A, %dma_wait3A_51] : memref<2x128x128xf32, #tpu.memory_space<vmem>> -> memref<1x128x128xf32, #tpu.memory_space<vmem>>
        %dma_wait3A_53 = tpu.memref_squeeze %dma_wait3A_52 : memref<1x128x128xf32, #tpu.memory_space<vmem>> -> memref<128x128xf32, #tpu.memory_space<vmem>>
        %dma_wait3A_54 = arith.constant 0 : i32
        %dma_wait3A_55 = tpu.memref_slice %arg6[%add3A_38, %dma_wait3A_54] : memref<10240x128xf32, #tpu.memory_space<vmem_shared>> -> memref<128x128xf32, #tpu.memory_space<vmem_shared>>
        %dma_wait3A_56 = arith.constant 0 : i32
        %dma_wait3A_57 = tpu.memref_slice %arg6[%add3A_38, %dma_wait3A_56] : memref<10240x128xf32, #tpu.memory_space<vmem_shared>> -> memref<128x128xf32, #tpu.memory_space<vmem_shared>>
        %dma_wait3A_58 = arith.constant 0 : i32
        %dma_wait3A_59 = arith.constant 0 : i32
        %dma_wait3A_60 = tpu.memref_slice %arg9[%run_scoped3A, %dma_wait3A_58, %dma_wait3A_59] : memref<2x128x128xf32, #tpu.memory_space<vmem>> -> memref<1x128x128xf32, #tpu.memory_space<vmem>>
        %dma_wait3A_61 = tpu.memref_squeeze %dma_wait3A_60 : memref<1x128x128xf32, #tpu.memory_space<vmem>> -> memref<128x128xf32, #tpu.memory_space<vmem>>
        tpu.wait_dma2 semaphore(%run_scoped3A_39 : memref<!tpu.dma_semaphore, #tpu.memory_space<semaphore_mem>>) src(%dma_wait3A_61 : memref<128x128xf32, #tpu.memory_space<vmem>>) dst(%dma_wait3A_57 : memref<128x128xf32, #tpu.memory_space<vmem_shared>>)
        tpu.yield
      }) : () -> ()
    }
    %scan3A_14 = arith.constant 5 : i32
    %barrier3A = arith.constant 0 : index
    tpu.barrier barrier_id(%barrier3A)
    %scan3A_15 = arith.constant 0 : i32
    %scan3A_16 = arith.constant 5 : i32
    %scan3A_17 = arith.addi %scan3A_15, %scan3A_16 : i32
    %scan3A_18 = arith.constant 1 : i32
    scf.for %scan3A_29 = %scan3A_15 to %scan3A_17 step %scan3A_18  : i32 {
      %mul3A_30 = arith.constant 16 : i32
      %mul3A_31 = arith.muli %scan3A_29, %mul3A_30 : i32
      %add3A_32 = arith.constant 0 : i32
      %add3A_33 = arith.addi %add3A_32, %mul3A_31 : i32
      %mul3A_34 = arith.constant 1280 : i32
      %mul3A_35 = arith.muli %add3A_4, %mul3A_34 : i32
      %mul3A_36 = arith.constant 80 : i32
      %mul3A_37 = arith.muli %arg1, %mul3A_36 : i32
      %add3A_38 = arith.addi %mul3A_35, %mul3A_37 : i32
      %add3A_39 = arith.addi %add3A_38, %add3A_33 : i32
      "tpu.region"() ({
        %run_scoped3A = tpu.sem_alloc : memref<!tpu.dma_semaphore, #tpu.memory_space<semaphore_mem>>
        %dma_start3A_94 = arith.constant 0 : i32
        %dma_start3A_95 = tpu.memref_slice %arg2[%add3A_39, %dma_start3A_94] : memref<2560x128xi32, #tpu.memory_space<hbm>> -> memref<16x128xi32, #tpu.memory_space<hbm>>
        %dma_start3A_96 = arith.constant 0 : i32
        %dma_start3A_97 = tpu.memref_slice %arg2[%add3A_39, %dma_start3A_96] : memref<2560x128xi32, #tpu.memory_space<hbm>> -> memref<16x128xi32, #tpu.memory_space<hbm>>
        tpu.enqueue_dma source(%dma_start3A_97 : memref<16x128xi32, #tpu.memory_space<hbm>>) target(%arg7 : memref<16x128xi32, #tpu.memory_space<vmem>>) target_semaphore(%run_scoped3A : memref<!tpu.dma_semaphore, #tpu.memory_space<semaphore_mem>>)
        %dma_wait3A_98 = arith.constant 0 : i32
        %dma_wait3A_99 = tpu.memref_slice %arg2[%add3A_39, %dma_wait3A_98] : memref<2560x128xi32, #tpu.memory_space<hbm>> -> memref<16x128xi32, #tpu.memory_space<hbm>>
        %dma_wait3A_100 = arith.constant 0 : i32
        %dma_wait3A_101 = tpu.memref_slice %arg2[%add3A_39, %dma_wait3A_100] : memref<2560x128xi32, #tpu.memory_space<hbm>> -> memref<16x128xi32, #tpu.memory_space<hbm>>
        tpu.wait_dma2 semaphore(%run_scoped3A : memref<!tpu.dma_semaphore, #tpu.memory_space<semaphore_mem>>) src(%dma_wait3A_101 : memref<16x128xi32, #tpu.memory_space<hbm>>) dst(%arg7 : memref<16x128xi32, #tpu.memory_space<vmem>>)
        tpu.yield
      }) : () -> ()
      %mul3A_40 = arith.constant 80 : i32
      %mul3A_41 = arith.muli %arg1, %mul3A_40 : i32
      %add3A_42 = arith.addi %mul3A_41, %add3A_33 : i32
      "tpu.region"() ({
        %run_scoped3A = tpu.sem_alloc : memref<!tpu.dma_semaphore, #tpu.memory_space<semaphore_mem>>
        %dma_start3A_94 = arith.constant 0 : i32
        %dma_start3A_95 = tpu.memref_slice %arg3[%add3A_42, %dma_start3A_94] : memref<1280x128xi32, #tpu.memory_space<hbm>> -> memref<16x128xi32, #tpu.memory_space<hbm>>
        %dma_start3A_96 = arith.constant 0 : i32
        %dma_start3A_97 = tpu.memref_slice %arg3[%add3A_42, %dma_start3A_96] : memref<1280x128xi32, #tpu.memory_space<hbm>> -> memref<16x128xi32, #tpu.memory_space<hbm>>
        tpu.enqueue_dma source(%dma_start3A_97 : memref<16x128xi32, #tpu.memory_space<hbm>>) target(%arg8 : memref<16x128xi32, #tpu.memory_space<vmem>>) target_semaphore(%run_scoped3A : memref<!tpu.dma_semaphore, #tpu.memory_space<semaphore_mem>>)
        %dma_wait3A_98 = arith.constant 0 : i32
        %dma_wait3A_99 = tpu.memref_slice %arg3[%add3A_42, %dma_wait3A_98] : memref<1280x128xi32, #tpu.memory_space<hbm>> -> memref<16x128xi32, #tpu.memory_space<hbm>>
        %dma_wait3A_100 = arith.constant 0 : i32
        %dma_wait3A_101 = tpu.memref_slice %arg3[%add3A_42, %dma_wait3A_100] : memref<1280x128xi32, #tpu.memory_space<hbm>> -> memref<16x128xi32, #tpu.memory_space<hbm>>
        tpu.wait_dma2 semaphore(%run_scoped3A : memref<!tpu.dma_semaphore, #tpu.memory_space<semaphore_mem>>) src(%dma_wait3A_101 : memref<16x128xi32, #tpu.memory_space<hbm>>) dst(%arg8 : memref<16x128xi32, #tpu.memory_space<vmem>>)
        tpu.yield
      }) : () -> ()
      %dma_start3A = arith.constant 0 : i32
      %dma_start3A_43 = arith.constant 0 : i32
      %dma_start3A_44 = arith.constant 0 : i32
      %dma_start3A_45 = arith.constant 0 : i32
      %dma_start3A_46 = tpu.memref_slice %arg9[%dma_start3A_43, %dma_start3A_44, %dma_start3A_45] : memref<2x128x128xf32, #tpu.memory_space<vmem>> -> memref<1x128x128xf32, #tpu.memory_space<vmem>>
      %dma_start3A_47 = tpu.memref_squeeze %dma_start3A_46 : memref<1x128x128xf32, #tpu.memory_space<vmem>> -> memref<128x128xf32, #tpu.memory_space<vmem>>
      %dma_start3A_48 = arith.constant 0 : i32
      %dma_start3A_49 = tpu.memref_slice %arg7[%dma_start3A, %dma_start3A_48] : memref<16x128xi32, #tpu.memory_space<vmem>> -> memref<1x128xi32, #tpu.memory_space<vmem>>
      %dma_start3A_50 = tpu.memref_squeeze %dma_start3A_49 : memref<1x128xi32, #tpu.memory_space<vmem>> -> memref<128xi32, #tpu.memory_space<vmem>>
      %dma_start3A_51 = arith.constant 0 : i32
      %dma_start3A_52 = arith.constant 0 : i32
      %dma_start3A_53 = tpu.memref_slice %arg4[%dma_start3A_51, %dma_start3A_52] : memref<20480x128xf32, #tpu.memory_space<hbm>> -> memref<20480x128xf32, #tpu.memory_space<hbm>>
      tpu.enqueue_indirect_dma source(%dma_start3A_53 : memref<20480x128xf32, #tpu.memory_space<hbm>>) target(%dma_start3A_47 : memref<128x128xf32, #tpu.memory_space<vmem>>) offsets(%dma_start3A_50 : memref<128xi32, #tpu.memory_space<vmem>>) semaphore(%arg10 : memref<!tpu.dma_semaphore, #tpu.memory_space<semaphore_mem>>)
      %dma_start3A_54 = arith.constant 1 : i32
      %dma_start3A_55 = arith.constant 1 : i32
      %dma_start3A_56 = arith.constant 0 : i32
      %dma_start3A_57 = arith.constant 0 : i32
      %dma_start3A_58 = tpu.memref_slice %arg9[%dma_start3A_55, %dma_start3A_56, %dma_start3A_57] : memref<2x128x128xf32, #tpu.memory_space<vmem>> -> memref<1x128x128xf32, #tpu.memory_space<vmem>>
      %dma_start3A_59 = tpu.memref_squeeze %dma_start3A_58 : memref<1x128x128xf32, #tpu.memory_space<vmem>> -> memref<128x128xf32, #tpu.memory_space<vmem>>
      %dma_start3A_60 = arith.constant 0 : i32
      %dma_start3A_61 = tpu.memref_slice %arg7[%dma_start3A_54, %dma_start3A_60] : memref<16x128xi32, #tpu.memory_space<vmem>> -> memref<1x128xi32, #tpu.memory_space<vmem>>
      %dma_start3A_62 = tpu.memref_squeeze %dma_start3A_61 : memref<1x128xi32, #tpu.memory_space<vmem>> -> memref<128xi32, #tpu.memory_space<vmem>>
      %dma_start3A_63 = arith.constant 0 : i32
      %dma_start3A_64 = arith.constant 0 : i32
      %dma_start3A_65 = tpu.memref_slice %arg4[%dma_start3A_63, %dma_start3A_64] : memref<20480x128xf32, #tpu.memory_space<hbm>> -> memref<20480x128xf32, #tpu.memory_space<hbm>>
      tpu.enqueue_indirect_dma source(%dma_start3A_65 : memref<20480x128xf32, #tpu.memory_space<hbm>>) target(%dma_start3A_59 : memref<128x128xf32, #tpu.memory_space<vmem>>) offsets(%dma_start3A_62 : memref<128xi32, #tpu.memory_space<vmem>>) semaphore(%arg11 : memref<!tpu.dma_semaphore, #tpu.memory_space<semaphore_mem>>)
      %scan3A_66 = arith.constant 0 : i32
      %scan3A_67 = arith.constant 8 : i32
      %scan3A_68 = arith.addi %scan3A_66, %scan3A_67 : i32
      %scan3A_69 = arith.constant 1 : i32
      scf.for %scan3A_94 = %scan3A_66 to %scan3A_68 step %scan3A_69  : i32 {
        %mul3A_95 = arith.constant 2 : i32
        %mul3A_96 = arith.muli %scan3A_94, %mul3A_95 : i32
        %add3A_97 = arith.constant 0 : i32
        %add3A_98 = arith.addi %add3A_97, %mul3A_96 : i32
        %dma_wait3A_99 = arith.constant 0 : i32
        %dma_wait3A_100 = arith.constant 0 : i32
        %dma_wait3A_101 = arith.constant 0 : i32
        %dma_wait3A_102 = tpu.memref_slice %arg9[%dma_wait3A_99, %dma_wait3A_100, %dma_wait3A_101] : memref<2x128x128xf32, #tpu.memory_space<vmem>> -> memref<1x128x128xf32, #tpu.memory_space<vmem>>
        %dma_wait3A_103 = tpu.memref_squeeze %dma_wait3A_102 : memref<1x128x128xf32, #tpu.memory_space<vmem>> -> memref<128x128xf32, #tpu.memory_space<vmem>>
        %dma_wait3A_104 = arith.constant 0 : i32
        %dma_wait3A_105 = tpu.memref_slice %arg7[%add3A_98, %dma_wait3A_104] : memref<16x128xi32, #tpu.memory_space<vmem>> -> memref<1x128xi32, #tpu.memory_space<vmem>>
        %dma_wait3A_106 = tpu.memref_squeeze %dma_wait3A_105 : memref<1x128xi32, #tpu.memory_space<vmem>> -> memref<128xi32, #tpu.memory_space<vmem>>
        %dma_wait3A_107 = arith.constant 0 : i32
        %dma_wait3A_108 = arith.constant 0 : i32
        %dma_wait3A_109 = tpu.memref_slice %arg4[%dma_wait3A_107, %dma_wait3A_108] : memref<20480x128xf32, #tpu.memory_space<hbm>> -> memref<20480x128xf32, #tpu.memory_space<hbm>>
        tpu.wait_indirect_dma semaphore(%arg10 : memref<!tpu.dma_semaphore, #tpu.memory_space<semaphore_mem>>) src(%dma_wait3A_109 : memref<20480x128xf32, #tpu.memory_space<hbm>>) dst(%dma_wait3A_103 : memref<128x128xf32, #tpu.memory_space<vmem>>)
        %dma_start3A_110 = arith.constant 0 : i32
        %dma_start3A_111 = arith.constant 0 : i32
        %dma_start3A_112 = arith.constant 0 : i32
        %dma_start3A_113 = tpu.memref_slice %arg9[%dma_start3A_110, %dma_start3A_111, %dma_start3A_112] : memref<2x128x128xf32, #tpu.memory_space<vmem>> -> memref<1x128x128xf32, #tpu.memory_space<vmem>>
        %dma_start3A_114 = tpu.memref_squeeze %dma_start3A_113 : memref<1x128x128xf32, #tpu.memory_space<vmem>> -> memref<128x128xf32, #tpu.memory_space<vmem>>
        %dma_start3A_115 = arith.constant 0 : i32
        %dma_start3A_116 = tpu.memref_slice %arg8[%add3A_98, %dma_start3A_115] : memref<16x128xi32, #tpu.memory_space<vmem>> -> memref<1x128xi32, #tpu.memory_space<vmem>>
        %dma_start3A_117 = tpu.memref_squeeze %dma_start3A_116 : memref<1x128xi32, #tpu.memory_space<vmem>> -> memref<128xi32, #tpu.memory_space<vmem>>
        %dma_start3A_118 = arith.constant 0 : i32
        %dma_start3A_119 = arith.constant 0 : i32
        %dma_start3A_120 = tpu.memref_slice %arg6[%dma_start3A_118, %dma_start3A_119] : memref<10240x128xf32, #tpu.memory_space<vmem_shared>> -> memref<10240x128xf32, #tpu.memory_space<vmem_shared>>
        tpu.enqueue_indirect_dma source(%dma_start3A_114 : memref<128x128xf32, #tpu.memory_space<vmem>>) target(%dma_start3A_120 : memref<10240x128xf32, #tpu.memory_space<vmem_shared>>) offsets(%dma_start3A_117 : memref<128xi32, #tpu.memory_space<vmem>>) semaphore(%arg12 : memref<!tpu.dma_semaphore, #tpu.memory_space<semaphore_mem>>) {add = true}
        %add3A_121 = arith.constant 1 : i32
        %add3A_122 = arith.addi %add3A_98, %add3A_121 : i32
        %dma_wait3A_123 = arith.constant 1 : i32
        %dma_wait3A_124 = arith.constant 0 : i32
        %dma_wait3A_125 = arith.constant 0 : i32
        %dma_wait3A_126 = tpu.memref_slice %arg9[%dma_wait3A_123, %dma_wait3A_124, %dma_wait3A_125] : memref<2x128x128xf32, #tpu.memory_space<vmem>> -> memref<1x128x128xf32, #tpu.memory_space<vmem>>
        %dma_wait3A_127 = tpu.memref_squeeze %dma_wait3A_126 : memref<1x128x128xf32, #tpu.memory_space<vmem>> -> memref<128x128xf32, #tpu.memory_space<vmem>>
        %dma_wait3A_128 = arith.constant 0 : i32
        %dma_wait3A_129 = tpu.memref_slice %arg7[%add3A_122, %dma_wait3A_128] : memref<16x128xi32, #tpu.memory_space<vmem>> -> memref<1x128xi32, #tpu.memory_space<vmem>>
        %dma_wait3A_130 = tpu.memref_squeeze %dma_wait3A_129 : memref<1x128xi32, #tpu.memory_space<vmem>> -> memref<128xi32, #tpu.memory_space<vmem>>
        %dma_wait3A_131 = arith.constant 0 : i32
        %dma_wait3A_132 = arith.constant 0 : i32
        %dma_wait3A_133 = tpu.memref_slice %arg4[%dma_wait3A_131, %dma_wait3A_132] : memref<20480x128xf32, #tpu.memory_space<hbm>> -> memref<20480x128xf32, #tpu.memory_space<hbm>>
        tpu.wait_indirect_dma semaphore(%arg11 : memref<!tpu.dma_semaphore, #tpu.memory_space<semaphore_mem>>) src(%dma_wait3A_133 : memref<20480x128xf32, #tpu.memory_space<hbm>>) dst(%dma_wait3A_127 : memref<128x128xf32, #tpu.memory_space<vmem>>)
        %add3A_134 = arith.constant 1 : i32
        %add3A_135 = arith.addi %add3A_98, %add3A_134 : i32
        %dma_start3A_136 = arith.constant 1 : i32
        %dma_start3A_137 = arith.constant 0 : i32
        %dma_start3A_138 = arith.constant 0 : i32
        %dma_start3A_139 = tpu.memref_slice %arg9[%dma_start3A_136, %dma_start3A_137, %dma_start3A_138] : memref<2x128x128xf32, #tpu.memory_space<vmem>> -> memref<1x128x128xf32, #tpu.memory_space<vmem>>
        %dma_start3A_140 = tpu.memref_squeeze %dma_start3A_139 : memref<1x128x128xf32, #tpu.memory_space<vmem>> -> memref<128x128xf32, #tpu.memory_space<vmem>>
        %dma_start3A_141 = arith.constant 0 : i32
        %dma_start3A_142 = tpu.memref_slice %arg8[%add3A_135, %dma_start3A_141] : memref<16x128xi32, #tpu.memory_space<vmem>> -> memref<1x128xi32, #tpu.memory_space<vmem>>
        %dma_start3A_143 = tpu.memref_squeeze %dma_start3A_142 : memref<1x128xi32, #tpu.memory_space<vmem>> -> memref<128xi32, #tpu.memory_space<vmem>>
        %dma_start3A_144 = arith.constant 0 : i32
        %dma_start3A_145 = arith.constant 0 : i32
        %dma_start3A_146 = tpu.memref_slice %arg6[%dma_start3A_144, %dma_start3A_145] : memref<10240x128xf32, #tpu.memory_space<vmem_shared>> -> memref<10240x128xf32, #tpu.memory_space<vmem_shared>>
        tpu.enqueue_indirect_dma source(%dma_start3A_140 : memref<128x128xf32, #tpu.memory_space<vmem>>) target(%dma_start3A_146 : memref<10240x128xf32, #tpu.memory_space<vmem_shared>>) offsets(%dma_start3A_143 : memref<128xi32, #tpu.memory_space<vmem>>) semaphore(%arg13 : memref<!tpu.dma_semaphore, #tpu.memory_space<semaphore_mem>>) {add = true}
        %add3A_147 = arith.constant 2 : i32
        %add3A_148 = arith.addi %add3A_98, %add3A_147 : i32
        %lt3A = arith.constant 16 : i32
        %lt3A_149 = arith.cmpi slt, %add3A_148, %lt3A : i32
        %convert_element_type3A = arith.extui %lt3A_149 : i1 to i32
        %cond3A = arith.constant 0 : i32
        %cond3A_150 = arith.cmpi ne, %convert_element_type3A, %cond3A : i32
        scf.if %cond3A_150 {
          %dma_wait3A_151 = arith.constant 0 : i32
          %dma_wait3A_152 = arith.constant 0 : i32
          %dma_wait3A_153 = arith.constant 0 : i32
          %dma_wait3A_154 = tpu.memref_slice %arg9[%dma_wait3A_151, %dma_wait3A_152, %dma_wait3A_153] : memref<2x128x128xf32, #tpu.memory_space<vmem>> -> memref<1x128x128xf32, #tpu.memory_space<vmem>>
          %dma_wait3A_155 = tpu.memref_squeeze %dma_wait3A_154 : memref<1x128x128xf32, #tpu.memory_space<vmem>> -> memref<128x128xf32, #tpu.memory_space<vmem>>
          %dma_wait3A_156 = arith.constant 0 : i32
          %dma_wait3A_157 = tpu.memref_slice %arg8[%add3A_98, %dma_wait3A_156] : memref<16x128xi32, #tpu.memory_space<vmem>> -> memref<1x128xi32, #tpu.memory_space<vmem>>
          %dma_wait3A_158 = tpu.memref_squeeze %dma_wait3A_157 : memref<1x128xi32, #tpu.memory_space<vmem>> -> memref<128xi32, #tpu.memory_space<vmem>>
          %dma_wait3A_159 = arith.constant 0 : i32
          %dma_wait3A_160 = arith.constant 0 : i32
          %dma_wait3A_161 = tpu.memref_slice %arg6[%dma_wait3A_159, %dma_wait3A_160] : memref<10240x128xf32, #tpu.memory_space<vmem_shared>> -> memref<10240x128xf32, #tpu.memory_space<vmem_shared>>
          tpu.wait_indirect_dma semaphore(%arg12 : memref<!tpu.dma_semaphore, #tpu.memory_space<semaphore_mem>>) src(%dma_wait3A_155 : memref<128x128xf32, #tpu.memory_space<vmem>>) dst(%dma_wait3A_161 : memref<10240x128xf32, #tpu.memory_space<vmem_shared>>)
          %add3A_162 = arith.constant 2 : i32
          %add3A_163 = arith.addi %add3A_98, %add3A_162 : i32
          %dma_start3A_164 = arith.constant 0 : i32
          %dma_start3A_165 = arith.constant 0 : i32
          %dma_start3A_166 = arith.constant 0 : i32
          %dma_start3A_167 = tpu.memref_slice %arg9[%dma_start3A_164, %dma_start3A_165, %dma_start3A_166] : memref<2x128x128xf32, #tpu.memory_space<vmem>> -> memref<1x128x128xf32, #tpu.memory_space<vmem>>
          %dma_start3A_168 = tpu.memref_squeeze %dma_start3A_167 : memref<1x128x128xf32, #tpu.memory_space<vmem>> -> memref<128x128xf32, #tpu.memory_space<vmem>>
          %dma_start3A_169 = arith.constant 0 : i32
          %dma_start3A_170 = tpu.memref_slice %arg7[%add3A_163, %dma_start3A_169] : memref<16x128xi32, #tpu.memory_space<vmem>> -> memref<1x128xi32, #tpu.memory_space<vmem>>
          %dma_start3A_171 = tpu.memref_squeeze %dma_start3A_170 : memref<1x128xi32, #tpu.memory_space<vmem>> -> memref<128xi32, #tpu.memory_space<vmem>>
          %dma_start3A_172 = arith.constant 0 : i32
          %dma_start3A_173 = arith.constant 0 : i32
          %dma_start3A_174 = tpu.memref_slice %arg4[%dma_start3A_172, %dma_start3A_173] : memref<20480x128xf32, #tpu.memory_space<hbm>> -> memref<20480x128xf32, #tpu.memory_space<hbm>>
          tpu.enqueue_indirect_dma source(%dma_start3A_174 : memref<20480x128xf32, #tpu.memory_space<hbm>>) target(%dma_start3A_168 : memref<128x128xf32, #tpu.memory_space<vmem>>) offsets(%dma_start3A_171 : memref<128xi32, #tpu.memory_space<vmem>>) semaphore(%arg10 : memref<!tpu.dma_semaphore, #tpu.memory_space<semaphore_mem>>)
          %add3A_175 = arith.constant 1 : i32
          %add3A_176 = arith.addi %add3A_98, %add3A_175 : i32
          %dma_wait3A_177 = arith.constant 1 : i32
          %dma_wait3A_178 = arith.constant 0 : i32
          %dma_wait3A_179 = arith.constant 0 : i32
          %dma_wait3A_180 = tpu.memref_slice %arg9[%dma_wait3A_177, %dma_wait3A_178, %dma_wait3A_179] : memref<2x128x128xf32, #tpu.memory_space<vmem>> -> memref<1x128x128xf32, #tpu.memory_space<vmem>>
          %dma_wait3A_181 = tpu.memref_squeeze %dma_wait3A_180 : memref<1x128x128xf32, #tpu.memory_space<vmem>> -> memref<128x128xf32, #tpu.memory_space<vmem>>
          %dma_wait3A_182 = arith.constant 0 : i32
          %dma_wait3A_183 = tpu.memref_slice %arg8[%add3A_176, %dma_wait3A_182] : memref<16x128xi32, #tpu.memory_space<vmem>> -> memref<1x128xi32, #tpu.memory_space<vmem>>
          %dma_wait3A_184 = tpu.memref_squeeze %dma_wait3A_183 : memref<1x128xi32, #tpu.memory_space<vmem>> -> memref<128xi32, #tpu.memory_space<vmem>>
          %dma_wait3A_185 = arith.constant 0 : i32
          %dma_wait3A_186 = arith.constant 0 : i32
          %dma_wait3A_187 = tpu.memref_slice %arg6[%dma_wait3A_185, %dma_wait3A_186] : memref<10240x128xf32, #tpu.memory_space<vmem_shared>> -> memref<10240x128xf32, #tpu.memory_space<vmem_shared>>
          tpu.wait_indirect_dma semaphore(%arg13 : memref<!tpu.dma_semaphore, #tpu.memory_space<semaphore_mem>>) src(%dma_wait3A_181 : memref<128x128xf32, #tpu.memory_space<vmem>>) dst(%dma_wait3A_187 : memref<10240x128xf32, #tpu.memory_space<vmem_shared>>)
          %add3A_188 = arith.constant 3 : i32
          %add3A_189 = arith.addi %add3A_98, %add3A_188 : i32
          %dma_start3A_190 = arith.constant 1 : i32
          %dma_start3A_191 = arith.constant 0 : i32
          %dma_start3A_192 = arith.constant 0 : i32
          %dma_start3A_193 = tpu.memref_slice %arg9[%dma_start3A_190, %dma_start3A_191, %dma_start3A_192] : memref<2x128x128xf32, #tpu.memory_space<vmem>> -> memref<1x128x128xf32, #tpu.memory_space<vmem>>
          %dma_start3A_194 = tpu.memref_squeeze %dma_start3A_193 : memref<1x128x128xf32, #tpu.memory_space<vmem>> -> memref<128x128xf32, #tpu.memory_space<vmem>>
          %dma_start3A_195 = arith.constant 0 : i32
          %dma_start3A_196 = tpu.memref_slice %arg7[%add3A_189, %dma_start3A_195] : memref<16x128xi32, #tpu.memory_space<vmem>> -> memref<1x128xi32, #tpu.memory_space<vmem>>
          %dma_start3A_197 = tpu.memref_squeeze %dma_start3A_196 : memref<1x128xi32, #tpu.memory_space<vmem>> -> memref<128xi32, #tpu.memory_space<vmem>>
          %dma_start3A_198 = arith.constant 0 : i32
          %dma_start3A_199 = arith.constant 0 : i32
          %dma_start3A_200 = tpu.memref_slice %arg4[%dma_start3A_198, %dma_start3A_199] : memref<20480x128xf32, #tpu.memory_space<hbm>> -> memref<20480x128xf32, #tpu.memory_space<hbm>>
          tpu.enqueue_indirect_dma source(%dma_start3A_200 : memref<20480x128xf32, #tpu.memory_space<hbm>>) target(%dma_start3A_194 : memref<128x128xf32, #tpu.memory_space<vmem>>) offsets(%dma_start3A_197 : memref<128xi32, #tpu.memory_space<vmem>>) semaphore(%arg11 : memref<!tpu.dma_semaphore, #tpu.memory_space<semaphore_mem>>)
        } else {
        }
      }
      %scan3A_70 = arith.constant 8 : i32
      %dma_wait3A = arith.constant 0 : i32
      %dma_wait3A_71 = arith.constant 14 : i32
      %dma_wait3A_72 = arith.constant 0 : i32
      %dma_wait3A_73 = arith.constant 0 : i32
      %dma_wait3A_74 = tpu.memref_slice %arg9[%dma_wait3A, %dma_wait3A_72, %dma_wait3A_73] : memref<2x128x128xf32, #tpu.memory_space<vmem>> -> memref<1x128x128xf32, #tpu.memory_space<vmem>>
      %dma_wait3A_75 = tpu.memref_squeeze %dma_wait3A_74 : memref<1x128x128xf32, #tpu.memory_space<vmem>> -> memref<128x128xf32, #tpu.memory_space<vmem>>
      %dma_wait3A_76 = arith.constant 0 : i32
      %dma_wait3A_77 = tpu.memref_slice %arg8[%dma_wait3A_71, %dma_wait3A_76] : memref<16x128xi32, #tpu.memory_space<vmem>> -> memref<1x128xi32, #tpu.memory_space<vmem>>
      %dma_wait3A_78 = tpu.memref_squeeze %dma_wait3A_77 : memref<1x128xi32, #tpu.memory_space<vmem>> -> memref<128xi32, #tpu.memory_space<vmem>>
      %dma_wait3A_79 = arith.constant 0 : i32
      %dma_wait3A_80 = arith.constant 0 : i32
      %dma_wait3A_81 = tpu.memref_slice %arg6[%dma_wait3A_79, %dma_wait3A_80] : memref<10240x128xf32, #tpu.memory_space<vmem_shared>> -> memref<10240x128xf32, #tpu.memory_space<vmem_shared>>
      tpu.wait_indirect_dma semaphore(%arg12 : memref<!tpu.dma_semaphore, #tpu.memory_space<semaphore_mem>>) src(%dma_wait3A_75 : memref<128x128xf32, #tpu.memory_space<vmem>>) dst(%dma_wait3A_81 : memref<10240x128xf32, #tpu.memory_space<vmem_shared>>)
      %dma_wait3A_82 = arith.constant 1 : i32
      %dma_wait3A_83 = arith.constant 15 : i32
      %dma_wait3A_84 = arith.constant 0 : i32
      %dma_wait3A_85 = arith.constant 0 : i32
      %dma_wait3A_86 = tpu.memref_slice %arg9[%dma_wait3A_82, %dma_wait3A_84, %dma_wait3A_85] : memref<2x128x128xf32, #tpu.memory_space<vmem>> -> memref<1x128x128xf32, #tpu.memory_space<vmem>>
      %dma_wait3A_87 = tpu.memref_squeeze %dma_wait3A_86 : memref<1x128x128xf32, #tpu.memory_space<vmem>> -> memref<128x128xf32, #tpu.memory_space<vmem>>
      %dma_wait3A_88 = arith.constant 0 : i32
      %dma_wait3A_89 = tpu.memref_slice %arg8[%dma_wait3A_83, %dma_wait3A_88] : memref<16x128xi32, #tpu.memory_space<vmem>> -> memref<1x128xi32, #tpu.memory_space<vmem>>
      %dma_wait3A_90 = tpu.memref_squeeze %dma_wait3A_89 : memref<1x128xi32, #tpu.memory_space<vmem>> -> memref<128xi32, #tpu.memory_space<vmem>>
      %dma_wait3A_91 = arith.constant 0 : i32
      %dma_wait3A_92 = arith.constant 0 : i32
      %dma_wait3A_93 = tpu.memref_slice %arg6[%dma_wait3A_91, %dma_wait3A_92] : memref<10240x128xf32, #tpu.memory_space<vmem_shared>> -> memref<10240x128xf32, #tpu.memory_space<vmem_shared>>
      tpu.wait_indirect_dma semaphore(%arg13 : memref<!tpu.dma_semaphore, #tpu.memory_space<semaphore_mem>>) src(%dma_wait3A_87 : memref<128x128xf32, #tpu.memory_space<vmem>>) dst(%dma_wait3A_93 : memref<10240x128xf32, #tpu.memory_space<vmem_shared>>)
    }
    %scan3A_19 = arith.constant 5 : i32
    %barrier3A_20 = arith.constant 0 : index
    tpu.barrier barrier_id(%barrier3A_20)
    %mul3A_21 = arith.constant 640 : i32
    %mul3A_22 = arith.muli %arg1, %mul3A_21 : i32
    %mul3A_23 = arith.constant 10240 : i32
    %mul3A_24 = arith.muli %add3A_4, %mul3A_23 : i32
    %mul3A_25 = arith.constant 640 : i32
    %mul3A_26 = arith.muli %arg1, %mul3A_25 : i32
    %add3A_27 = arith.addi %mul3A_24, %mul3A_26 : i32
    "tpu.region"() ({
      %run_scoped3A = tpu.sem_alloc : memref<!tpu.dma_semaphore, #tpu.memory_space<semaphore_mem>>
      %dma_start3A = arith.constant 0 : i32
      %dma_start3A_29 = tpu.memref_slice %arg5[%add3A_27, %dma_start3A] : memref<20480x128xf32, #tpu.memory_space<hbm>> -> memref<640x128xf32, #tpu.memory_space<hbm>>
      %dma_start3A_30 = arith.constant 0 : i32
      %dma_start3A_31 = tpu.memref_slice %arg6[%mul3A_22, %dma_start3A_30] : memref<10240x128xf32, #tpu.memory_space<vmem_shared>> -> memref<640x128xf32, #tpu.memory_space<vmem_shared>>
      tpu.enqueue_dma source(%dma_start3A_31 : memref<640x128xf32, #tpu.memory_space<vmem_shared>>) target(%dma_start3A_29 : memref<640x128xf32, #tpu.memory_space<hbm>>) target_semaphore(%run_scoped3A : memref<!tpu.dma_semaphore, #tpu.memory_space<semaphore_mem>>)
      %dma_wait3A = arith.constant 0 : i32
      %dma_wait3A_32 = tpu.memref_slice %arg5[%add3A_27, %dma_wait3A] : memref<20480x128xf32, #tpu.memory_space<hbm>> -> memref<640x128xf32, #tpu.memory_space<hbm>>
      %dma_wait3A_33 = arith.constant 0 : i32
      %dma_wait3A_34 = tpu.memref_slice %arg6[%mul3A_22, %dma_wait3A_33] : memref<10240x128xf32, #tpu.memory_space<vmem_shared>> -> memref<640x128xf32, #tpu.memory_space<vmem_shared>>
      tpu.wait_dma2 semaphore(%run_scoped3A : memref<!tpu.dma_semaphore, #tpu.memory_space<semaphore_mem>>) src(%dma_wait3A_34 : memref<640x128xf32, #tpu.memory_space<vmem_shared>>) dst(%dma_wait3A_32 : memref<640x128xf32, #tpu.memory_space<hbm>>)
      tpu.yield
    }) : () -> ()
    %scan3A_28 = arith.constant 1 : i32
    return
  }
}

#map = affine_map<(d0, d1) -> (0, 0)>
module attributes {stable_mosaic.version = 14 : i64} {
  func.func @agg_kernel(%arg0: i32, %arg1: i32, %arg2: memref<5120x128xi32, #tpu.memory_space<hbm>>, %arg3: memref<1280x128xi32, #tpu.memory_space<hbm>>, %arg4: memref<40960x128xf32, #tpu.memory_space<hbm>>, %arg5: memref<40960x128xf32, #tpu.memory_space<hbm>>, %arg6: memref<10240x128xf32, #tpu.memory_space<vmem_shared>>, %arg7: memref<16x128xi32, #tpu.memory_space<vmem>>, %arg8: memref<16x128xi32, #tpu.memory_space<vmem>>, %arg9: memref<2x128x128xf32, #tpu.memory_space<vmem>>, %arg10: memref<!tpu.dma_semaphore, #tpu.memory_space<semaphore_mem>>, %arg11: memref<!tpu.dma_semaphore, #tpu.memory_space<semaphore_mem>>, %arg12: memref<!tpu.dma_semaphore, #tpu.memory_space<semaphore_mem>>, %arg13: memref<!tpu.dma_semaphore, #tpu.memory_space<semaphore_mem>>) attributes {dimension_semantics = [#tpu.dimension_semantics<core_parallel>, #tpu.dimension_semantics<subcore_parallel>], iteration_bounds = array<i64: 2, 16>, scalar_prefetch = 0 : i64, scratch_operands = 8 : i64, tpu.core_type = #tpu.core_type<sc_vector_subcore>, window_params = [{transform_indices = #map}, {transform_indices = #map}, {transform_indices = #map}, {transform_indices = #map}]} {
    %scan3A = arith.constant 0 : i32
    %scan3A_0 = arith.constant 2 : i32
    %scan3A_1 = arith.addi %scan3A, %scan3A_0 : i32
    %scan3A_2 = arith.constant 1 : i32
    scf.for %scan3A_4 = %scan3A to %scan3A_1 step %scan3A_2  : i32 {
      %mul3A = arith.constant 1 : i32
      %mul3A_5 = arith.muli %scan3A_4, %mul3A : i32
      %add3A = arith.constant 0 : i32
      %add3A_6 = arith.addi %add3A, %mul3A_5 : i32
      %mul3A_7 = arith.constant 2 : i32
      %mul3A_8 = arith.muli %arg0, %mul3A_7 : i32
      %add3A_9 = arith.addi %mul3A_8, %add3A_6 : i32
      %scan3A_10 = arith.constant 0 : i32
      %scan3A_11 = arith.constant 128 : i32
      %scan3A_12 = arith.addi %scan3A_10, %scan3A_11 : i32
      %scan3A_13 = arith.constant 1 : i32
      scf.for %scan3A_33 = %scan3A_10 to %scan3A_12 step %scan3A_13  : i32 {
        %mul3A_34 = arith.constant 1 : i32
        %mul3A_35 = arith.muli %scan3A_33, %mul3A_34 : i32
        %add3A_36 = arith.constant 0 : i32
        %add3A_37 = arith.addi %add3A_36, %mul3A_35 : i32
        %scan3A_38 = arith.constant 0 : i32
        %scan3A_39 = arith.constant 8 : i32
        %scan3A_40 = arith.addi %scan3A_38, %scan3A_39 : i32
        %scan3A_41 = arith.constant 1 : i32
        scf.for %scan3A_43 = %scan3A_38 to %scan3A_40 step %scan3A_41  : i32 {
          %mul3A_44 = arith.constant 1 : i32
          %mul3A_45 = arith.muli %scan3A_43, %mul3A_44 : i32
          %add3A_46 = arith.constant 0 : i32
          %add3A_47 = arith.addi %add3A_46, %mul3A_45 : i32
          %broadcast_in_dim3A = arith.constant 0.000000e+00 : f32
          %broadcast_in_dim3A_48 = vector.broadcast %broadcast_in_dim3A : f32 to vector<16xf32>
          %mul3A_49 = arith.constant 16 : i32
          %mul3A_50 = arith.muli %add3A_47, %mul3A_49 : i32
          %swap3A = arith.constant 0 : i32
          %swap3A_51 = arith.index_cast %swap3A : i32 to index
          %swap3A_52 = arith.index_cast %add3A_37 : i32 to index
          %swap3A_53 = arith.index_cast %mul3A_50 : i32 to index
          %swap3A_54 = tpu.vector_load %arg9[%swap3A_51, %swap3A_52, %swap3A_53] {strides = array<i32>} : memref<2x128x128xf32, #tpu.memory_space<vmem>>, vector<16xf32>,
          tpu.vector_store %arg9[%swap3A_51, %swap3A_52, %swap3A_53], %broadcast_in_dim3A_48 {strides = array<i32>} : memref<2x128x128xf32, #tpu.memory_space<vmem>>, vector<16xf32>,
        }
        %scan3A_42 = arith.constant 8 : i32
      }
      %scan3A_14 = arith.constant 128 : i32
      %scan3A_15 = arith.constant 0 : i32
      %scan3A_16 = arith.constant 5 : i32
      %scan3A_17 = arith.addi %scan3A_15, %scan3A_16 : i32
      %scan3A_18 = arith.constant 1 : i32
      scf.for %scan3A_33 = %scan3A_15 to %scan3A_17 step %scan3A_18  : i32 {
        %mul3A_34 = arith.constant 1 : i32
        %mul3A_35 = arith.muli %scan3A_33, %mul3A_34 : i32
        %add3A_36 = arith.constant 0 : i32
        %add3A_37 = arith.addi %add3A_36, %mul3A_35 : i32
        %mul3A_38 = arith.constant 640 : i32
        %mul3A_39 = arith.muli %arg1, %mul3A_38 : i32
        %mul3A_40 = arith.constant 128 : i32
        %mul3A_41 = arith.muli %add3A_37, %mul3A_40 : i32
        %add3A_42 = arith.addi %mul3A_39, %mul3A_41 : i32
        %run_scoped3A = arith.constant 0 : i32
        "tpu.region"() ({
          %run_scoped3A_43 = tpu.sem_alloc : memref<!tpu.dma_semaphore, #tpu.memory_space<semaphore_mem>>
          %dma_start3A = arith.constant 0 : i32
          %dma_start3A_44 = arith.constant 0 : i32
          %dma_start3A_45 = tpu.memref_slice %arg9[%run_scoped3A, %dma_start3A, %dma_start3A_44] : memref<2x128x128xf32, #tpu.memory_space<vmem>> -> memref<1x128x128xf32, #tpu.memory_space<vmem>>
          %dma_start3A_46 = tpu.memref_squeeze %dma_start3A_45 : memref<1x128x128xf32, #tpu.memory_space<vmem>> -> memref<128x128xf32, #tpu.memory_space<vmem>>
          %dma_start3A_47 = arith.constant 0 : i32
          %dma_start3A_48 = tpu.memref_slice %arg6[%add3A_42, %dma_start3A_47] : memref<10240x128xf32, #tpu.memory_space<vmem_shared>> -> memref<128x128xf32, #tpu.memory_space<vmem_shared>>
          %dma_start3A_49 = arith.constant 0 : i32
          %dma_start3A_50 = tpu.memref_slice %arg6[%add3A_42, %dma_start3A_49] : memref<10240x128xf32, #tpu.memory_space<vmem_shared>> -> memref<128x128xf32, #tpu.memory_space<vmem_shared>>
          %dma_start3A_51 = arith.constant 0 : i32
          %dma_start3A_52 = arith.constant 0 : i32
          %dma_start3A_53 = tpu.memref_slice %arg9[%run_scoped3A, %dma_start3A_51, %dma_start3A_52] : memref<2x128x128xf32, #tpu.memory_space<vmem>> -> memref<1x128x128xf32, #tpu.memory_space<vmem>>
          %dma_start3A_54 = tpu.memref_squeeze %dma_start3A_53 : memref<1x128x128xf32, #tpu.memory_space<vmem>> -> memref<128x128xf32, #tpu.memory_space<vmem>>
          tpu.enqueue_dma source(%dma_start3A_54 : memref<128x128xf32, #tpu.memory_space<vmem>>) target(%dma_start3A_50 : memref<128x128xf32, #tpu.memory_space<vmem_shared>>) target_semaphore(%run_scoped3A_43 : memref<!tpu.dma_semaphore, #tpu.memory_space<semaphore_mem>>)
          %dma_wait3A = arith.constant 0 : i32
          %dma_wait3A_55 = arith.constant 0 : i32
          %dma_wait3A_56 = tpu.memref_slice %arg9[%run_scoped3A, %dma_wait3A, %dma_wait3A_55] : memref<2x128x128xf32, #tpu.memory_space<vmem>> -> memref<1x128x128xf32, #tpu.memory_space<vmem>>
          %dma_wait3A_57 = tpu.memref_squeeze %dma_wait3A_56 : memref<1x128x128xf32, #tpu.memory_space<vmem>> -> memref<128x128xf32, #tpu.memory_space<vmem>>
          %dma_wait3A_58 = arith.constant 0 : i32
          %dma_wait3A_59 = tpu.memref_slice %arg6[%add3A_42, %dma_wait3A_58] : memref<10240x128xf32, #tpu.memory_space<vmem_shared>> -> memref<128x128xf32, #tpu.memory_space<vmem_shared>>
          %dma_wait3A_60 = arith.constant 0 : i32
          %dma_wait3A_61 = tpu.memref_slice %arg6[%add3A_42, %dma_wait3A_60] : memref<10240x128xf32, #tpu.memory_space<vmem_shared>> -> memref<128x128xf32, #tpu.memory_space<vmem_shared>>
          %dma_wait3A_62 = arith.constant 0 : i32
          %dma_wait3A_63 = arith.constant 0 : i32
          %dma_wait3A_64 = tpu.memref_slice %arg9[%run_scoped3A, %dma_wait3A_62, %dma_wait3A_63] : memref<2x128x128xf32, #tpu.memory_space<vmem>> -> memref<1x128x128xf32, #tpu.memory_space<vmem>>
          %dma_wait3A_65 = tpu.memref_squeeze %dma_wait3A_64 : memref<1x128x128xf32, #tpu.memory_space<vmem>> -> memref<128x128xf32, #tpu.memory_space<vmem>>
          tpu.wait_dma2 semaphore(%run_scoped3A_43 : memref<!tpu.dma_semaphore, #tpu.memory_space<semaphore_mem>>) src(%dma_wait3A_65 : memref<128x128xf32, #tpu.memory_space<vmem>>) dst(%dma_wait3A_61 : memref<128x128xf32, #tpu.memory_space<vmem_shared>>)
          tpu.yield
        }) : () -> ()
      }
      %scan3A_19 = arith.constant 5 : i32
      %barrier3A = arith.constant 0 : index
      tpu.barrier barrier_id(%barrier3A)
      %scan3A_20 = arith.constant 0 : i32
      %scan3A_21 = arith.constant 5 : i32
      %scan3A_22 = arith.addi %scan3A_20, %scan3A_21 : i32
      %scan3A_23 = arith.constant 1 : i32
      scf.for %scan3A_33 = %scan3A_20 to %scan3A_22 step %scan3A_23  : i32 {
        %mul3A_34 = arith.constant 16 : i32
        %mul3A_35 = arith.muli %scan3A_33, %mul3A_34 : i32
        %add3A_36 = arith.constant 0 : i32
        %add3A_37 = arith.addi %add3A_36, %mul3A_35 : i32
        %mul3A_38 = arith.constant 1280 : i32
        %mul3A_39 = arith.muli %add3A_9, %mul3A_38 : i32
        %mul3A_40 = arith.constant 80 : i32
        %mul3A_41 = arith.muli %arg1, %mul3A_40 : i32
        %add3A_42 = arith.addi %mul3A_39, %mul3A_41 : i32
        %add3A_43 = arith.addi %add3A_42, %add3A_37 : i32
        "tpu.region"() ({
          %run_scoped3A = tpu.sem_alloc : memref<!tpu.dma_semaphore, #tpu.memory_space<semaphore_mem>>
          %dma_start3A_98 = arith.constant 0 : i32
          %dma_start3A_99 = tpu.memref_slice %arg2[%add3A_43, %dma_start3A_98] : memref<5120x128xi32, #tpu.memory_space<hbm>> -> memref<16x128xi32, #tpu.memory_space<hbm>>
          %dma_start3A_100 = arith.constant 0 : i32
          %dma_start3A_101 = tpu.memref_slice %arg2[%add3A_43, %dma_start3A_100] : memref<5120x128xi32, #tpu.memory_space<hbm>> -> memref<16x128xi32, #tpu.memory_space<hbm>>
          tpu.enqueue_dma source(%dma_start3A_101 : memref<16x128xi32, #tpu.memory_space<hbm>>) target(%arg7 : memref<16x128xi32, #tpu.memory_space<vmem>>) target_semaphore(%run_scoped3A : memref<!tpu.dma_semaphore, #tpu.memory_space<semaphore_mem>>)
          %dma_wait3A_102 = arith.constant 0 : i32
          %dma_wait3A_103 = tpu.memref_slice %arg2[%add3A_43, %dma_wait3A_102] : memref<5120x128xi32, #tpu.memory_space<hbm>> -> memref<16x128xi32, #tpu.memory_space<hbm>>
          %dma_wait3A_104 = arith.constant 0 : i32
          %dma_wait3A_105 = tpu.memref_slice %arg2[%add3A_43, %dma_wait3A_104] : memref<5120x128xi32, #tpu.memory_space<hbm>> -> memref<16x128xi32, #tpu.memory_space<hbm>>
          tpu.wait_dma2 semaphore(%run_scoped3A : memref<!tpu.dma_semaphore, #tpu.memory_space<semaphore_mem>>) src(%dma_wait3A_105 : memref<16x128xi32, #tpu.memory_space<hbm>>) dst(%arg7 : memref<16x128xi32, #tpu.memory_space<vmem>>)
          tpu.yield
        }) : () -> ()
        %mul3A_44 = arith.constant 80 : i32
        %mul3A_45 = arith.muli %arg1, %mul3A_44 : i32
        %add3A_46 = arith.addi %mul3A_45, %add3A_37 : i32
        "tpu.region"() ({
          %run_scoped3A = tpu.sem_alloc : memref<!tpu.dma_semaphore, #tpu.memory_space<semaphore_mem>>
          %dma_start3A_98 = arith.constant 0 : i32
          %dma_start3A_99 = tpu.memref_slice %arg3[%add3A_46, %dma_start3A_98] : memref<1280x128xi32, #tpu.memory_space<hbm>> -> memref<16x128xi32, #tpu.memory_space<hbm>>
          %dma_start3A_100 = arith.constant 0 : i32
          %dma_start3A_101 = tpu.memref_slice %arg3[%add3A_46, %dma_start3A_100] : memref<1280x128xi32, #tpu.memory_space<hbm>> -> memref<16x128xi32, #tpu.memory_space<hbm>>
          tpu.enqueue_dma source(%dma_start3A_101 : memref<16x128xi32, #tpu.memory_space<hbm>>) target(%arg8 : memref<16x128xi32, #tpu.memory_space<vmem>>) target_semaphore(%run_scoped3A : memref<!tpu.dma_semaphore, #tpu.memory_space<semaphore_mem>>)
          %dma_wait3A_102 = arith.constant 0 : i32
          %dma_wait3A_103 = tpu.memref_slice %arg3[%add3A_46, %dma_wait3A_102] : memref<1280x128xi32, #tpu.memory_space<hbm>> -> memref<16x128xi32, #tpu.memory_space<hbm>>
          %dma_wait3A_104 = arith.constant 0 : i32
          %dma_wait3A_105 = tpu.memref_slice %arg3[%add3A_46, %dma_wait3A_104] : memref<1280x128xi32, #tpu.memory_space<hbm>> -> memref<16x128xi32, #tpu.memory_space<hbm>>
          tpu.wait_dma2 semaphore(%run_scoped3A : memref<!tpu.dma_semaphore, #tpu.memory_space<semaphore_mem>>) src(%dma_wait3A_105 : memref<16x128xi32, #tpu.memory_space<hbm>>) dst(%arg8 : memref<16x128xi32, #tpu.memory_space<vmem>>)
          tpu.yield
        }) : () -> ()
        %dma_start3A = arith.constant 0 : i32
        %dma_start3A_47 = arith.constant 0 : i32
        %dma_start3A_48 = arith.constant 0 : i32
        %dma_start3A_49 = arith.constant 0 : i32
        %dma_start3A_50 = tpu.memref_slice %arg9[%dma_start3A_47, %dma_start3A_48, %dma_start3A_49] : memref<2x128x128xf32, #tpu.memory_space<vmem>> -> memref<1x128x128xf32, #tpu.memory_space<vmem>>
        %dma_start3A_51 = tpu.memref_squeeze %dma_start3A_50 : memref<1x128x128xf32, #tpu.memory_space<vmem>> -> memref<128x128xf32, #tpu.memory_space<vmem>>
        %dma_start3A_52 = arith.constant 0 : i32
        %dma_start3A_53 = tpu.memref_slice %arg7[%dma_start3A, %dma_start3A_52] : memref<16x128xi32, #tpu.memory_space<vmem>> -> memref<1x128xi32, #tpu.memory_space<vmem>>
        %dma_start3A_54 = tpu.memref_squeeze %dma_start3A_53 : memref<1x128xi32, #tpu.memory_space<vmem>> -> memref<128xi32, #tpu.memory_space<vmem>>
        %dma_start3A_55 = arith.constant 0 : i32
        %dma_start3A_56 = arith.constant 0 : i32
        %dma_start3A_57 = tpu.memref_slice %arg4[%dma_start3A_55, %dma_start3A_56] : memref<40960x128xf32, #tpu.memory_space<hbm>> -> memref<40960x128xf32, #tpu.memory_space<hbm>>
        tpu.enqueue_indirect_dma source(%dma_start3A_57 : memref<40960x128xf32, #tpu.memory_space<hbm>>) target(%dma_start3A_51 : memref<128x128xf32, #tpu.memory_space<vmem>>) offsets(%dma_start3A_54 : memref<128xi32, #tpu.memory_space<vmem>>) semaphore(%arg10 : memref<!tpu.dma_semaphore, #tpu.memory_space<semaphore_mem>>)
        %dma_start3A_58 = arith.constant 1 : i32
        %dma_start3A_59 = arith.constant 1 : i32
        %dma_start3A_60 = arith.constant 0 : i32
        %dma_start3A_61 = arith.constant 0 : i32
        %dma_start3A_62 = tpu.memref_slice %arg9[%dma_start3A_59, %dma_start3A_60, %dma_start3A_61] : memref<2x128x128xf32, #tpu.memory_space<vmem>> -> memref<1x128x128xf32, #tpu.memory_space<vmem>>
        %dma_start3A_63 = tpu.memref_squeeze %dma_start3A_62 : memref<1x128x128xf32, #tpu.memory_space<vmem>> -> memref<128x128xf32, #tpu.memory_space<vmem>>
        %dma_start3A_64 = arith.constant 0 : i32
        %dma_start3A_65 = tpu.memref_slice %arg7[%dma_start3A_58, %dma_start3A_64] : memref<16x128xi32, #tpu.memory_space<vmem>> -> memref<1x128xi32, #tpu.memory_space<vmem>>
        %dma_start3A_66 = tpu.memref_squeeze %dma_start3A_65 : memref<1x128xi32, #tpu.memory_space<vmem>> -> memref<128xi32, #tpu.memory_space<vmem>>
        %dma_start3A_67 = arith.constant 0 : i32
        %dma_start3A_68 = arith.constant 0 : i32
        %dma_start3A_69 = tpu.memref_slice %arg4[%dma_start3A_67, %dma_start3A_68] : memref<40960x128xf32, #tpu.memory_space<hbm>> -> memref<40960x128xf32, #tpu.memory_space<hbm>>
        tpu.enqueue_indirect_dma source(%dma_start3A_69 : memref<40960x128xf32, #tpu.memory_space<hbm>>) target(%dma_start3A_63 : memref<128x128xf32, #tpu.memory_space<vmem>>) offsets(%dma_start3A_66 : memref<128xi32, #tpu.memory_space<vmem>>) semaphore(%arg11 : memref<!tpu.dma_semaphore, #tpu.memory_space<semaphore_mem>>)
        %scan3A_70 = arith.constant 0 : i32
        %scan3A_71 = arith.constant 8 : i32
        %scan3A_72 = arith.addi %scan3A_70, %scan3A_71 : i32
        %scan3A_73 = arith.constant 1 : i32
        scf.for %scan3A_98 = %scan3A_70 to %scan3A_72 step %scan3A_73  : i32 {
          %mul3A_99 = arith.constant 2 : i32
          %mul3A_100 = arith.muli %scan3A_98, %mul3A_99 : i32
          %add3A_101 = arith.constant 0 : i32
          %add3A_102 = arith.addi %add3A_101, %mul3A_100 : i32
          %dma_wait3A_103 = arith.constant 0 : i32
          %dma_wait3A_104 = arith.constant 0 : i32
          %dma_wait3A_105 = arith.constant 0 : i32
          %dma_wait3A_106 = tpu.memref_slice %arg9[%dma_wait3A_103, %dma_wait3A_104, %dma_wait3A_105] : memref<2x128x128xf32, #tpu.memory_space<vmem>> -> memref<1x128x128xf32, #tpu.memory_space<vmem>>
          %dma_wait3A_107 = tpu.memref_squeeze %dma_wait3A_106 : memref<1x128x128xf32, #tpu.memory_space<vmem>> -> memref<128x128xf32, #tpu.memory_space<vmem>>
          %dma_wait3A_108 = arith.constant 0 : i32
          %dma_wait3A_109 = tpu.memref_slice %arg7[%add3A_102, %dma_wait3A_108] : memref<16x128xi32, #tpu.memory_space<vmem>> -> memref<1x128xi32, #tpu.memory_space<vmem>>
          %dma_wait3A_110 = tpu.memref_squeeze %dma_wait3A_109 : memref<1x128xi32, #tpu.memory_space<vmem>> -> memref<128xi32, #tpu.memory_space<vmem>>
          %dma_wait3A_111 = arith.constant 0 : i32
          %dma_wait3A_112 = arith.constant 0 : i32
          %dma_wait3A_113 = tpu.memref_slice %arg4[%dma_wait3A_111, %dma_wait3A_112] : memref<40960x128xf32, #tpu.memory_space<hbm>> -> memref<40960x128xf32, #tpu.memory_space<hbm>>
          tpu.wait_indirect_dma semaphore(%arg10 : memref<!tpu.dma_semaphore, #tpu.memory_space<semaphore_mem>>) src(%dma_wait3A_113 : memref<40960x128xf32, #tpu.memory_space<hbm>>) dst(%dma_wait3A_107 : memref<128x128xf32, #tpu.memory_space<vmem>>)
          %dma_start3A_114 = arith.constant 0 : i32
          %dma_start3A_115 = arith.constant 0 : i32
          %dma_start3A_116 = arith.constant 0 : i32
          %dma_start3A_117 = tpu.memref_slice %arg9[%dma_start3A_114, %dma_start3A_115, %dma_start3A_116] : memref<2x128x128xf32, #tpu.memory_space<vmem>> -> memref<1x128x128xf32, #tpu.memory_space<vmem>>
          %dma_start3A_118 = tpu.memref_squeeze %dma_start3A_117 : memref<1x128x128xf32, #tpu.memory_space<vmem>> -> memref<128x128xf32, #tpu.memory_space<vmem>>
          %dma_start3A_119 = arith.constant 0 : i32
          %dma_start3A_120 = tpu.memref_slice %arg8[%add3A_102, %dma_start3A_119] : memref<16x128xi32, #tpu.memory_space<vmem>> -> memref<1x128xi32, #tpu.memory_space<vmem>>
          %dma_start3A_121 = tpu.memref_squeeze %dma_start3A_120 : memref<1x128xi32, #tpu.memory_space<vmem>> -> memref<128xi32, #tpu.memory_space<vmem>>
          %dma_start3A_122 = arith.constant 0 : i32
          %dma_start3A_123 = arith.constant 0 : i32
          %dma_start3A_124 = tpu.memref_slice %arg6[%dma_start3A_122, %dma_start3A_123] : memref<10240x128xf32, #tpu.memory_space<vmem_shared>> -> memref<10240x128xf32, #tpu.memory_space<vmem_shared>>
          tpu.enqueue_indirect_dma source(%dma_start3A_118 : memref<128x128xf32, #tpu.memory_space<vmem>>) target(%dma_start3A_124 : memref<10240x128xf32, #tpu.memory_space<vmem_shared>>) offsets(%dma_start3A_121 : memref<128xi32, #tpu.memory_space<vmem>>) semaphore(%arg12 : memref<!tpu.dma_semaphore, #tpu.memory_space<semaphore_mem>>) {add = true}
          %add3A_125 = arith.constant 1 : i32
          %add3A_126 = arith.addi %add3A_102, %add3A_125 : i32
          %dma_wait3A_127 = arith.constant 1 : i32
          %dma_wait3A_128 = arith.constant 0 : i32
          %dma_wait3A_129 = arith.constant 0 : i32
          %dma_wait3A_130 = tpu.memref_slice %arg9[%dma_wait3A_127, %dma_wait3A_128, %dma_wait3A_129] : memref<2x128x128xf32, #tpu.memory_space<vmem>> -> memref<1x128x128xf32, #tpu.memory_space<vmem>>
          %dma_wait3A_131 = tpu.memref_squeeze %dma_wait3A_130 : memref<1x128x128xf32, #tpu.memory_space<vmem>> -> memref<128x128xf32, #tpu.memory_space<vmem>>
          %dma_wait3A_132 = arith.constant 0 : i32
          %dma_wait3A_133 = tpu.memref_slice %arg7[%add3A_126, %dma_wait3A_132] : memref<16x128xi32, #tpu.memory_space<vmem>> -> memref<1x128xi32, #tpu.memory_space<vmem>>
          %dma_wait3A_134 = tpu.memref_squeeze %dma_wait3A_133 : memref<1x128xi32, #tpu.memory_space<vmem>> -> memref<128xi32, #tpu.memory_space<vmem>>
          %dma_wait3A_135 = arith.constant 0 : i32
          %dma_wait3A_136 = arith.constant 0 : i32
          %dma_wait3A_137 = tpu.memref_slice %arg4[%dma_wait3A_135, %dma_wait3A_136] : memref<40960x128xf32, #tpu.memory_space<hbm>> -> memref<40960x128xf32, #tpu.memory_space<hbm>>
          tpu.wait_indirect_dma semaphore(%arg11 : memref<!tpu.dma_semaphore, #tpu.memory_space<semaphore_mem>>) src(%dma_wait3A_137 : memref<40960x128xf32, #tpu.memory_space<hbm>>) dst(%dma_wait3A_131 : memref<128x128xf32, #tpu.memory_space<vmem>>)
          %add3A_138 = arith.constant 1 : i32
          %add3A_139 = arith.addi %add3A_102, %add3A_138 : i32
          %dma_start3A_140 = arith.constant 1 : i32
          %dma_start3A_141 = arith.constant 0 : i32
          %dma_start3A_142 = arith.constant 0 : i32
          %dma_start3A_143 = tpu.memref_slice %arg9[%dma_start3A_140, %dma_start3A_141, %dma_start3A_142] : memref<2x128x128xf32, #tpu.memory_space<vmem>> -> memref<1x128x128xf32, #tpu.memory_space<vmem>>
          %dma_start3A_144 = tpu.memref_squeeze %dma_start3A_143 : memref<1x128x128xf32, #tpu.memory_space<vmem>> -> memref<128x128xf32, #tpu.memory_space<vmem>>
          %dma_start3A_145 = arith.constant 0 : i32
          %dma_start3A_146 = tpu.memref_slice %arg8[%add3A_139, %dma_start3A_145] : memref<16x128xi32, #tpu.memory_space<vmem>> -> memref<1x128xi32, #tpu.memory_space<vmem>>
          %dma_start3A_147 = tpu.memref_squeeze %dma_start3A_146 : memref<1x128xi32, #tpu.memory_space<vmem>> -> memref<128xi32, #tpu.memory_space<vmem>>
          %dma_start3A_148 = arith.constant 0 : i32
          %dma_start3A_149 = arith.constant 0 : i32
          %dma_start3A_150 = tpu.memref_slice %arg6[%dma_start3A_148, %dma_start3A_149] : memref<10240x128xf32, #tpu.memory_space<vmem_shared>> -> memref<10240x128xf32, #tpu.memory_space<vmem_shared>>
          tpu.enqueue_indirect_dma source(%dma_start3A_144 : memref<128x128xf32, #tpu.memory_space<vmem>>) target(%dma_start3A_150 : memref<10240x128xf32, #tpu.memory_space<vmem_shared>>) offsets(%dma_start3A_147 : memref<128xi32, #tpu.memory_space<vmem>>) semaphore(%arg13 : memref<!tpu.dma_semaphore, #tpu.memory_space<semaphore_mem>>) {add = true}
          %add3A_151 = arith.constant 2 : i32
          %add3A_152 = arith.addi %add3A_102, %add3A_151 : i32
          %lt3A = arith.constant 16 : i32
          %lt3A_153 = arith.cmpi slt, %add3A_152, %lt3A : i32
          %convert_element_type3A = arith.extui %lt3A_153 : i1 to i32
          %cond3A = arith.constant 0 : i32
          %cond3A_154 = arith.cmpi ne, %convert_element_type3A, %cond3A : i32
          scf.if %cond3A_154 {
            %dma_wait3A_155 = arith.constant 0 : i32
            %dma_wait3A_156 = arith.constant 0 : i32
            %dma_wait3A_157 = arith.constant 0 : i32
            %dma_wait3A_158 = tpu.memref_slice %arg9[%dma_wait3A_155, %dma_wait3A_156, %dma_wait3A_157] : memref<2x128x128xf32, #tpu.memory_space<vmem>> -> memref<1x128x128xf32, #tpu.memory_space<vmem>>
            %dma_wait3A_159 = tpu.memref_squeeze %dma_wait3A_158 : memref<1x128x128xf32, #tpu.memory_space<vmem>> -> memref<128x128xf32, #tpu.memory_space<vmem>>
            %dma_wait3A_160 = arith.constant 0 : i32
            %dma_wait3A_161 = tpu.memref_slice %arg8[%add3A_102, %dma_wait3A_160] : memref<16x128xi32, #tpu.memory_space<vmem>> -> memref<1x128xi32, #tpu.memory_space<vmem>>
            %dma_wait3A_162 = tpu.memref_squeeze %dma_wait3A_161 : memref<1x128xi32, #tpu.memory_space<vmem>> -> memref<128xi32, #tpu.memory_space<vmem>>
            %dma_wait3A_163 = arith.constant 0 : i32
            %dma_wait3A_164 = arith.constant 0 : i32
            %dma_wait3A_165 = tpu.memref_slice %arg6[%dma_wait3A_163, %dma_wait3A_164] : memref<10240x128xf32, #tpu.memory_space<vmem_shared>> -> memref<10240x128xf32, #tpu.memory_space<vmem_shared>>
            tpu.wait_indirect_dma semaphore(%arg12 : memref<!tpu.dma_semaphore, #tpu.memory_space<semaphore_mem>>) src(%dma_wait3A_159 : memref<128x128xf32, #tpu.memory_space<vmem>>) dst(%dma_wait3A_165 : memref<10240x128xf32, #tpu.memory_space<vmem_shared>>)
            %add3A_166 = arith.constant 2 : i32
            %add3A_167 = arith.addi %add3A_102, %add3A_166 : i32
            %dma_start3A_168 = arith.constant 0 : i32
            %dma_start3A_169 = arith.constant 0 : i32
            %dma_start3A_170 = arith.constant 0 : i32
            %dma_start3A_171 = tpu.memref_slice %arg9[%dma_start3A_168, %dma_start3A_169, %dma_start3A_170] : memref<2x128x128xf32, #tpu.memory_space<vmem>> -> memref<1x128x128xf32, #tpu.memory_space<vmem>>
            %dma_start3A_172 = tpu.memref_squeeze %dma_start3A_171 : memref<1x128x128xf32, #tpu.memory_space<vmem>> -> memref<128x128xf32, #tpu.memory_space<vmem>>
            %dma_start3A_173 = arith.constant 0 : i32
            %dma_start3A_174 = tpu.memref_slice %arg7[%add3A_167, %dma_start3A_173] : memref<16x128xi32, #tpu.memory_space<vmem>> -> memref<1x128xi32, #tpu.memory_space<vmem>>
            %dma_start3A_175 = tpu.memref_squeeze %dma_start3A_174 : memref<1x128xi32, #tpu.memory_space<vmem>> -> memref<128xi32, #tpu.memory_space<vmem>>
            %dma_start3A_176 = arith.constant 0 : i32
            %dma_start3A_177 = arith.constant 0 : i32
            %dma_start3A_178 = tpu.memref_slice %arg4[%dma_start3A_176, %dma_start3A_177] : memref<40960x128xf32, #tpu.memory_space<hbm>> -> memref<40960x128xf32, #tpu.memory_space<hbm>>
            tpu.enqueue_indirect_dma source(%dma_start3A_178 : memref<40960x128xf32, #tpu.memory_space<hbm>>) target(%dma_start3A_172 : memref<128x128xf32, #tpu.memory_space<vmem>>) offsets(%dma_start3A_175 : memref<128xi32, #tpu.memory_space<vmem>>) semaphore(%arg10 : memref<!tpu.dma_semaphore, #tpu.memory_space<semaphore_mem>>)
            %add3A_179 = arith.constant 1 : i32
            %add3A_180 = arith.addi %add3A_102, %add3A_179 : i32
            %dma_wait3A_181 = arith.constant 1 : i32
            %dma_wait3A_182 = arith.constant 0 : i32
            %dma_wait3A_183 = arith.constant 0 : i32
            %dma_wait3A_184 = tpu.memref_slice %arg9[%dma_wait3A_181, %dma_wait3A_182, %dma_wait3A_183] : memref<2x128x128xf32, #tpu.memory_space<vmem>> -> memref<1x128x128xf32, #tpu.memory_space<vmem>>
            %dma_wait3A_185 = tpu.memref_squeeze %dma_wait3A_184 : memref<1x128x128xf32, #tpu.memory_space<vmem>> -> memref<128x128xf32, #tpu.memory_space<vmem>>
            %dma_wait3A_186 = arith.constant 0 : i32
            %dma_wait3A_187 = tpu.memref_slice %arg8[%add3A_180, %dma_wait3A_186] : memref<16x128xi32, #tpu.memory_space<vmem>> -> memref<1x128xi32, #tpu.memory_space<vmem>>
            %dma_wait3A_188 = tpu.memref_squeeze %dma_wait3A_187 : memref<1x128xi32, #tpu.memory_space<vmem>> -> memref<128xi32, #tpu.memory_space<vmem>>
            %dma_wait3A_189 = arith.constant 0 : i32
            %dma_wait3A_190 = arith.constant 0 : i32
            %dma_wait3A_191 = tpu.memref_slice %arg6[%dma_wait3A_189, %dma_wait3A_190] : memref<10240x128xf32, #tpu.memory_space<vmem_shared>> -> memref<10240x128xf32, #tpu.memory_space<vmem_shared>>
            tpu.wait_indirect_dma semaphore(%arg13 : memref<!tpu.dma_semaphore, #tpu.memory_space<semaphore_mem>>) src(%dma_wait3A_185 : memref<128x128xf32, #tpu.memory_space<vmem>>) dst(%dma_wait3A_191 : memref<10240x128xf32, #tpu.memory_space<vmem_shared>>)
            %add3A_192 = arith.constant 3 : i32
            %add3A_193 = arith.addi %add3A_102, %add3A_192 : i32
            %dma_start3A_194 = arith.constant 1 : i32
            %dma_start3A_195 = arith.constant 0 : i32
            %dma_start3A_196 = arith.constant 0 : i32
            %dma_start3A_197 = tpu.memref_slice %arg9[%dma_start3A_194, %dma_start3A_195, %dma_start3A_196] : memref<2x128x128xf32, #tpu.memory_space<vmem>> -> memref<1x128x128xf32, #tpu.memory_space<vmem>>
            %dma_start3A_198 = tpu.memref_squeeze %dma_start3A_197 : memref<1x128x128xf32, #tpu.memory_space<vmem>> -> memref<128x128xf32, #tpu.memory_space<vmem>>
            %dma_start3A_199 = arith.constant 0 : i32
            %dma_start3A_200 = tpu.memref_slice %arg7[%add3A_193, %dma_start3A_199] : memref<16x128xi32, #tpu.memory_space<vmem>> -> memref<1x128xi32, #tpu.memory_space<vmem>>
            %dma_start3A_201 = tpu.memref_squeeze %dma_start3A_200 : memref<1x128xi32, #tpu.memory_space<vmem>> -> memref<128xi32, #tpu.memory_space<vmem>>
            %dma_start3A_202 = arith.constant 0 : i32
            %dma_start3A_203 = arith.constant 0 : i32
            %dma_start3A_204 = tpu.memref_slice %arg4[%dma_start3A_202, %dma_start3A_203] : memref<40960x128xf32, #tpu.memory_space<hbm>> -> memref<40960x128xf32, #tpu.memory_space<hbm>>
            tpu.enqueue_indirect_dma source(%dma_start3A_204 : memref<40960x128xf32, #tpu.memory_space<hbm>>) target(%dma_start3A_198 : memref<128x128xf32, #tpu.memory_space<vmem>>) offsets(%dma_start3A_201 : memref<128xi32, #tpu.memory_space<vmem>>) semaphore(%arg11 : memref<!tpu.dma_semaphore, #tpu.memory_space<semaphore_mem>>)
          } else {
          }
        }
        %scan3A_74 = arith.constant 8 : i32
        %dma_wait3A = arith.constant 0 : i32
        %dma_wait3A_75 = arith.constant 14 : i32
        %dma_wait3A_76 = arith.constant 0 : i32
        %dma_wait3A_77 = arith.constant 0 : i32
        %dma_wait3A_78 = tpu.memref_slice %arg9[%dma_wait3A, %dma_wait3A_76, %dma_wait3A_77] : memref<2x128x128xf32, #tpu.memory_space<vmem>> -> memref<1x128x128xf32, #tpu.memory_space<vmem>>
        %dma_wait3A_79 = tpu.memref_squeeze %dma_wait3A_78 : memref<1x128x128xf32, #tpu.memory_space<vmem>> -> memref<128x128xf32, #tpu.memory_space<vmem>>
        %dma_wait3A_80 = arith.constant 0 : i32
        %dma_wait3A_81 = tpu.memref_slice %arg8[%dma_wait3A_75, %dma_wait3A_80] : memref<16x128xi32, #tpu.memory_space<vmem>> -> memref<1x128xi32, #tpu.memory_space<vmem>>
        %dma_wait3A_82 = tpu.memref_squeeze %dma_wait3A_81 : memref<1x128xi32, #tpu.memory_space<vmem>> -> memref<128xi32, #tpu.memory_space<vmem>>
        %dma_wait3A_83 = arith.constant 0 : i32
        %dma_wait3A_84 = arith.constant 0 : i32
        %dma_wait3A_85 = tpu.memref_slice %arg6[%dma_wait3A_83, %dma_wait3A_84] : memref<10240x128xf32, #tpu.memory_space<vmem_shared>> -> memref<10240x128xf32, #tpu.memory_space<vmem_shared>>
        tpu.wait_indirect_dma semaphore(%arg12 : memref<!tpu.dma_semaphore, #tpu.memory_space<semaphore_mem>>) src(%dma_wait3A_79 : memref<128x128xf32, #tpu.memory_space<vmem>>) dst(%dma_wait3A_85 : memref<10240x128xf32, #tpu.memory_space<vmem_shared>>)
        %dma_wait3A_86 = arith.constant 1 : i32
        %dma_wait3A_87 = arith.constant 15 : i32
        %dma_wait3A_88 = arith.constant 0 : i32
        %dma_wait3A_89 = arith.constant 0 : i32
        %dma_wait3A_90 = tpu.memref_slice %arg9[%dma_wait3A_86, %dma_wait3A_88, %dma_wait3A_89] : memref<2x128x128xf32, #tpu.memory_space<vmem>> -> memref<1x128x128xf32, #tpu.memory_space<vmem>>
        %dma_wait3A_91 = tpu.memref_squeeze %dma_wait3A_90 : memref<1x128x128xf32, #tpu.memory_space<vmem>> -> memref<128x128xf32, #tpu.memory_space<vmem>>
        %dma_wait3A_92 = arith.constant 0 : i32
        %dma_wait3A_93 = tpu.memref_slice %arg8[%dma_wait3A_87, %dma_wait3A_92] : memref<16x128xi32, #tpu.memory_space<vmem>> -> memref<1x128xi32, #tpu.memory_space<vmem>>
        %dma_wait3A_94 = tpu.memref_squeeze %dma_wait3A_93 : memref<1x128xi32, #tpu.memory_space<vmem>> -> memref<128xi32, #tpu.memory_space<vmem>>
        %dma_wait3A_95 = arith.constant 0 : i32
        %dma_wait3A_96 = arith.constant 0 : i32
        %dma_wait3A_97 = tpu.memref_slice %arg6[%dma_wait3A_95, %dma_wait3A_96] : memref<10240x128xf32, #tpu.memory_space<vmem_shared>> -> memref<10240x128xf32, #tpu.memory_space<vmem_shared>>
        tpu.wait_indirect_dma semaphore(%arg13 : memref<!tpu.dma_semaphore, #tpu.memory_space<semaphore_mem>>) src(%dma_wait3A_91 : memref<128x128xf32, #tpu.memory_space<vmem>>) dst(%dma_wait3A_97 : memref<10240x128xf32, #tpu.memory_space<vmem_shared>>)
      }
      %scan3A_24 = arith.constant 5 : i32
      %barrier3A_25 = arith.constant 0 : index
      tpu.barrier barrier_id(%barrier3A_25)
      %mul3A_26 = arith.constant 640 : i32
      %mul3A_27 = arith.muli %arg1, %mul3A_26 : i32
      %mul3A_28 = arith.constant 10240 : i32
      %mul3A_29 = arith.muli %add3A_9, %mul3A_28 : i32
      %mul3A_30 = arith.constant 640 : i32
      %mul3A_31 = arith.muli %arg1, %mul3A_30 : i32
      %add3A_32 = arith.addi %mul3A_29, %mul3A_31 : i32
      "tpu.region"() ({
        %run_scoped3A = tpu.sem_alloc : memref<!tpu.dma_semaphore, #tpu.memory_space<semaphore_mem>>
        %dma_start3A = arith.constant 0 : i32
        %dma_start3A_33 = tpu.memref_slice %arg5[%add3A_32, %dma_start3A] : memref<40960x128xf32, #tpu.memory_space<hbm>> -> memref<640x128xf32, #tpu.memory_space<hbm>>
        %dma_start3A_34 = arith.constant 0 : i32
        %dma_start3A_35 = tpu.memref_slice %arg6[%mul3A_27, %dma_start3A_34] : memref<10240x128xf32, #tpu.memory_space<vmem_shared>> -> memref<640x128xf32, #tpu.memory_space<vmem_shared>>
        tpu.enqueue_dma source(%dma_start3A_35 : memref<640x128xf32, #tpu.memory_space<vmem_shared>>) target(%dma_start3A_33 : memref<640x128xf32, #tpu.memory_space<hbm>>) target_semaphore(%run_scoped3A : memref<!tpu.dma_semaphore, #tpu.memory_space<semaphore_mem>>)
        %dma_wait3A = arith.constant 0 : i32
        %dma_wait3A_36 = tpu.memref_slice %arg5[%add3A_32, %dma_wait3A] : memref<40960x128xf32, #tpu.memory_space<hbm>> -> memref<640x128xf32, #tpu.memory_space<hbm>>
        %dma_wait3A_37 = arith.constant 0 : i32
        %dma_wait3A_38 = tpu.memref_slice %arg6[%mul3A_27, %dma_wait3A_37] : memref<10240x128xf32, #tpu.memory_space<vmem_shared>> -> memref<640x128xf32, #tpu.memory_space<vmem_shared>>
        tpu.wait_dma2 semaphore(%run_scoped3A : memref<!tpu.dma_semaphore, #tpu.memory_space<semaphore_mem>>) src(%dma_wait3A_38 : memref<640x128xf32, #tpu.memory_space<vmem_shared>>) dst(%dma_wait3A_36 : memref<640x128xf32, #tpu.memory_space<hbm>>)
        tpu.yield
      }) : () -> ()
    }
    %scan3A_3 = arith.constant 2 : i32
    return
  }
}

module attributes {stable_mosaic.version = 14 : i64} {
  func.func @_scale_body(%arg0: i32, %arg1: i32, %arg2: memref<128x128xf32, #tpu.memory_space<vmem>>, %arg3: memref<32x128x1xf32, #tpu.memory_space<vmem>>, %arg4: memref<1x128x128xf32, #tpu.memory_space<vmem>>) attributes {dimension_semantics = [#tpu.dimension_semantics<arbitrary>, #tpu.dimension_semantics<arbitrary>], iteration_bounds = array<i64: 2, 80>, scalar_prefetch = 0 : i64, scratch_operands = 0 : i64, tpu.core_type = #tpu.core_type<tc>, window_params = [{transform_indices = @transform_0, window_bounds = array<i64: 128, 128>}, {transform_indices = @transform_1, window_bounds = array<i64: 32, 128, 1>}, {transform_indices = @transform_2, window_bounds = array<i64: 1, 128, 128>}]} {
    %get3A = arith.constant 0 : index
    %get3A_0 = arith.constant 0 : index
    %get3A_1 = arith.constant 0 : index
    %get3A_2 = vector.load %arg3[%get3A, %get3A_0, %get3A_1] : memref<32x128x1xf32, #tpu.memory_space<vmem>>, vector<32x128x1xf32>
    %reduce_sum3A = arith.constant dense<0.000000e+00> : vector<128x1xf32>
    %reduce_sum3A_3 = vector.multi_reduction <add>, %get3A_2, %reduce_sum3A [0] : vector<32x128x1xf32> to vector<128x1xf32>
    %add3A = arith.constant 1.000000e+00 : f32
    %add3A_4 = vector.broadcast %add3A : f32 to vector<128x1xf32>
    %add3A_5 = arith.addf %reduce_sum3A_3, %add3A_4 : vector<128x1xf32>
    %rsqrt3A = math.rsqrt %add3A_5 : vector<128x1xf32>
    %get3A_6 = arith.constant 0 : index
    %get3A_7 = arith.constant 0 : index
    %get3A_8 = vector.load %arg2[%get3A_6, %get3A_7] : memref<128x128xf32, #tpu.memory_space<vmem>>, vector<128x128xf32>
    %mul3A = vector.broadcast %rsqrt3A : vector<128x1xf32> to vector<128x128xf32>
    %mul3A_9 = arith.mulf %get3A_8, %mul3A : vector<128x128xf32>
    %broadcast_in_dim3A = vector.shape_cast %mul3A_9 : vector<128x128xf32> to vector<1x128x128xf32>
    %swap3A = arith.constant 0 : index
    %swap3A_10 = arith.constant 0 : index
    %swap3A_11 = arith.constant 0 : index
    %swap3A_12 = vector.load %arg4[%swap3A, %swap3A_10, %swap3A_11] : memref<1x128x128xf32, #tpu.memory_space<vmem>>, vector<1x128x128xf32>
    tpu.vector_store %arg4[%swap3A, %swap3A_10, %swap3A_11], %broadcast_in_dim3A {strides = array<i32>} : memref<1x128x128xf32, #tpu.memory_space<vmem>>, vector<1x128x128xf32>,
    return
  }
  func.func @transform_0(%arg0: i32, %arg1: i32) -> (i32, i32) {
    %c0_i32 = arith.constant 0 : i32
    return %arg1, %arg0 : i32, i32
  }
  func.func @transform_1(%arg0: i32, %arg1: i32) -> (i32, i32, i32) {
    %c0_i32 = arith.constant 0 : i32
    %c0_i32_0 = arith.constant 0 : i32
    %c0_i32_1 = arith.constant 0 : i32
    return %c0_i32, %arg1, %c0_i32_0 : i32, i32, i32
  }
  func.func @transform_2(%arg0: i32, %arg1: i32) -> (i32, i32, i32) {
    %c0_i32 = arith.constant 0 : i32
    %c0_i32_0 = arith.constant 0 : i32
    return %arg0, %arg1, %c0_i32 : i32, i32, i32
  }
}

module attributes {stable_mosaic.version = 14 : i64} {
  func.func @_mid_body(%arg0: i32, %arg1: memref<2x256x128xf32, #tpu.memory_space<vmem>>, %arg2: memref<2x256x128xf32, #tpu.memory_space<vmem>>, %arg3: memref<32x256x1xf32, #tpu.memory_space<vmem>>, %arg4: memref<256x1024xbf16, #tpu.memory_space<vmem>>, %arg5: memref<1x1024xf32, #tpu.memory_space<vmem>>, %arg6: memref<1024x512xbf16, #tpu.memory_space<vmem>>, %arg7: memref<4x256x128xf32, #tpu.memory_space<vmem>>) attributes {dimension_semantics = [#tpu.dimension_semantics<arbitrary>], iteration_bounds = array<i64: 40>, scalar_prefetch = 0 : i64, scratch_operands = 0 : i64, tpu.core_type = #tpu.core_type<tc>, window_params = [{transform_indices = @transform_0, window_bounds = array<i64: 2, 256, 128>}, {transform_indices = @transform_1, window_bounds = array<i64: 2, 256, 128>}, {transform_indices = @transform_2, window_bounds = array<i64: 32, 256, 1>}, {pipeline_mode = #tpu.pipeline_mode<synchronous>, transform_indices = @transform_3, window_bounds = array<i64: 256, 1024>}, {pipeline_mode = #tpu.pipeline_mode<synchronous>, transform_indices = @transform_4, window_bounds = array<i64: 1, 1024>}, {pipeline_mode = #tpu.pipeline_mode<synchronous>, transform_indices = @transform_5, window_bounds = array<i64: 1024, 512>}, {transform_indices = @transform_6, window_bounds = array<i64: 4, 256, 128>}]} {
    %get3A = arith.constant 0 : index
    %get3A_0 = arith.constant 0 : index
    %get3A_1 = arith.constant 0 : index
    %get3A_2 = vector.load %arg3[%get3A, %get3A_0, %get3A_1] : memref<32x256x1xf32, #tpu.memory_space<vmem>>, vector<32x256x1xf32>
    %reduce_sum3A = arith.constant dense<0.000000e+00> : vector<256x1xf32>
    %reduce_sum3A_3 = vector.multi_reduction <add>, %get3A_2, %reduce_sum3A [0] : vector<32x256x1xf32> to vector<256x1xf32>
    %add3A = arith.constant 1.000000e+00 : f32
    %add3A_4 = vector.broadcast %add3A : f32 to vector<256x1xf32>
    %add3A_5 = arith.addf %reduce_sum3A_3, %add3A_4 : vector<256x1xf32>
    %rsqrt3A = math.rsqrt %add3A_5 : vector<256x1xf32>
    %get3A_6 = arith.constant 0 : index
    %get3A_7 = arith.constant 0 : index
    %get3A_8 = arith.constant 0 : index
    %get3A_9 = vector.load %arg1[%get3A_6, %get3A_7, %get3A_8] : memref<2x256x128xf32, #tpu.memory_space<vmem>>, vector<1x256x128xf32>
    %get3A_10 = vector.shape_cast %get3A_9 : vector<1x256x128xf32> to vector<256x128xf32>
    %get3A_11 = arith.constant 0 : index
    %get3A_12 = arith.constant 0 : index
    %get3A_13 = arith.constant 0 : index
    %get3A_14 = vector.load %arg2[%get3A_11, %get3A_12, %get3A_13] : memref<2x256x128xf32, #tpu.memory_space<vmem>>, vector<1x256x128xf32>
    %get3A_15 = vector.shape_cast %get3A_14 : vector<1x256x128xf32> to vector<256x128xf32>
    %add3A_16 = arith.addf %get3A_10, %get3A_15 : vector<256x128xf32>
    %get3A_17 = arith.constant 1 : index
    %get3A_18 = arith.constant 0 : index
    %get3A_19 = arith.constant 0 : index
    %get3A_20 = vector.load %arg1[%get3A_17, %get3A_18, %get3A_19] : memref<2x256x128xf32, #tpu.memory_space<vmem>>, vector<1x256x128xf32>
    %get3A_21 = vector.shape_cast %get3A_20 : vector<1x256x128xf32> to vector<256x128xf32>
    %get3A_22 = arith.constant 1 : index
    %get3A_23 = arith.constant 0 : index
    %get3A_24 = arith.constant 0 : index
    %get3A_25 = vector.load %arg2[%get3A_22, %get3A_23, %get3A_24] : memref<2x256x128xf32, #tpu.memory_space<vmem>>, vector<1x256x128xf32>
    %get3A_26 = vector.shape_cast %get3A_25 : vector<1x256x128xf32> to vector<256x128xf32>
    %add3A_27 = arith.addf %get3A_21, %get3A_26 : vector<256x128xf32>
    %concatenate3A = tpu.concatenate %add3A_16, %add3A_27 in 1 : vector<256x128xf32>, vector<256x128xf32> -> vector<256x256xf32>
    %mul3A = vector.broadcast %rsqrt3A : vector<256x1xf32> to vector<256x256xf32>
    %mul3A_28 = arith.mulf %concatenate3A, %mul3A : vector<256x256xf32>
    %convert_element_type3A = arith.truncf %mul3A_28 : vector<256x256xf32> to vector<256x256xbf16>
    %get3A_29 = arith.constant 0 : index
    %get3A_30 = arith.constant 0 : index
    %get3A_31 = vector.load %arg4[%get3A_29, %get3A_30] : memref<256x1024xbf16, #tpu.memory_space<vmem>>, vector<256x1024xbf16>
    %dot_general3A = arith.constant dense<0.000000e+00> : vector<256x1024xf32>
    %dot_general3A_32 = tpu.matmul %convert_element_type3A, %get3A_31, %dot_general3A {dimension_numbers = #tpu.dot_dimension_numbers<[1], [0], [0], [1], [0, 0, 1, 1], [], []>, transpose_lhs_hint = false} : vector<256x256xbf16>, vector<256x1024xbf16>, vector<256x1024xf32> -> vector<256x1024xf32>
    %get3A_33 = arith.constant 0 : index
    %get3A_34 = arith.constant 0 : index
    %get3A_35 = vector.load %arg5[%get3A_33, %get3A_34] : memref<1x1024xf32, #tpu.memory_space<vmem>>, vector<1x1024xf32>
    %add3A_36 = vector.broadcast %get3A_35 : vector<1x1024xf32> to vector<256x1024xf32>
    %add3A_37 = arith.addf %dot_general3A_32, %add3A_36 : vector<256x1024xf32>
    %max3A = arith.constant 0.000000e+00 : f32
    %max3A_38 = vector.broadcast %max3A : f32 to vector<256x1024xf32>
    %max3A_39 = arith.maximumf %add3A_37, %max3A_38 : vector<256x1024xf32>
    %convert_element_type3A_40 = arith.truncf %max3A_39 : vector<256x1024xf32> to vector<256x1024xbf16>
    %get3A_41 = arith.constant 0 : index
    %get3A_42 = arith.constant 0 : index
    %get3A_43 = vector.load %arg6[%get3A_41, %get3A_42] : memref<1024x512xbf16, #tpu.memory_space<vmem>>, vector<1024x512xbf16>
    %dot_general3A_44 = arith.constant dense<0.000000e+00> : vector<256x512xf32>
    %dot_general3A_45 = tpu.matmul %convert_element_type3A_40, %get3A_43, %dot_general3A_44 {dimension_numbers = #tpu.dot_dimension_numbers<[1], [0], [0], [1], [0, 0, 1, 1], [], []>, transpose_lhs_hint = false} : vector<256x1024xbf16>, vector<1024x512xbf16>, vector<256x512xf32> -> vector<256x512xf32>
    %mul3A_46 = vector.broadcast %rsqrt3A : vector<256x1xf32> to vector<256x512xf32>
    %mul3A_47 = arith.mulf %dot_general3A_45, %mul3A_46 : vector<256x512xf32>
    %slice3A = vector.extract_strided_slice %mul3A_47 {offsets = [0, 0], sizes = [256, 128], strides = [1, 1]} : vector<256x512xf32> to vector<256x128xf32>
    %swap3A = arith.constant 0 : index
    %swap3A_48 = arith.constant 0 : index
    %swap3A_49 = arith.constant 0 : index
    %swap3A_50 = vector.load %arg7[%swap3A, %swap3A_48, %swap3A_49] : memref<4x256x128xf32, #tpu.memory_space<vmem>>, vector<1x256x128xf32>
    %swap3A_51 = vector.shape_cast %swap3A_50 : vector<1x256x128xf32> to vector<256x128xf32>
    %swap3A_52 = vector.shape_cast %slice3A : vector<256x128xf32> to vector<1x256x128xf32>
    tpu.vector_store %arg7[%swap3A, %swap3A_48, %swap3A_49], %swap3A_52 {strides = array<i32>} : memref<4x256x128xf32, #tpu.memory_space<vmem>>, vector<1x256x128xf32>,
    %slice3A_53 = vector.extract_strided_slice %mul3A_47 {offsets = [0, 128], sizes = [256, 128], strides = [1, 1]} : vector<256x512xf32> to vector<256x128xf32>
    %swap3A_54 = arith.constant 1 : index
    %swap3A_55 = arith.constant 0 : index
    %swap3A_56 = arith.constant 0 : index
    %swap3A_57 = vector.load %arg7[%swap3A_54, %swap3A_55, %swap3A_56] : memref<4x256x128xf32, #tpu.memory_space<vmem>>, vector<1x256x128xf32>
    %swap3A_58 = vector.shape_cast %swap3A_57 : vector<1x256x128xf32> to vector<256x128xf32>
    %swap3A_59 = vector.shape_cast %slice3A_53 : vector<256x128xf32> to vector<1x256x128xf32>
    tpu.vector_store %arg7[%swap3A_54, %swap3A_55, %swap3A_56], %swap3A_59 {strides = array<i32>} : memref<4x256x128xf32, #tpu.memory_space<vmem>>, vector<1x256x128xf32>,
    %slice3A_60 = vector.extract_strided_slice %mul3A_47 {offsets = [0, 256], sizes = [256, 128], strides = [1, 1]} : vector<256x512xf32> to vector<256x128xf32>
    %swap3A_61 = arith.constant 2 : index
    %swap3A_62 = arith.constant 0 : index
    %swap3A_63 = arith.constant 0 : index
    %swap3A_64 = vector.load %arg7[%swap3A_61, %swap3A_62, %swap3A_63] : memref<4x256x128xf32, #tpu.memory_space<vmem>>, vector<1x256x128xf32>
    %swap3A_65 = vector.shape_cast %swap3A_64 : vector<1x256x128xf32> to vector<256x128xf32>
    %swap3A_66 = vector.shape_cast %slice3A_60 : vector<256x128xf32> to vector<1x256x128xf32>
    tpu.vector_store %arg7[%swap3A_61, %swap3A_62, %swap3A_63], %swap3A_66 {strides = array<i32>} : memref<4x256x128xf32, #tpu.memory_space<vmem>>, vector<1x256x128xf32>,
    %slice3A_67 = vector.extract_strided_slice %mul3A_47 {offsets = [0, 384], sizes = [256, 128], strides = [1, 1]} : vector<256x512xf32> to vector<256x128xf32>
    %swap3A_68 = arith.constant 3 : index
    %swap3A_69 = arith.constant 0 : index
    %swap3A_70 = arith.constant 0 : index
    %swap3A_71 = vector.load %arg7[%swap3A_68, %swap3A_69, %swap3A_70] : memref<4x256x128xf32, #tpu.memory_space<vmem>>, vector<1x256x128xf32>
    %swap3A_72 = vector.shape_cast %swap3A_71 : vector<1x256x128xf32> to vector<256x128xf32>
    %swap3A_73 = vector.shape_cast %slice3A_67 : vector<256x128xf32> to vector<1x256x128xf32>
    tpu.vector_store %arg7[%swap3A_68, %swap3A_69, %swap3A_70], %swap3A_73 {strides = array<i32>} : memref<4x256x128xf32, #tpu.memory_space<vmem>>, vector<1x256x128xf32>,
    return
  }
  func.func @transform_0(%arg0: i32) -> (i32, i32, i32) {
    %c0_i32 = arith.constant 0 : i32
    %c0_i32_0 = arith.constant 0 : i32
    %c0_i32_1 = arith.constant 0 : i32
    return %c0_i32, %arg0, %c0_i32_0 : i32, i32, i32
  }
  func.func @transform_1(%arg0: i32) -> (i32, i32, i32) {
    %c0_i32 = arith.constant 0 : i32
    %c0_i32_0 = arith.constant 0 : i32
    %c0_i32_1 = arith.constant 0 : i32
    return %c0_i32, %arg0, %c0_i32_0 : i32, i32, i32
  }
  func.func @transform_2(%arg0: i32) -> (i32, i32, i32) {
    %c0_i32 = arith.constant 0 : i32
    %c0_i32_0 = arith.constant 0 : i32
    %c0_i32_1 = arith.constant 0 : i32
    return %c0_i32, %arg0, %c0_i32_0 : i32, i32, i32
  }
  func.func @transform_3(%arg0: i32) -> (i32, i32) {
    %c0_i32 = arith.constant 0 : i32
    %c0_i32_0 = arith.constant 0 : i32
    %c0_i32_1 = arith.constant 0 : i32
    return %c0_i32, %c0_i32_0 : i32, i32
  }
  func.func @transform_4(%arg0: i32) -> (i32, i32) {
    %c0_i32 = arith.constant 0 : i32
    %c0_i32_0 = arith.constant 0 : i32
    %c0_i32_1 = arith.constant 0 : i32
    return %c0_i32, %c0_i32_0 : i32, i32
  }
  func.func @transform_5(%arg0: i32) -> (i32, i32) {
    %c0_i32 = arith.constant 0 : i32
    %c0_i32_0 = arith.constant 0 : i32
    %c0_i32_1 = arith.constant 0 : i32
    return %c0_i32, %c0_i32_0 : i32, i32
  }
  func.func @transform_6(%arg0: i32) -> (i32, i32, i32) {
    %c0_i32 = arith.constant 0 : i32
    %c0_i32_0 = arith.constant 0 : i32
    %c0_i32_1 = arith.constant 0 : i32
    return %c0_i32, %arg0, %c0_i32_0 : i32, i32, i32
  }
}

module attributes {stable_mosaic.version = 14 : i64} {
  func.func @_fin_body(%arg0: i32, %arg1: memref<4x128x128xf32, #tpu.memory_space<vmem>>, %arg2: memref<4x128x128xf32, #tpu.memory_space<vmem>>, %arg3: memref<32x128x1xf32, #tpu.memory_space<vmem>>, %arg4: memref<1x512xf32, #tpu.memory_space<vmem>>, %arg5: memref<128x512xf32, #tpu.memory_space<vmem>>) attributes {dimension_semantics = [#tpu.dimension_semantics<arbitrary>], iteration_bounds = array<i64: 80>, scalar_prefetch = 0 : i64, scratch_operands = 0 : i64, tpu.core_type = #tpu.core_type<tc>, window_params = [{transform_indices = @transform_0, window_bounds = array<i64: 4, 128, 128>}, {transform_indices = @transform_1, window_bounds = array<i64: 4, 128, 128>}, {transform_indices = @transform_2, window_bounds = array<i64: 32, 128, 1>}, {pipeline_mode = #tpu.pipeline_mode<synchronous>, transform_indices = @transform_3, window_bounds = array<i64: 1, 512>}, {transform_indices = @transform_4, window_bounds = array<i64: 128, 512>}]} {
    %get3A = arith.constant 0 : index
    %get3A_0 = arith.constant 0 : index
    %get3A_1 = arith.constant 0 : index
    %get3A_2 = vector.load %arg3[%get3A, %get3A_0, %get3A_1] : memref<32x128x1xf32, #tpu.memory_space<vmem>>, vector<32x128x1xf32>
    %reduce_sum3A = arith.constant dense<0.000000e+00> : vector<128x1xf32>
    %reduce_sum3A_3 = vector.multi_reduction <add>, %get3A_2, %reduce_sum3A [0] : vector<32x128x1xf32> to vector<128x1xf32>
    %add3A = arith.constant 1.000000e+00 : f32
    %add3A_4 = vector.broadcast %add3A : f32 to vector<128x1xf32>
    %add3A_5 = arith.addf %reduce_sum3A_3, %add3A_4 : vector<128x1xf32>
    %rsqrt3A = math.rsqrt %add3A_5 : vector<128x1xf32>
    %get3A_6 = arith.constant 0 : index
    %get3A_7 = arith.constant 0 : index
    %get3A_8 = arith.constant 0 : index
    %get3A_9 = vector.load %arg1[%get3A_6, %get3A_7, %get3A_8] : memref<4x128x128xf32, #tpu.memory_space<vmem>>, vector<1x128x128xf32>
    %get3A_10 = vector.shape_cast %get3A_9 : vector<1x128x128xf32> to vector<128x128xf32>
    %get3A_11 = arith.constant 0 : index
    %get3A_12 = arith.constant 0 : index
    %get3A_13 = arith.constant 0 : index
    %get3A_14 = vector.load %arg2[%get3A_11, %get3A_12, %get3A_13] : memref<4x128x128xf32, #tpu.memory_space<vmem>>, vector<1x128x128xf32>
    %get3A_15 = vector.shape_cast %get3A_14 : vector<1x128x128xf32> to vector<128x128xf32>
    %add3A_16 = arith.addf %get3A_10, %get3A_15 : vector<128x128xf32>
    %mul3A = vector.broadcast %rsqrt3A : vector<128x1xf32> to vector<128x128xf32>
    %mul3A_17 = arith.mulf %add3A_16, %mul3A : vector<128x128xf32>
    %get3A_18 = arith.constant 0 : index
    %get3A_19 = arith.constant 0 : index
    %get3A_20 = vector.load %arg4[%get3A_18, %get3A_19] : memref<1x512xf32, #tpu.memory_space<vmem>>, vector<1x128xf32>
    %add3A_21 = vector.broadcast %get3A_20 : vector<1x128xf32> to vector<128x128xf32>
    %add3A_22 = arith.addf %mul3A_17, %add3A_21 : vector<128x128xf32>
    %swap3A = arith.constant 0 : index
    %swap3A_23 = arith.constant 0 : index
    %swap3A_24 = vector.load %arg5[%swap3A, %swap3A_23] : memref<128x512xf32, #tpu.memory_space<vmem>>, vector<128x128xf32>
    tpu.vector_store %arg5[%swap3A, %swap3A_23], %add3A_22 {strides = array<i32>} : memref<128x512xf32, #tpu.memory_space<vmem>>, vector<128x128xf32>,
    %get3A_25 = arith.constant 1 : index
    %get3A_26 = arith.constant 0 : index
    %get3A_27 = arith.constant 0 : index
    %get3A_28 = vector.load %arg1[%get3A_25, %get3A_26, %get3A_27] : memref<4x128x128xf32, #tpu.memory_space<vmem>>, vector<1x128x128xf32>
    %get3A_29 = vector.shape_cast %get3A_28 : vector<1x128x128xf32> to vector<128x128xf32>
    %get3A_30 = arith.constant 1 : index
    %get3A_31 = arith.constant 0 : index
    %get3A_32 = arith.constant 0 : index
    %get3A_33 = vector.load %arg2[%get3A_30, %get3A_31, %get3A_32] : memref<4x128x128xf32, #tpu.memory_space<vmem>>, vector<1x128x128xf32>
    %get3A_34 = vector.shape_cast %get3A_33 : vector<1x128x128xf32> to vector<128x128xf32>
    %add3A_35 = arith.addf %get3A_29, %get3A_34 : vector<128x128xf32>
    %mul3A_36 = vector.broadcast %rsqrt3A : vector<128x1xf32> to vector<128x128xf32>
    %mul3A_37 = arith.mulf %add3A_35, %mul3A_36 : vector<128x128xf32>
    %get3A_38 = arith.constant 0 : index
    %get3A_39 = arith.constant 128 : index
    %get3A_40 = vector.load %arg4[%get3A_38, %get3A_39] : memref<1x512xf32, #tpu.memory_space<vmem>>, vector<1x128xf32>
    %add3A_41 = vector.broadcast %get3A_40 : vector<1x128xf32> to vector<128x128xf32>
    %add3A_42 = arith.addf %mul3A_37, %add3A_41 : vector<128x128xf32>
    %swap3A_43 = arith.constant 0 : index
    %swap3A_44 = arith.constant 128 : index
    %swap3A_45 = vector.load %arg5[%swap3A_43, %swap3A_44] : memref<128x512xf32, #tpu.memory_space<vmem>>, vector<128x128xf32>
    tpu.vector_store %arg5[%swap3A_43, %swap3A_44], %add3A_42 {strides = array<i32>} : memref<128x512xf32, #tpu.memory_space<vmem>>, vector<128x128xf32>,
    %get3A_46 = arith.constant 2 : index
    %get3A_47 = arith.constant 0 : index
    %get3A_48 = arith.constant 0 : index
    %get3A_49 = vector.load %arg1[%get3A_46, %get3A_47, %get3A_48] : memref<4x128x128xf32, #tpu.memory_space<vmem>>, vector<1x128x128xf32>
    %get3A_50 = vector.shape_cast %get3A_49 : vector<1x128x128xf32> to vector<128x128xf32>
    %get3A_51 = arith.constant 2 : index
    %get3A_52 = arith.constant 0 : index
    %get3A_53 = arith.constant 0 : index
    %get3A_54 = vector.load %arg2[%get3A_51, %get3A_52, %get3A_53] : memref<4x128x128xf32, #tpu.memory_space<vmem>>, vector<1x128x128xf32>
    %get3A_55 = vector.shape_cast %get3A_54 : vector<1x128x128xf32> to vector<128x128xf32>
    %add3A_56 = arith.addf %get3A_50, %get3A_55 : vector<128x128xf32>
    %mul3A_57 = vector.broadcast %rsqrt3A : vector<128x1xf32> to vector<128x128xf32>
    %mul3A_58 = arith.mulf %add3A_56, %mul3A_57 : vector<128x128xf32>
    %get3A_59 = arith.constant 0 : index
    %get3A_60 = arith.constant 256 : index
    %get3A_61 = vector.load %arg4[%get3A_59, %get3A_60] : memref<1x512xf32, #tpu.memory_space<vmem>>, vector<1x128xf32>
    %add3A_62 = vector.broadcast %get3A_61 : vector<1x128xf32> to vector<128x128xf32>
    %add3A_63 = arith.addf %mul3A_58, %add3A_62 : vector<128x128xf32>
    %swap3A_64 = arith.constant 0 : index
    %swap3A_65 = arith.constant 256 : index
    %swap3A_66 = vector.load %arg5[%swap3A_64, %swap3A_65] : memref<128x512xf32, #tpu.memory_space<vmem>>, vector<128x128xf32>
    tpu.vector_store %arg5[%swap3A_64, %swap3A_65], %add3A_63 {strides = array<i32>} : memref<128x512xf32, #tpu.memory_space<vmem>>, vector<128x128xf32>,
    %get3A_67 = arith.constant 3 : index
    %get3A_68 = arith.constant 0 : index
    %get3A_69 = arith.constant 0 : index
    %get3A_70 = vector.load %arg1[%get3A_67, %get3A_68, %get3A_69] : memref<4x128x128xf32, #tpu.memory_space<vmem>>, vector<1x128x128xf32>
    %get3A_71 = vector.shape_cast %get3A_70 : vector<1x128x128xf32> to vector<128x128xf32>
    %get3A_72 = arith.constant 3 : index
    %get3A_73 = arith.constant 0 : index
    %get3A_74 = arith.constant 0 : index
    %get3A_75 = vector.load %arg2[%get3A_72, %get3A_73, %get3A_74] : memref<4x128x128xf32, #tpu.memory_space<vmem>>, vector<1x128x128xf32>
    %get3A_76 = vector.shape_cast %get3A_75 : vector<1x128x128xf32> to vector<128x128xf32>
    %add3A_77 = arith.addf %get3A_71, %get3A_76 : vector<128x128xf32>
    %mul3A_78 = vector.broadcast %rsqrt3A : vector<128x1xf32> to vector<128x128xf32>
    %mul3A_79 = arith.mulf %add3A_77, %mul3A_78 : vector<128x128xf32>
    %get3A_80 = arith.constant 0 : index
    %get3A_81 = arith.constant 384 : index
    %get3A_82 = vector.load %arg4[%get3A_80, %get3A_81] : memref<1x512xf32, #tpu.memory_space<vmem>>, vector<1x128xf32>
    %add3A_83 = vector.broadcast %get3A_82 : vector<1x128xf32> to vector<128x128xf32>
    %add3A_84 = arith.addf %mul3A_79, %add3A_83 : vector<128x128xf32>
    %swap3A_85 = arith.constant 0 : index
    %swap3A_86 = arith.constant 384 : index
    %swap3A_87 = vector.load %arg5[%swap3A_85, %swap3A_86] : memref<128x512xf32, #tpu.memory_space<vmem>>, vector<128x128xf32>
    tpu.vector_store %arg5[%swap3A_85, %swap3A_86], %add3A_84 {strides = array<i32>} : memref<128x512xf32, #tpu.memory_space<vmem>>, vector<128x128xf32>,
    return
  }
  func.func @transform_0(%arg0: i32) -> (i32, i32, i32) {
    %c0_i32 = arith.constant 0 : i32
    %c0_i32_0 = arith.constant 0 : i32
    %c0_i32_1 = arith.constant 0 : i32
    return %c0_i32, %arg0, %c0_i32_0 : i32, i32, i32
  }
  func.func @transform_1(%arg0: i32) -> (i32, i32, i32) {
    %c0_i32 = arith.constant 0 : i32
    %c0_i32_0 = arith.constant 0 : i32
    %c0_i32_1 = arith.constant 0 : i32
    return %c0_i32, %arg0, %c0_i32_0 : i32, i32, i32
  }
  func.func @transform_2(%arg0: i32) -> (i32, i32, i32) {
    %c0_i32 = arith.constant 0 : i32
    %c0_i32_0 = arith.constant 0 : i32
    %c0_i32_1 = arith.constant 0 : i32
    return %c0_i32, %arg0, %c0_i32_0 : i32, i32, i32
  }
  func.func @transform_3(%arg0: i32) -> (i32, i32) {
    %c0_i32 = arith.constant 0 : i32
    %c0_i32_0 = arith.constant 0 : i32
    %c0_i32_1 = arith.constant 0 : i32
    return %c0_i32, %c0_i32_0 : i32, i32
  }
  func.func @transform_4(%arg0: i32) -> (i32, i32) {
    %c0_i32 = arith.constant 0 : i32
    %c0_i32_0 = arith.constant 0 : i32
    return %arg0, %c0_i32 : i32, i32
  }
}

</mosaic_0001>

<sc_bundles>
// kernel: kernel.11.cloned.1.call-start
scs
__scs_entry_jumppad:
0x0: {  	(pc) =	sbr.rel $0x88, $3  }
0x1: {  	(tag) =	ssettag $0x0;
	lr =	simm.s32 $0x1  }
0x2: {  	[smem:$0x3F9B] =	sst lr;
	_ =	strace $0xD0000000  }
0x3: {  	_ = 	snop  }
0x4: {  	_ = 	snop  }
0x5: {  	_ = 	snop  }
0x6: {  	_ = 	snop  }
0x7: {  	_ = 	snop  }
__scs_overlays_trampoline_lowered:
0x8: {  	[smem:$0x3FAA] =	sst s0  }
0x9: {  	[smem:$0x3FAB] =	sst s1  }
0xa: {  	[smem:$0x3FAC] =	sst s2  }
0xb: {  	[smem:$0x3FAD] =	sst s3  }
0xc: {  	[smem:$0x3FAE] =	sst s4  }
0xd: {  	[smem:$0x3FAF] =	sst s5  }
0xe: {  	[smem:$0x3FB0] =	sst s6  }
0xf: {  	[smem:$0x3FB1] =	sst s7  }
0x10: {  	[smem:$0x3FB2] =	sst s8  }
0x11: {  	[smem:$0x3FB3] =	sst s9;
	s0 =	simm.s32 @!p0 $0x0  }
0x12: {  	s1 =	sld [smem:$0x3F99];
	s0 =	simm.s32 @p0 $0x1  }
0x13: {  	[smem:$0x3FB4] =	sst s0;
	s0 =	simm.s32 @!p1 $0x0  }
0x14: {  	s2 =	sld [smem:$0x3F98];
	s0 =	simm.s32 @p1 $0x1  }
0x15: {  	[smem:$0x3FB5] =	sst s0;
	s0 =	simm.s32 @!p2 $0x0  }
0x16: {  	s3 =	sld [smem:$0x3FDB];
	s0 =	simm.s32 @p2 $0x1  }
0x17: {  	s4 =	simm.s32 $0x1BF5;
	[smem:$0x3FB7] =	sst s0  }
0x18: {  	s0 =	sld [smem:$0x3F9A];
	_ =	swait.ge [sflag:s4], $0x0  }
0x19: {  	s7 =	sld [smem:$0x3F9B]  }
0x1a: {  	s8 =	sadd.s32 $0xFFFFE003, lr  }
0x1b: {  	s9 =	sadd.s32 $0xFFFFFEF7, lr;
	s5 =	simm.s32 $0xFFFFFFFF;
	p2 =	slt.u32 s8, $0xFFFFF086  }
0x1c: {  	p1 =	slt.u32 s9, $0xF7A;
	s5 =	simm.s32 @!p2 $0x0  }
0x1d: {  	s5 =	simm.s32 @p1 $0x1;
	p0 =	seq.s32 s7, s2  }
0x1e: {  	s7 =	smul.u32 @!p0 $0xF7A, s2;
	p2 =	seq.s32 @!p0 s5, $0x0  }
0x1f: {  	s9 =	smul.u32 $0xF7A, s1;
	s8 =	simm.s32 @!p0 $0x1BF5;
	p2 =	por !p2, p0  }
0x20: {  	[sflag:s8] =	ssyncset.s32 @!p0 $0xFFFFF086;
	s6 =	sadd.s32 @!p0 s3, s7;
	s7 =	simm.s32 @!p0 $0x108  }
0x21: {  	s3 =	sadd.s32 s3, s9;
	s6 =	sadd.s32 @!p0 $0x88, s6;
	s7 =	simm.s32 @p2 $0x1082  }
0x22: {  	[simem:s7], [sflag:s8] =	dma.local @!p0 [hbm:s6], $0xF7A  }
0x23: {  	s9 =	sor.u32 $0xD0000000, s2;
	s6 =	simm.s32 $0x108;
	_ =	swait.ge @!p0 [sflag:s8], $0x0  }
0x24: {  	s3 =	sadd.s32 $0x88, s3;
	s6 =	simm.s32 @!p1 $0x1082;
	[sflag:s4] =	ssyncset.s32 $0xFFFFF086  }
0x25: {  	[simem:s6], [sflag:s4] =	dma.local [hbm:s3], $0xF7A  }
0x26: {  	[smem:$0x3F9B] =	sst s1;
	(tag) =	ssettag s2;
	_ =	strace s9  }
0x27: {  	s1 =	sld [smem:$0x3FAB]  }
0x28: {  	s2 =	sld [smem:$0x3FAC]  }
0x29: {  	s4 =	sld [smem:$0x3FAE]  }
0x2a: {  	p0 =	seq.s32 s5, $0x0;
	s5 =	sld [smem:$0x3FAF]  }
0x2b: {  	s6 =	sld [smem:$0x3FB0]  }
0x2c: {  	s7 =	sld [smem:$0x3FB1]  }
0x2d: {  	s3 =	simm.s32 $0x108;
	s8 =	sld [smem:$0x3FB2]  }
0x2e: {  	s3 =	simm.s32 @!p0 $0x1082;
	s9 =	sld [smem:$0x3FB3]  }
0x2f: {  	lr =	sadd.s32 s0, s3;
	s0 =	sld [smem:$0x3FAA]  }
0x30: {  	s3 =	sld [smem:$0x3FAD]  }
0x31: {  	[smem:$0x3FB6] =	sst s10  }
0x32: {  	s10 =	sld [smem:$0x3FB4];
	_ =	sdelay $0x3  }
0x33: {  	p0 =	seq.s32 s10, $0x1;
	s10 =	sld [smem:$0x3FB6];
	_ =	sdelay $0x3  }
0x34: {  	[smem:$0x3FB6] =	sst s10  }
0x35: {  	s10 =	sld [smem:$0x3FB5];
	_ =	sdelay $0x3  }
0x36: {  	p1 =	seq.s32 s10, $0x1;
	s10 =	sld [smem:$0x3FB6];
	_ =	sdelay $0x3  }
0x37: {  	[smem:$0x3FB6] =	sst s10  }
0x38: {  	s10 =	sld [smem:$0x3FB7]  }
0x39: {  	_ = 	snop;
	(pc) =	sbr.ind lr, $3  }
0x3a: {  	_ = 	snop  }
0x3b: {  	_ = 	snop  }
0x3c: {  	p2 =	seq.s32 s10, $0x1;
	s10 =	sld [smem:$0x3FB6]  }
0x3d: {  	_ =	shalt  }
0x3e: {  	_ =	shalt  }
0x3f: {  	_ =	shalt  }
0x40: {  	_ =	shalt  }
0x41: {  	_ =	shalt  }
0x42: {  	_ =	shalt  }
0x43: {  	_ =	shalt  }
0x44: {  	_ =	shalt  }
0x45: {  	_ =	shalt  }
0x46: {  	_ =	shalt  }
0x47: {  	_ =	shalt  }
0x48: {  	_ =	shalt  }
0x49: {  	_ =	shalt  }
0x4a: {  	_ =	shalt  }
0x4b: {  	_ =	shalt  }
0x4c: {  	_ =	shalt  }
0x4d: {  	_ =	shalt  }
0x4e: {  	_ =	shalt  }
0x4f: {  	_ =	shalt  }
0x50: {  	_ =	shalt  }
0x51: {  	_ =	shalt  }
0x52: {  	_ =	shalt  }
0x53: {  	_ =	shalt  }
0x54: {  	_ =	shalt  }
0x55: {  	_ =	shalt  }
0x56: {  	_ =	shalt  }
0x57: {  	_ =	shalt  }
0x58: {  	_ =	shalt  }
0x59: {  	_ =	shalt  }
0x5a: {  	_ =	shalt  }
0x5b: {  	_ =	shalt  }
0x5c: {  	_ =	shalt  }
0x5d: {  	_ =	shalt  }
0x5e: {  	_ =	shalt  }
0x5f: {  	_ =	shalt  }
0x60: {  	_ =	shalt  }
0x61: {  	_ =	shalt  }
0x62: {  	_ =	shalt  }
0x63: {  	_ =	shalt  }
0x64: {  	_ =	shalt  }
0x65: {  	_ =	shalt  }
0x66: {  	_ =	shalt  }
0x67: {  	_ =	shalt  }
0x68: {  	_ =	shalt  }
0x69: {  	_ =	shalt  }
0x6a: {  	_ =	shalt  }
0x6b: {  	_ =	shalt  }
0x6c: {  	_ =	shalt  }
0x6d: {  	_ =	shalt  }
0x6e: {  	_ =	shalt  }
0x6f: {  	_ =	shalt  }
0x70: {  	_ =	shalt  }
0x71: {  	_ =	shalt  }
0x72: {  	_ =	shalt  }
0x73: {  	_ =	shalt  }
0x74: {  	_ =	shalt  }
0x75: {  	_ =	shalt  }
0x76: {  	_ =	shalt  }
0x77: {  	_ =	shalt  }
0x78: {  	_ =	shalt  }
0x79: {  	_ =	shalt  }
0x7a: {  	_ =	shalt  }
0x7b: {  	_ =	shalt  }
0x7c: {  	_ =	shalt  }
0x7d: {  	_ =	shalt  }
0x7e: {  	_ =	shalt  }
0x7f: {  	_ =	shalt  }
0x80: {  	_ =	shalt  }
0x81: {  	_ =	shalt  }
0x82: {  	_ =	shalt  }
0x83: {  	_ =	shalt  }
0x84: {  	_ =	shalt  }
0x85: {  	_ =	shalt  }
0x86: {  	_ =	shalt  }
0x87: {  	_ =	shalt  }
.Lfunc_end0:
.L_simem_size_0:
called_computation.1_lowered:
.L_overlay_start_0:
0x88: {  	s2 =	sld [smem:$0x3FD9]  }
0x89: {  	s3 =	sld [smem:$0x3FFE];
	_ =	sdelay $0x1  }
0x8a: {  	s1 =	srdreg.scid  }
0x8b: {  	s0 =	sand.u32 $0x1, s1  }
0x8c: {  	s17 =	sshll.u32 s0, $0xA;
	s2 =	sadd.s32 s3, s2  }
0x8d: {  	s2 =	sadd.s32 s2, s17  }
0x8e: {  	[smem:$0x3FC2] =	sst s2  }
0x8f: {  	_ = 	snop  }
0x90: {  	s2 =	sld [smem:$0x3FD0];
	(tm) =	ssettm $0x1  }
0x91: {  	s18 =	sld [smem:$0x3FFB];
	_ =	sdelay $0x3  }
0x92: {  	_ =	strace s18  }
0x93: {  	s3 =	sld [smem:$0x3FFC];
	_ =	sdelay $0x3  }
0x94: {  	_ =	strace s3  }
0x95: {  	s3 =	sld [smem:$0x3FFD];
	_ =	sdelay $0x3  }
0x96: {  	_ =	strace s3  }
0x97: {  	_ =	strace $0x8FFFFFFF  }
0x98: {  	s19 =	sld [smem:$0x3FDB];
	_ =	sdelay $0x1  }
0x99: {  	s4 =	simm.s32 $_scs_section_size  }
0x9a: {  	s5 =	simm.s32 $_size__tile_overlayer_lowered;
	s6 =	simm.s32 $_tile_overlayer_lowered  }
0x9b: {  	s22 =	simm.s32 $0x1BFF;
	s21 =	sshll.u32 s6, $0x1;
	s3 =	sadd.s32 s4, s19  }
0x9c: {  	s7 =	simm.s32 $0x0;
	s20 =	sshll.u32 s5, $0x1;
	s5 =	sadd.s32 s21, s3  }
0x9d: {  	[timem:s7], [sflag:s22] =	dma.local [hbm:s5], s20  }
0x9e: {  	_ =	swait.ge [sflag:s22], s20  }
0x9f: {  	s4 =	ssub.s32 $0x0, s20;
	[sflag:s22] =	ssyncset.done $0x0  }
0xa0: {  	[sflag:s22] =	ssyncadd.s32 s4;
	_ =	sdelay $0x1  }
0xa1: {  	s23 =	simm.s32 $0x1B8B  }
0xa2: {  	_ =	swait.ge [sflag:s23], $0x1  }
0xa3: {  	[sflag:s23] =	ssyncset.done $0x0  }
0xa4: {  	s25 =	simm.s32 $0x1B8E;
	s24 =	sld [smem:$0x3FFE];
	[sflag:s23] =	ssyncadd.s32 $0xFFFFFFFF  }
0xa5: {  	s26 =	simm.s32 $execute0_lowered;
	[smem:$0x3FD2] =	sst s25  }
0xa6: {  	s5 =	sshll.u32 s26, $0x1;
	_ =	strace $0x80000049;
	[dreg:$0x1] =	wrdreg $0xFFFFFFFF  }
0xa7: {  	s28 =	simm.s32 $_size_execute0_lowered;
	s3 =	sadd.s32 s3, s5;
	[dreg:$0x0] =	wrdreg $0x0  }
0xa8: {  	s5 =	sshll.u32 s28, $0x1;
	[dreg:$0x2] =	wrdreg s3  }
0xa9: {  	[dreg:$0x3] =	wrdreg s5  }
0xaa: {  	[dreg:$0x4] =	wrdreg $0xC0  }
0xab: {  	_ =	task [dreg:s7], $0x5FFFF  }
0xac: {  	[dreg:$0x1] =	wrdreg $0xFFFFFFFF  }
0xad: {  	[dreg:$0x0] =	wrdreg $0x60  }
0xae: {  	[dreg:$0x2] =	wrdreg s24  }
0xaf: {  	[dreg:$0x3] =	wrdreg s2  }
0xb0: {  	[dreg:$0x4] =	wrdreg $0x0  }
0xb1: {  	[dreg:$0x5] =	wrdreg $0x9  }
0xb2: {  	_ =	task.clear_ibuf [dreg:s7], $0x6FFFF;
	_ =	strace $0x90000049  }
0xb3: {  	s29 =	simm.s32 $0x9;
	_ =	strace $0x8000004B  }
0xb4: {  	_ =	swait.ge [sflag:s29], $0x1  }
0xb5: {  	[sflag:s29] =	ssyncadd.s32 $0xFFFFFFFF  }
0xb6: {  	_ =	strace $0x9000004B  }
0xb7: {  	_ =	sfence  }
0xb8: {  	s30 =	sld [smem:$0x0];
	_ =	sdelay $0x2  }
0xb9: {  	s31 =	sshll.u32 s1, $0xD;
	s1 =	sshrl.u32 s1, $0x2  }
0xba: {  	s3 =	sand.u32 $0x4000, s31;
	s1 =	sadd.s32 s1, s30  }
0xbb: {  	s0 =	sor.u32 s3, s0;
	s1 =	sshll.u32 s1, $0x11  }
0xbc: {  	s0 =	sor.u32 s1, s0  }
0xbd: {  	s0 =	sadd.s32 $0x8F2B, s0  }
0xbe: {  	[sflag:s0] =	ssyncadd.remote.s32 $0x1  }
0xbf: {  	_ =	sfence.sel $0xFFFF  }
0xc0: {  	[dreg:$0x0] =	wrdreg $0xFFFFFFFF;
	(pc) =	sbr.abs _section_cstart, $3  }
0xc1: {  	[dreg:$0x1] =	wrdreg $0xFFFFFFFF  }
0xc2: {  	_ =	task.clear_ibuf [dreg:s7], $0x2FFFF;
	_ =	strace $0x9FFFFFFF  }
0xc3: {  	(tm) =	ssettm $0x7FFFFFFF  }
tec
execute0_lowered:
.L_overlay_start_1:
0x0: {  	(tag) =	ssettag $0x1  }
0x1: {  	s0 =	rddreg [dreg:$0x0];
	s9 =	stileid.u32  }
0x2: {  	s1 =	srdreg.scid;
	s2 =	rddreg [dreg:$0x1]  }
0x3: {  	s3 =	rddreg [dreg:$0x2];
	s4 =	simm.s32 $0x0;
	s5 =	smul.u32 $0x500, s9  }
0x4: {  	s10 =	simm.s32 $0x14180;
	s12 =	simm.s32 $0x14900;
	s7 =	smul.u32 $0x2800, s9  }
0x5: {  	[smem:$0x7FF] =	sst s4;
	s25 =	smul.u32 $0x50000, s9;
	s9 =	simm.s32 $0x14100  }
0x6: {  	s14 =	simm.s32 $0x14980;
	_ =	strace $0x8000004A;
	[dreg:$0x8] =	wrdreg s9  }
0x7: {  	s16 =	simm.s32 $0x14200;
	s18 =	simm.s32 $0x14280;
	[dreg:$0x9] =	wrdreg s10  }
0x8: {  	s19 =	simm.s32 $0x14A00;
	s20 =	simm.s32 $0x14A80;
	[dreg:$0xa] =	wrdreg s12  }
0x9: {  	s21 =	simm.s32 $0x14300;
	s22 =	simm.s32 $0x14380;
	[dreg:$0xb] =	wrdreg s14  }
0xa: {  	s28 =	simm.s32 $0x14D80;
	s29 =	simm.s32 $0x14600;
	[dreg:$0xc] =	wrdreg s16  }
0xb: {  	s30 =	simm.s32 $0x14680;
	s1 =	sand.u32 $0x1, s1;
	[dreg:$0xd] =	wrdreg s18  }
0xc: {  	s31 =	simm.s32 $0x14E00;
	s6 =	smul.u32 $0x28000, s1;
	[dreg:$0xe] =	wrdreg s19  }
0xd: {  	s8 =	smul.u32 $0x5000, s1;
	s1 =	ssub.s32 $0x2, s1;
	[dreg:$0xf] =	wrdreg s20  }
0xe: {  	s12 =	simm.s32 $0x15000;
	s14 =	simm.s32 $0x14000;
	[dreg:$0x10] =	wrdreg s21  }
0xf: {  	s16 =	simm.s32 $0x80;
	[dreg:$0x11] =	wrdreg s22;
	s18 =	simm.s32 $0x1  }
0x10: {  	s19 =	simm.s32 $0x2;
	s20 =	simm.s32 $0x3;
	s21 =	simm.s32 $0x4  }
0x11: {  	s5 =	sadd.s32 s5, s0;
	s26 =	sshrl.u32 s25, $0x2;
	s25 =	simm.s32 $0x14400  }
0x12: {  	s23 =	sadd.s32 s8, s5;
	s5 =	sadd.s32 $0x1600, s5;
	[dreg:$0x14] =	wrdreg s25  }
0x13: {  	s6 =	sadd.s32 s7, s6;
	s7 =	simm.s32 $0x14080;
	[dreg:$0x5] =	wrdreg s5  }
0x14: {  	s24 =	sshrl.u32 s1, $0x1;
	s8 =	simm.s32 $0x14880;
	[dreg:$0x6] =	wrdreg s7  }
0x15: {  	s1 =	ssub.s32 s1, s24;
	s24 =	simm.s32 $0x14B80;
	[dreg:$0x7] =	wrdreg s8  }
0x16: {  	s0 =	sadd.s32 s6, s0;
	s6 =	sadd.s32 $0x6600, s23;
	[dreg:$0x13] =	wrdreg s24  }
0x17: {  	s22 =	simm.s32 $0x14C00;
	s1 =	smax.u32 s1, $0x1;
	[dreg:$0x4] =	wrdreg s6  }
0x18: {  	s9 =	simm.s32 $0x0;
	s23 =	simm.s32 $0x14B00;
	[dreg:$0x18] =	wrdreg s1  }
0x19: {  	s25 =	simm.s32 $0x14580;
	s0 =	sadd.s32 $0x510600, s0;
	[dreg:$0x12] =	wrdreg s23  }
0x1a: {  	s24 =	simm.s32 $0x14500;
	s6 =	sadd.s32 s26, s3;
	[dreg:$0x17] =	wrdreg s0  }
0x1b: {  	s7 =	simm.s32 $0x14F00;
	s26 =	simm.s32 $0x14480;
	[dreg:$0x16] =	wrdreg s6  }
0x1c: {  	s8 =	simm.s32 $0x14F80;
	s11 =	sadd.s32 $0x4000, s6;
	[dreg:$0x15] =	wrdreg s26  }
0x1d: {  	s23 =	simm.s32 $0x14C80;
	s13 =	sadd.s32 $0x8000, s6;
	[dreg:$0x19] =	wrdreg s11  }
0x1e: {  	s1 =	simm.s32 $0x14E80;
	s15 =	sadd.s32 $0xC000, s6;
	[dreg:$0x1a] =	wrdreg s13  }
0x1f: {  	s17 =	sadd.s32 $0x10000, s6;
	s26 =	simm.s32 $0x14D00;
	[dreg:$0x1b] =	wrdreg s15  }
0x20: {  	s0 =	simm.s32 $0x14700;
	s6 =	simm.s32 $0x14780;
	[dreg:$0x1c] =	wrdreg s17  }
0x21: {  	v0 =	vimm.f32 $0.0e+00;
	s13 =	simm.s32 $0x5;
	s15 =	simm.s32 $0x14800;
	s17 =	simm.s32 $0x19000  }
.LBB2_1:
0x22: {  	s10 =	simm.s32 $0x0;
	s11 =	simm.s32 $0x200  }
.LBB2_2:
0x23: {  	p0 =	sne.s32 s11, $0xFE00;
	[tilespmem:s10+$0x15070] =	vst v0  }
0x24: {  	[tilespmem:s10+$0x15000] =	vst v0  }
0x25: {  	[tilespmem:s10+$0x15010] =	vst v0  }
.Ltmp0:
0x26: {  	[tilespmem:s10+$0x15020] =	vst v0;
	(pc) =	sbr.rel @p0 .LBB2_2-.Ltmp0, $4  }
0x27: {  	[tilespmem:s10+$0x15030] =	vst v0  }
0x28: {  	[tilespmem:s10+$0x15040] =	vst v0  }
0x29: {  	[tilespmem:s10+$0x15050] =	vst v0  }
0x2a: {  	[tilespmem:s10+$0x15060] =	vst v0;
	s10 =	sshra.s32 s11, $0x2;
	s11 =	sadd.s32 $0x200, s11  }
0x2b: {  	[tilespmem:s10+$0x15070] =	vst v0  }
0x2c: {  	[tilespmem:s10+$0x15000] =	vst v0  }
0x2d: {  	[tilespmem:s10+$0x15010] =	vst v0  }
0x2e: {  	[tilespmem:s10+$0x15020] =	vst v0  }
0x2f: {  	[tilespmem:s10+$0x15030] =	vst v0  }
0x30: {  	[tilespmem:s10+$0x15040] =	vst v0  }
0x31: {  	[dreg:$0x1d] =	wrdreg s9;
	[tilespmem:s10+$0x15050] =	vst v0  }
0x32: {  	[tilespmem:s10+$0x15060] =	vst v0;
	s5 =	rddreg [dreg:$0x16]  }
0x33: {  	[spmem:s5] =	stream.linear.scatter [tilespmem:s12], [sflag:$0x5], $0x4000, $0x38;
	[tilespmem:$0x1D000] =	vst v63  }
0x34: {  	_ =	swait.ge [sflag:s13], $0x4000  }
0x35: {  	[sflag:s13] =	ssyncset.done $0x0  }
0x36: {  	s11 =	rddreg [dreg:$0x19];
	[sflag:s13] =	ssyncadd.s32 $0xFFFFC000  }
0x37: {  	[spmem:s11] =	stream.linear.scatter [tilespmem:s12], [sflag:$0x5], $0x4000, $0x38;
	[tilespmem:$0x1D000] =	vst v63  }
0x38: {  	_ =	swait.ge [sflag:s13], $0x4000  }
0x39: {  	[sflag:s13] =	ssyncset.done $0x0  }
0x3a: {  	s9 =	rddreg [dreg:$0x1a];
	[sflag:s13] =	ssyncadd.s32 $0xFFFFC000  }
0x3b: {  	[spmem:s9] =	stream.linear.scatter [tilespmem:s12], [sflag:$0x5], $0x4000, $0x38;
	[tilespmem:$0x1D000] =	vst v63  }
0x3c: {  	_ =	swait.ge [sflag:s13], $0x4000  }
0x3d: {  	[sflag:s13] =	ssyncset.done $0x0  }
0x3e: {  	s10 =	rddreg [dreg:$0x1b];
	[sflag:s13] =	ssyncadd.s32 $0xFFFFC000  }
0x3f: {  	[spmem:s10] =	stream.linear.scatter [tilespmem:s12], [sflag:$0x5], $0x4000, $0x38;
	[tilespmem:$0x1D000] =	vst v63  }
0x40: {  	_ =	swait.ge [sflag:s13], $0x4000  }
0x41: {  	[sflag:s13] =	ssyncset.done $0x0  }
0x42: {  	s11 =	rddreg [dreg:$0x1c];
	[sflag:s13] =	ssyncadd.s32 $0xFFFFC000  }
0x43: {  	[spmem:s11] =	stream.linear.scatter [tilespmem:s12], [sflag:$0x5], $0x4000, $0x38;
	[tilespmem:$0x1D000] =	vst v63  }
0x44: {  	_ =	swait.ge [sflag:s13], $0x4000  }
0x45: {  	[sflag:s13] =	ssyncset.done $0x0  }
0x46: {  	[sflag:s13] =	ssyncadd.s32 $0xFFFFC000  }
0x47: {  	[bflag:$0x0] =	sbarrier.arrive $0xFFFF  }
0x48: {  	s9 =	rddreg [dreg:$0x4]  }
0x49: {  	s5 =	sadd.s32 $0x0, s9  }
0x4a: {  	[tilespmem:s14], [sflag:$0x5] =	stream.linear.gather [hbm4b:s5+s4], $0x800, $0x38;
	[tilespmem:$0x1D000] =	vst v63  }
0x4b: {  	_ =	swait.ge [sflag:s13], $0x800  }
0x4c: {  	s10 =	rddreg [dreg:$0x5];
	[sflag:s13] =	ssyncset.done $0x0  }
0x4d: {  	[sflag:s13] =	ssyncadd.s32 $0xFFFFF800;
	s5 =	sadd.s32 $0x0, s10  }
0x4e: {  	[tilespmem:s15], [sflag:$0x5] =	stream.linear.gather [hbm4b:s5+s4], $0x800, $0x38;
	[tilespmem:$0x1D000] =	vst v63  }
0x4f: {  	_ =	swait.ge [sflag:s13], $0x800  }
0x50: {  	[sflag:s13] =	ssyncset.done $0x0  }
0x51: {  	[sflag:s13] =	ssyncadd.s32 $0xFFFFF800  }
0x52: {  	[tilespmem:s12], [sflag:$0x1] =	stream.indirect.gather [hbm4b:s2+s16], $0x80, s14, s16, $0xb8;
	[tilespmem:$0x1D000] =	vst v63  }
0x53: {  	s11 =	rddreg [dreg:$0x6]  }
0x54: {  	[tilespmem:s17], [sflag:$0x2] =	stream.indirect.gather [hbm4b:s2+s16], $0x80, s11, s16, $0xb8;
	[tilespmem:$0x1D000] =	vst v63  }
0x55: {  	_ =	swait.ge [sflag:s18], $0x4000  }
0x56: {  	[sflag:s18] =	ssyncset.done $0x0  }
0x57: {  	[sflag:s18] =	ssyncadd.s32 $0xFFFFC000  }
0x58: {  	[spmem:s3] =	stream.indirect.scatter.add.f32 [tilespmem:s12], [sflag:$0x3], $0x80, s15, s16, $0xb8;
	[tilespmem:$0x1D000] =	vst v63  }
0x59: {  	_ =	swait.ge [sflag:s19], $0x4000  }
0x5a: {  	[sflag:s19] =	ssyncset.done $0x0  }
0x5b: {  	s9 =	rddreg [dreg:$0x7];
	[sflag:s19] =	ssyncadd.s32 $0xFFFFC000  }
0x5c: {  	[spmem:s3] =	stream.indirect.scatter.add.f32 [tilespmem:s17], [sflag:$0x4], $0x80, s9, s16, $0xb8;
	[tilespmem:$0x1D000] =	vst v63  }
0x5d: {  	_ =	swait.ge [sflag:s20], $0x4000  }
0x5e: {  	[sflag:s20] =	ssyncset.done $0x0  }
0x5f: {  	s10 =	rddreg [dreg:$0x8];
	[sflag:s20] =	ssyncadd.s32 $0xFFFFC000  }
0x60: {  	[tilespmem:s12], [sflag:$0x1] =	stream.indirect.gather [hbm4b:s2+s16], $0x80, s10, s16, $0xb8;
	[tilespmem:$0x1D000] =	vst v63  }
0x61: {  	_ =	swait.ge [sflag:s21], $0x4000  }
0x62: {  	[sflag:s21] =	ssyncset.done $0x0  }
0x63: {  	s11 =	rddreg [dreg:$0x9];
	[sflag:s21] =	ssyncadd.s32 $0xFFFFC000  }
0x64: {  	[tilespmem:s17], [sflag:$0x2] =	stream.indirect.gather [hbm4b:s2+s16], $0x80, s11, s16, $0xb8;
	[tilespmem:$0x1D000] =	vst v63  }
0x65: {  	_ =	swait.ge [sflag:s18], $0x4000  }
0x66: {  	[sflag:s18] =	ssyncset.done $0x0  }
0x67: {  	s9 =	rddreg [dreg:$0xa];
	[sflag:s18] =	ssyncadd.s32 $0xFFFFC000  }
0x68: {  	[spmem:s3] =	stream.indirect.scatter.add.f32 [tilespmem:s12], [sflag:$0x3], $0x80, s9, s16, $0xb8;
	[tilespmem:$0x1D000] =	vst v63  }
0x69: {  	_ =	swait.ge [sflag:s19], $0x4000  }
0x6a: {  	[sflag:s19] =	ssyncset.done $0x0  }
0x6b: {  	s10 =	rddreg [dreg:$0xb];
	[sflag:s19] =	ssyncadd.s32 $0xFFFFC000  }
0x6c: {  	[spmem:s3] =	stream.indirect.scatter.add.f32 [tilespmem:s17], [sflag:$0x4], $0x80, s10, s16, $0xb8;
	[tilespmem:$0x1D000] =	vst v63  }
0x6d: {  	_ =	swait.ge [sflag:s20], $0x4000  }
0x6e: {  	[sflag:s20] =	ssyncset.done $0x0  }
0x6f: {  	s11 =	rddreg [dreg:$0xc];
	[sflag:s20] =	ssyncadd.s32 $0xFFFFC000  }
0x70: {  	[tilespmem:s12], [sflag:$0x1] =	stream.indirect.gather [hbm4b:s2+s16], $0x80, s11, s16, $0xb8;
	[tilespmem:$0x1D000] =	vst v63  }
0x71: {  	_ =	swait.ge [sflag:s21], $0x4000  }
0x72: {  	[sflag:s21] =	ssyncset.done $0x0  }
0x73: {  	s9 =	rddreg [dreg:$0xd];
	[sflag:s21] =	ssyncadd.s32 $0xFFFFC000  }
0x74: {  	[tilespmem:s17], [sflag:$0x2] =	stream.indirect.gather [hbm4b:s2+s16], $0x80, s9, s16, $0xb8;
	[tilespmem:$0x1D000] =	vst v63  }
0x75: {  	_ =	swait.ge [sflag:s18], $0x4000  }
0x76: {  	[sflag:s18] =	ssyncset.done $0x0  }
0x77: {  	s10 =	rddreg [dreg:$0xe];
	[sflag:s18] =	ssyncadd.s32 $0xFFFFC000  }
0x78: {  	[spmem:s3] =	stream.indirect.scatter.add.f32 [tilespmem:s12], [sflag:$0x3], $0x80, s10, s16, $0xb8;
	[tilespmem:$0x1D000] =	vst v63  }
0x79: {  	_ =	swait.ge [sflag:s19], $0x4000  }
0x7a: {  	[sflag:s19] =	ssyncset.done $0x0  }
0x7b: {  	s11 =	rddreg [dreg:$0xf];
	[sflag:s19] =	ssyncadd.s32 $0xFFFFC000  }
0x7c: {  	[spmem:s3] =	stream.indirect.scatter.add.f32 [tilespmem:s17], [sflag:$0x4], $0x80, s11, s16, $0xb8;
	[tilespmem:$0x1D000] =	vst v63  }
0x7d: {  	_ =	swait.ge [sflag:s20], $0x4000  }
0x7e: {  	[sflag:s20] =	ssyncset.done $0x0  }
0x7f: {  	s9 =	rddreg [dreg:$0x10];
	[sflag:s20] =	ssyncadd.s32 $0xFFFFC000  }
0x80: {  	[tilespmem:s12], [sflag:$0x1] =	stream.indirect.gather [hbm4b:s2+s16], $0x80, s9, s16, $0xb8;
	[tilespmem:$0x1D000] =	vst v63  }
0x81: {  	_ =	swait.ge [sflag:s21], $0x4000  }
0x82: {  	[sflag:s21] =	ssyncset.done $0x0  }
0x83: {  	s10 =	rddreg [dreg:$0x11];
	[sflag:s21] =	ssyncadd.s32 $0xFFFFC000  }
0x84: {  	[tilespmem:s17], [sflag:$0x2] =	stream.indirect.gather [hbm4b:s2+s16], $0x80, s10, s16, $0xb8;
	[tilespmem:$0x1D000] =	vst v63  }
0x85: {  	_ =	swait.ge [sflag:s18], $0x4000  }
0x86: {  	[sflag:s18] =	ssyncset.done $0x0  }
0x87: {  	s11 =	rddreg [dreg:$0x12];
	[sflag:s18] =	ssyncadd.s32 $0xFFFFC000  }
0x88: {  	[spmem:s3] =	stream.indirect.scatter.add.f32 [tilespmem:s12], [sflag:$0x3], $0x80, s11, s16, $0xb8;
	[tilespmem:$0x1D000] =	vst v63  }
0x89: {  	_ =	swait.ge [sflag:s19], $0x4000  }
0x8a: {  	[sflag:s19] =	ssyncset.done $0x0  }
0x8b: {  	s9 =	rddreg [dreg:$0x13];
	[sflag:s19] =	ssyncadd.s32 $0xFFFFC000  }
0x8c: {  	[spmem:s3] =	stream.indirect.scatter.add.f32 [tilespmem:s17], [sflag:$0x4], $0x80, s9, s16, $0xb8;
	[tilespmem:$0x1D000] =	vst v63  }
0x8d: {  	_ =	swait.ge [sflag:s20], $0x4000  }
0x8e: {  	[sflag:s20] =	ssyncset.done $0x0  }
0x8f: {  	s10 =	rddreg [dreg:$0x14];
	[sflag:s20] =	ssyncadd.s32 $0xFFFFC000  }
0x90: {  	[tilespmem:s12], [sflag:$0x1] =	stream.indirect.gather [hbm4b:s2+s16], $0x80, s10, s16, $0xb8;
	[tilespmem:$0x1D000] =	vst v63  }
0x91: {  	_ =	swait.ge [sflag:s21], $0x4000  }
0x92: {  	[sflag:s21] =	ssyncset.done $0x0  }
0x93: {  	s11 =	rddreg [dreg:$0x15];
	[sflag:s21] =	ssyncadd.s32 $0xFFFFC000  }
0x94: {  	[tilespmem:s17], [sflag:$0x2] =	stream.indirect.gather [hbm4b:s2+s16], $0x80, s11, s16, $0xb8;
	[tilespmem:$0x1D000] =	vst v63  }
0x95: {  	_ =	swait.ge [sflag:s18], $0x4000  }
0x96: {  	[sflag:s18] =	ssyncset.done $0x0  }
0x97: {  	[sflag:s18] =	ssyncadd.s32 $0xFFFFC000  }
0x98: {  	[spmem:s3] =	stream.indirect.scatter.add.f32 [tilespmem:s12], [sflag:$0x3], $0x80, s22, s16, $0xb8;
	[tilespmem:$0x1D000] =	vst v63  }
0x99: {  	_ =	swait.ge [sflag:s19], $0x4000  }
0x9a: {  	[sflag:s19] =	ssyncset.done $0x0  }
0x9b: {  	[sflag:s19] =	ssyncadd.s32 $0xFFFFC000  }
0x9c: {  	[spmem:s3] =	stream.indirect.scatter.add.f32 [tilespmem:s17], [sflag:$0x4], $0x80, s23, s16, $0xb8;
	[tilespmem:$0x1D000] =	vst v63  }
0x9d: {  	_ =	swait.ge [sflag:s20], $0x4000  }
0x9e: {  	[sflag:s20] =	ssyncset.done $0x0  }
0x9f: {  	[sflag:s20] =	ssyncadd.s32 $0xFFFFC000  }
0xa0: {  	[tilespmem:s12], [sflag:$0x1] =	stream.indirect.gather [hbm4b:s2+s16], $0x80, s24, s16, $0xb8;
	[tilespmem:$0x1D000] =	vst v63  }
0xa1: {  	_ =	swait.ge [sflag:s21], $0x4000  }
0xa2: {  	[sflag:s21] =	ssyncset.done $0x0  }
0xa3: {  	[sflag:s21] =	ssyncadd.s32 $0xFFFFC000  }
0xa4: {  	[tilespmem:s17], [sflag:$0x2] =	stream.indirect.gather [hbm4b:s2+s16], $0x80, s25, s16, $0xb8;
	[tilespmem:$0x1D000] =	vst v63  }
0xa5: {  	_ =	swait.ge [sflag:s18], $0x4000  }
0xa6: {  	[sflag:s18] =	ssyncset.done $0x0  }
0xa7: {  	[sflag:s18] =	ssyncadd.s32 $0xFFFFC000  }
0xa8: {  	[spmem:s3] =	stream.indirect.scatter.add.f32 [tilespmem:s12], [sflag:$0x3], $0x80, s26, s16, $0xb8;
	[tilespmem:$0x1D000] =	vst v63  }
0xa9: {  	_ =	swait.ge [sflag:s19], $0x4000  }
0xaa: {  	[sflag:s19] =	ssyncset.done $0x0  }
0xab: {  	[sflag:s19] =	ssyncadd.s32 $0xFFFFC000  }
0xac: {  	[spmem:s3] =	stream.indirect.scatter.add.f32 [tilespmem:s17], [sflag:$0x4], $0x80, s28, s16, $0xb8;
	[tilespmem:$0x1D000] =	vst v63  }
0xad: {  	_ =	swait.ge [sflag:s20], $0x4000  }
0xae: {  	[sflag:s20] =	ssyncset.done $0x0  }
0xaf: {  	[sflag:s20] =	ssyncadd.s32 $0xFFFFC000  }
0xb0: {  	[tilespmem:s12], [sflag:$0x1] =	stream.indirect.gather [hbm4b:s2+s16], $0x80, s29, s16, $0xb8;
	[tilespmem:$0x1D000] =	vst v63  }
0xb1: {  	_ =	swait.ge [sflag:s21], $0x4000  }
0xb2: {  	[sflag:s21] =	ssyncset.done $0x0  }
0xb3: {  	[sflag:s21] =	ssyncadd.s32 $0xFFFFC000  }
0xb4: {  	[tilespmem:s17], [sflag:$0x2] =	stream.indirect.gather [hbm4b:s2+s16], $0x80, s30, s16, $0xb8;
	[tilespmem:$0x1D000] =	vst v63  }
0xb5: {  	_ =	swait.ge [sflag:s18], $0x4000  }
0xb6: {  	[sflag:s18] =	ssyncset.done $0x0  }
0xb7: {  	[sflag:s18] =	ssyncadd.s32 $0xFFFFC000  }
0xb8: {  	[spmem:s3] =	stream.indirect.scatter.add.f32 [tilespmem:s12], [sflag:$0x3], $0x80, s31, s16, $0xb8;
	[tilespmem:$0x1D000] =	vst v63  }
0xb9: {  	_ =	swait.ge [sflag:s19], $0x4000  }
0xba: {  	[sflag:s19] =	ssyncset.done $0x0  }
0xbb: {  	[sflag:s19] =	ssyncadd.s32 $0xFFFFC000  }
0xbc: {  	[spmem:s3] =	stream.indirect.scatter.add.f32 [tilespmem:s17], [sflag:$0x4], $0x80, s1, s16, $0xb8;
	[tilespmem:$0x1D000] =	vst v63  }
0xbd: {  	_ =	swait.ge [sflag:s20], $0x4000  }
0xbe: {  	[sflag:s20] =	ssyncset.done $0x0  }
0xbf: {  	[sflag:s20] =	ssyncadd.s32 $0xFFFFC000  }
0xc0: {  	[tilespmem:s12], [sflag:$0x1] =	stream.indirect.gather [hbm4b:s2+s16], $0x80, s0, s16, $0xb8;
	[tilespmem:$0x1D000] =	vst v63  }
0xc1: {  	_ =	swait.ge [sflag:s21], $0x4000  }
0xc2: {  	[sflag:s21] =	ssyncset.done $0x0  }
0xc3: {  	[sflag:s21] =	ssyncadd.s32 $0xFFFFC000  }
0xc4: {  	[tilespmem:s17], [sflag:$0x2] =	stream.indirect.gather [hbm4b:s2+s16], $0x80, s6, s16, $0xb8;
	[tilespmem:$0x1D000] =	vst v63  }
0xc5: {  	_ =	swait.ge [sflag:s18], $0x4000  }
0xc6: {  	[sflag:s18] =	ssyncset.done $0x0  }
0xc7: {  	[sflag:s18] =	ssyncadd.s32 $0xFFFFC000  }
0xc8: {  	[spmem:s3] =	stream.indirect.scatter.add.f32 [tilespmem:s12], [sflag:$0x3], $0x80, s7, s16, $0xb8;
	[tilespmem:$0x1D000] =	vst v63  }
0xc9: {  	_ =	swait.ge [sflag:s19], $0x4000  }
0xca: {  	[sflag:s19] =	ssyncset.done $0x0  }
0xcb: {  	[sflag:s19] =	ssyncadd.s32 $0xFFFFC000  }
0xcc: {  	[spmem:s3] =	stream.indirect.scatter.add.f32 [tilespmem:s17], [sflag:$0x4], $0x80, s8, s16, $0xb8;
	[tilespmem:$0x1D000] =	vst v63  }
0xcd: {  	_ =	swait.ge [sflag:s20], $0x4000  }
0xce: {  	[sflag:s20] =	ssyncset.done $0x0  }
0xcf: {  	[sflag:s20] =	ssyncadd.s32 $0xFFFFC000  }
0xd0: {  	s10 =	simm.s32 $0x100;
	_ =	swait.ge [sflag:s21], $0x4000  }
0xd1: {  	s11 =	simm.s32 $0x200;
	s5 =	rddreg [dreg:$0x4];
	[sflag:s21] =	ssyncset.done $0x0  }
.LBB2_4:
0xd2: {  	[sflag:s21] =	ssyncadd.s32 $0xFFFFC000;
	s5 =	sadd.s32 s10, s5  }
0xd3: {  	[tilespmem:s14], [sflag:$0x5] =	stream.linear.gather [hbm4b:s5+s4], $0x800, $0x38;
	[tilespmem:$0x1D000] =	vst v63  }
0xd4: {  	_ =	swait.ge [sflag:s13], $0x800  }
0xd5: {  	s5 =	rddreg [dreg:$0x5];
	[sflag:s13] =	ssyncset.done $0x0  }
0xd6: {  	[sflag:s13] =	ssyncadd.s32 $0xFFFFF800;
	s5 =	sadd.s32 s10, s5  }
0xd7: {  	[tilespmem:s15], [sflag:$0x5] =	stream.linear.gather [hbm4b:s5+s4], $0x800, $0x38;
	[tilespmem:$0x1D000] =	vst v63  }
0xd8: {  	_ =	swait.ge [sflag:s13], $0x800  }
0xd9: {  	[sflag:s13] =	ssyncset.done $0x0  }
0xda: {  	s9 =	smov.u32 s11;
	[sflag:s13] =	ssyncadd.s32 $0xFFFFF800  }
0xdb: {  	[tilespmem:s12], [sflag:$0x1] =	stream.indirect.gather [hbm4b:s2+s16], $0x80, s14, s16, $0xb8;
	[tilespmem:$0x1D000] =	vst v63  }
0xdc: {  	s10 =	smov.u32 s9;
	s9 =	rddreg [dreg:$0x6]  }
0xdd: {  	[tilespmem:s17], [sflag:$0x2] =	stream.indirect.gather [hbm4b:s2+s16], $0x80, s9, s16, $0xb8;
	[tilespmem:$0x1D000] =	vst v63  }
0xde: {  	_ =	swait.ge [sflag:s18], $0x4000  }
0xdf: {  	[sflag:s18] =	ssyncset.done $0x0  }
0xe0: {  	[sflag:s18] =	ssyncadd.s32 $0xFFFFC000  }
0xe1: {  	[spmem:s3] =	stream.indirect.scatter.add.f32 [tilespmem:s12], [sflag:$0x3], $0x80, s15, s16, $0xb8;
	[tilespmem:$0x1D000] =	vst v63  }
0xe2: {  	_ =	swait.ge [sflag:s19], $0x4000  }
0xe3: {  	[sflag:s19] =	ssyncset.done $0x0  }
0xe4: {  	s9 =	rddreg [dreg:$0x7];
	[sflag:s19] =	ssyncadd.s32 $0xFFFFC000  }
0xe5: {  	[spmem:s3] =	stream.indirect.scatter.add.f32 [tilespmem:s17], [sflag:$0x4], $0x80, s9, s16, $0xb8;
	[tilespmem:$0x1D000] =	vst v63  }
0xe6: {  	_ =	swait.ge [sflag:s20], $0x4000  }
0xe7: {  	[sflag:s20] =	ssyncset.done $0x0  }
0xe8: {  	s9 =	rddreg [dreg:$0x8];
	[sflag:s20] =	ssyncadd.s32 $0xFFFFC000  }
0xe9: {  	[tilespmem:s12], [sflag:$0x1] =	stream.indirect.gather [hbm4b:s2+s16], $0x80, s9, s16, $0xb8;
	[tilespmem:$0x1D000] =	vst v63  }
0xea: {  	_ =	swait.ge [sflag:s21], $0x4000  }
0xeb: {  	[sflag:s21] =	ssyncset.done $0x0  }
0xec: {  	s9 =	rddreg [dreg:$0x9];
	[sflag:s21] =	ssyncadd.s32 $0xFFFFC000  }
0xed: {  	[tilespmem:s17], [sflag:$0x2] =	stream.indirect.gather [hbm4b:s2+s16], $0x80, s9, s16, $0xb8;
	[tilespmem:$0x1D000] =	vst v63  }
0xee: {  	_ =	swait.ge [sflag:s18], $0x4000  }
0xef: {  	[sflag:s18] =	ssyncset.done $0x0  }
0xf0: {  	s9 =	rddreg [dreg:$0xa];
	[sflag:s18] =	ssyncadd.s32 $0xFFFFC000  }
0xf1: {  	[spmem:s3] =	stream.indirect.scatter.add.f32 [tilespmem:s12], [sflag:$0x3], $0x80, s9, s16, $0xb8;
	[tilespmem:$0x1D000] =	vst v63  }
0xf2: {  	_ =	swait.ge [sflag:s19], $0x4000  }
0xf3: {  	[sflag:s19] =	ssyncset.done $0x0  }
0xf4: {  	s9 =	rddreg [dreg:$0xb];
	[sflag:s19] =	ssyncadd.s32 $0xFFFFC000  }
0xf5: {  	[spmem:s3] =	stream.indirect.scatter.add.f32 [tilespmem:s17], [sflag:$0x4], $0x80, s9, s16, $0xb8;
	[tilespmem:$0x1D000] =	vst v63  }
0xf6: {  	_ =	swait.ge [sflag:s20], $0x4000  }
0xf7: {  	[sflag:s20] =	ssyncset.done $0x0  }
0xf8: {  	s9 =	rddreg [dreg:$0xc];
	[sflag:s20] =	ssyncadd.s32 $0xFFFFC000  }
0xf9: {  	[tilespmem:s12], [sflag:$0x1] =	stream.indirect.gather [hbm4b:s2+s16], $0x80, s9, s16, $0xb8;
	[tilespmem:$0x1D000] =	vst v63  }
0xfa: {  	_ =	swait.ge [sflag:s21], $0x4000  }
0xfb: {  	[sflag:s21] =	ssyncset.done $0x0  }
0xfc: {  	s9 =	rddreg [dreg:$0xd];
	[sflag:s21] =	ssyncadd.s32 $0xFFFFC000  }
0xfd: {  	[tilespmem:s17], [sflag:$0x2] =	stream.indirect.gather [hbm4b:s2+s16], $0x80, s9, s16, $0xb8;
	[tilespmem:$0x1D000] =	vst v63  }
0xfe: {  	_ =	swait.ge [sflag:s18], $0x4000  }
0xff: {  	[sflag:s18] =	ssyncset.done $0x0  }
0x100: {  	s9 =	rddreg [dreg:$0xe];
	[sflag:s18] =	ssyncadd.s32 $0xFFFFC000  }
0x101: {  	[spmem:s3] =	stream.indirect.scatter.add.f32 [tilespmem:s12], [sflag:$0x3], $0x80, s9, s16, $0xb8;
	[tilespmem:$0x1D000] =	vst v63  }
0x102: {  	_ =	swait.ge [sflag:s19], $0x4000  }
0x103: {  	[sflag:s19] =	ssyncset.done $0x0  }
0x104: {  	s9 =	rddreg [dreg:$0xf];
	[sflag:s19] =	ssyncadd.s32 $0xFFFFC000  }
0x105: {  	[spmem:s3] =	stream.indirect.scatter.add.f32 [tilespmem:s17], [sflag:$0x4], $0x80, s9, s16, $0xb8;
	[tilespmem:$0x1D000] =	vst v63  }
0x106: {  	_ =	swait.ge [sflag:s20], $0x4000  }
0x107: {  	[sflag:s20] =	ssyncset.done $0x0  }
0x108: {  	s9 =	rddreg [dreg:$0x10];
	[sflag:s20] =	ssyncadd.s32 $0xFFFFC000  }
0x109: {  	[tilespmem:s12], [sflag:$0x1] =	stream.indirect.gather [hbm4b:s2+s16], $0x80, s9, s16, $0xb8;
	[tilespmem:$0x1D000] =	vst v63  }
0x10a: {  	_ =	swait.ge [sflag:s21], $0x4000  }
0x10b: {  	[sflag:s21] =	ssyncset.done $0x0  }
0x10c: {  	s9 =	rddreg [dreg:$0x11];
	[sflag:s21] =	ssyncadd.s32 $0xFFFFC000  }
0x10d: {  	[tilespmem:s17], [sflag:$0x2] =	stream.indirect.gather [hbm4b:s2+s16], $0x80, s9, s16, $0xb8;
	[tilespmem:$0x1D000] =	vst v63  }
0x10e: {  	_ =	swait.ge [sflag:s18], $0x4000  }
0x10f: {  	[sflag:s18] =	ssyncset.done $0x0  }
0x110: {  	s9 =	rddreg [dreg:$0x12];
	[sflag:s18] =	ssyncadd.s32 $0xFFFFC000  }
0x111: {  	[spmem:s3] =	stream.indirect.scatter.add.f32 [tilespmem:s12], [sflag:$0x3], $0x80, s9, s16, $0xb8;
	[tilespmem:$0x1D000] =	vst v63  }
0x112: {  	_ =	swait.ge [sflag:s19], $0x4000  }
0x113: {  	[sflag:s19] =	ssyncset.done $0x0  }
0x114: {  	s9 =	rddreg [dreg:$0x13];
	[sflag:s19] =	ssyncadd.s32 $0xFFFFC000  }
0x115: {  	[spmem:s3] =	stream.indirect.scatter.add.f32 [tilespmem:s17], [sflag:$0x4], $0x80, s9, s16, $0xb8;
	[tilespmem:$0x1D000] =	vst v63  }
0x116: {  	_ =	swait.ge [sflag:s20], $0x4000  }
0x117: {  	[sflag:s20] =	ssyncset.done $0x0  }
0x118: {  	s9 =	rddreg [dreg:$0x14];
	[sflag:s20] =	ssyncadd.s32 $0xFFFFC000  }
0x119: {  	[tilespmem:s12], [sflag:$0x1] =	stream.indirect.gather [hbm4b:s2+s16], $0x80, s9, s16, $0xb8;
	[tilespmem:$0x1D000] =	vst v63  }
0x11a: {  	_ =	swait.ge [sflag:s21], $0x4000  }
0x11b: {  	[sflag:s21] =	ssyncset.done $0x0  }
0x11c: {  	s9 =	rddreg [dreg:$0x15];
	[sflag:s21] =	ssyncadd.s32 $0xFFFFC000  }
0x11d: {  	[tilespmem:s17], [sflag:$0x2] =	stream.indirect.gather [hbm4b:s2+s16], $0x80, s9, s16, $0xb8;
	[tilespmem:$0x1D000] =	vst v63  }
0x11e: {  	_ =	swait.ge [sflag:s18], $0x4000  }
0x11f: {  	[sflag:s18] =	ssyncset.done $0x0  }
0x120: {  	[sflag:s18] =	ssyncadd.s32 $0xFFFFC000  }
0x121: {  	[spmem:s3] =	stream.indirect.scatter.add.f32 [tilespmem:s12], [sflag:$0x3], $0x80, s22, s16, $0xb8;
	[tilespmem:$0x1D000] =	vst v63  }
0x122: {  	_ =	swait.ge [sflag:s19], $0x4000  }
0x123: {  	[sflag:s19] =	ssyncset.done $0x0  }
0x124: {  	[sflag:s19] =	ssyncadd.s32 $0xFFFFC000  }
0x125: {  	[spmem:s3] =	stream.indirect.scatter.add.f32 [tilespmem:s17], [sflag:$0x4], $0x80, s23, s16, $0xb8;
	[tilespmem:$0x1D000] =	vst v63  }
0x126: {  	_ =	swait.ge [sflag:s20], $0x4000  }
0x127: {  	[sflag:s20] =	ssyncset.done $0x0  }
0x128: {  	[sflag:s20] =	ssyncadd.s32 $0xFFFFC000  }
0x129: {  	[tilespmem:s12], [sflag:$0x1] =	stream.indirect.gather [hbm4b:s2+s16], $0x80, s24, s16, $0xb8;
	[tilespmem:$0x1D000] =	vst v63  }
0x12a: {  	_ =	swait.ge [sflag:s21], $0x4000  }
0x12b: {  	[sflag:s21] =	ssyncset.done $0x0  }
0x12c: {  	[sflag:s21] =	ssyncadd.s32 $0xFFFFC000  }
0x12d: {  	[tilespmem:s17], [sflag:$0x2] =	stream.indirect.gather [hbm4b:s2+s16], $0x80, s25, s16, $0xb8;
	[tilespmem:$0x1D000] =	vst v63  }
0x12e: {  	_ =	swait.ge [sflag:s18], $0x4000  }
0x12f: {  	[sflag:s18] =	ssyncset.done $0x0  }
0x130: {  	[sflag:s18] =	ssyncadd.s32 $0xFFFFC000  }
0x131: {  	[spmem:s3] =	stream.indirect.scatter.add.f32 [tilespmem:s12], [sflag:$0x3], $0x80, s26, s16, $0xb8;
	[tilespmem:$0x1D000] =	vst v63  }
0x132: {  	_ =	swait.ge [sflag:s19], $0x4000  }
0x133: {  	[sflag:s19] =	ssyncset.done $0x0  }
0x134: {  	[sflag:s19] =	ssyncadd.s32 $0xFFFFC000  }
0x135: {  	[spmem:s3] =	stream.indirect.scatter.add.f32 [tilespmem:s17], [sflag:$0x4], $0x80, s28, s16, $0xb8;
	[tilespmem:$0x1D000] =	vst v63  }
0x136: {  	_ =	swait.ge [sflag:s20], $0x4000  }
0x137: {  	[sflag:s20] =	ssyncset.done $0x0  }
0x138: {  	[sflag:s20] =	ssyncadd.s32 $0xFFFFC000  }
0x139: {  	[tilespmem:s12], [sflag:$0x1] =	stream.indirect.gather [hbm4b:s2+s16], $0x80, s29, s16, $0xb8;
	[tilespmem:$0x1D000] =	vst v63  }
0x13a: {  	_ =	swait.ge [sflag:s21], $0x4000  }
0x13b: {  	[sflag:s21] =	ssyncset.done $0x0  }
0x13c: {  	[sflag:s21] =	ssyncadd.s32 $0xFFFFC000  }
0x13d: {  	[tilespmem:s17], [sflag:$0x2] =	stream.indirect.gather [hbm4b:s2+s16], $0x80, s30, s16, $0xb8;
	[tilespmem:$0x1D000] =	vst v63  }
0x13e: {  	_ =	swait.ge [sflag:s18], $0x4000  }
0x13f: {  	[sflag:s18] =	ssyncset.done $0x0  }
0x140: {  	[sflag:s18] =	ssyncadd.s32 $0xFFFFC000  }
0x141: {  	[spmem:s3] =	stream.indirect.scatter.add.f32 [tilespmem:s12], [sflag:$0x3], $0x80, s31, s16, $0xb8;
	[tilespmem:$0x1D000] =	vst v63  }
0x142: {  	_ =	swait.ge [sflag:s19], $0x4000  }
0x143: {  	[sflag:s19] =	ssyncset.done $0x0  }
0x144: {  	[sflag:s19] =	ssyncadd.s32 $0xFFFFC000  }
0x145: {  	[spmem:s3] =	stream.indirect.scatter.add.f32 [tilespmem:s17], [sflag:$0x4], $0x80, s1, s16, $0xb8;
	[tilespmem:$0x1D000] =	vst v63  }
0x146: {  	_ =	swait.ge [sflag:s20], $0x4000  }
0x147: {  	[sflag:s20] =	ssyncset.done $0x0  }
0x148: {  	[sflag:s20] =	ssyncadd.s32 $0xFFFFC000  }
0x149: {  	[tilespmem:s12], [sflag:$0x1] =	stream.indirect.gather [hbm4b:s2+s16], $0x80, s0, s16, $0xb8;
	[tilespmem:$0x1D000] =	vst v63  }
0x14a: {  	_ =	swait.ge [sflag:s21], $0x4000  }
0x14b: {  	[sflag:s21] =	ssyncset.done $0x0  }
0x14c: {  	[sflag:s21] =	ssyncadd.s32 $0xFFFFC000  }
0x14d: {  	[tilespmem:s17], [sflag:$0x2] =	stream.indirect.gather [hbm4b:s2+s16], $0x80, s6, s16, $0xb8;
	[tilespmem:$0x1D000] =	vst v63  }
0x14e: {  	_ =	swait.ge [sflag:s18], $0x4000  }
0x14f: {  	[sflag:s18] =	ssyncset.done $0x0  }
0x150: {  	[sflag:s18] =	ssyncadd.s32 $0xFFFFC000  }
0x151: {  	[spmem:s3] =	stream.indirect.scatter.add.f32 [tilespmem:s12], [sflag:$0x3], $0x80, s7, s16, $0xb8;
	[tilespmem:$0x1D000] =	vst v63  }
0x152: {  	_ =	swait.ge [sflag:s19], $0x4000  }
0x153: {  	[sflag:s19] =	ssyncset.done $0x0  }
0x154: {  	p0 =	sne.s32 s11, $0x400;
	[sflag:s19] =	ssyncadd.s32 $0xFFFFC000  }
0x155: {  	[spmem:s3] =	stream.indirect.scatter.add.f32 [tilespmem:s17], [sflag:$0x4], $0x80, s8, s16, $0xb8;
	[tilespmem:$0x1D000] =	vst v63  }
.Ltmp1:
0x156: {  	_ =	swait.ge [sflag:s20], $0x4000;
	(pc) =	sbr.rel @p0 .LBB2_4-.Ltmp1, $4  }
0x157: {  	[sflag:s20] =	ssyncset.done $0x0  }
0x158: {  	[sflag:s20] =	ssyncadd.s32 $0xFFFFC000  }
0x159: {  	_ =	swait.ge [sflag:s21], $0x4000  }
0x15a: {  	s11 =	sadd.s32 $0x100, s11;
	s5 =	rddreg [dreg:$0x4];
	[sflag:s21] =	ssyncset.done $0x0  }
0x15b: {  	[sflag:s21] =	ssyncadd.s32 $0xFFFFC000;
	s5 =	sadd.s32 s10, s5  }
0x15c: {  	[tilespmem:s14], [sflag:$0x5] =	stream.linear.gather [hbm4b:s5+s4], $0x800, $0x38;
	[tilespmem:$0x1D000] =	vst v63  }
0x15d: {  	_ =	swait.ge [sflag:s13], $0x800  }
0x15e: {  	s11 =	rddreg [dreg:$0x5];
	[sflag:s13] =	ssyncset.done $0x0  }
0x15f: {  	[sflag:s13] =	ssyncadd.s32 $0xFFFFF800;
	s5 =	sadd.s32 s10, s11  }
0x160: {  	[tilespmem:s15], [sflag:$0x5] =	stream.linear.gather [hbm4b:s5+s4], $0x800, $0x38;
	[tilespmem:$0x1D000] =	vst v63  }
0x161: {  	_ =	swait.ge [sflag:s13], $0x800  }
0x162: {  	[sflag:s13] =	ssyncset.done $0x0  }
0x163: {  	[sflag:s13] =	ssyncadd.s32 $0xFFFFF800  }
0x164: {  	[tilespmem:s12], [sflag:$0x1] =	stream.indirect.gather [hbm4b:s2+s16], $0x80, s14, s16, $0xb8;
	[tilespmem:$0x1D000] =	vst v63  }
0x165: {  	s9 =	rddreg [dreg:$0x6]  }
0x166: {  	[tilespmem:s17], [sflag:$0x2] =	stream.indirect.gather [hbm4b:s2+s16], $0x80, s9, s16, $0xb8;
	[tilespmem:$0x1D000] =	vst v63  }
0x167: {  	_ =	swait.ge [sflag:s18], $0x4000  }
0x168: {  	[sflag:s18] =	ssyncset.done $0x0  }
0x169: {  	[sflag:s18] =	ssyncadd.s32 $0xFFFFC000  }
0x16a: {  	[spmem:s3] =	stream.indirect.scatter.add.f32 [tilespmem:s12], [sflag:$0x3], $0x80, s15, s16, $0xb8;
	[tilespmem:$0x1D000] =	vst v63  }
0x16b: {  	_ =	swait.ge [sflag:s19], $0x4000  }
0x16c: {  	[sflag:s19] =	ssyncset.done $0x0  }
0x16d: {  	s10 =	rddreg [dreg:$0x7];
	[sflag:s19] =	ssyncadd.s32 $0xFFFFC000  }
0x16e: {  	[spmem:s3] =	stream.indirect.scatter.add.f32 [tilespmem:s17], [sflag:$0x4], $0x80, s10, s16, $0xb8;
	[tilespmem:$0x1D000] =	vst v63  }
0x16f: {  	_ =	swait.ge [sflag:s20], $0x4000  }
0x170: {  	[sflag:s20] =	ssyncset.done $0x0  }
0x171: {  	s11 =	rddreg [dreg:$0x8];
	[sflag:s20] =	ssyncadd.s32 $0xFFFFC000  }
0x172: {  	[tilespmem:s12], [sflag:$0x1] =	stream.indirect.gather [hbm4b:s2+s16], $0x80, s11, s16, $0xb8;
	[tilespmem:$0x1D000] =	vst v63  }
0x173: {  	_ =	swait.ge [sflag:s21], $0x4000  }
0x174: {  	[sflag:s21] =	ssyncset.done $0x0  }
0x175: {  	s9 =	rddreg [dreg:$0x9];
	[sflag:s21] =	ssyncadd.s32 $0xFFFFC000  }
0x176: {  	[tilespmem:s17], [sflag:$0x2] =	stream.indirect.gather [hbm4b:s2+s16], $0x80, s9, s16, $0xb8;
	[tilespmem:$0x1D000] =	vst v63  }
0x177: {  	_ =	swait.ge [sflag:s18], $0x4000  }
0x178: {  	[sflag:s18] =	ssyncset.done $0x0  }
0x179: {  	s10 =	rddreg [dreg:$0xa];
	[sflag:s18] =	ssyncadd.s32 $0xFFFFC000  }
0x17a: {  	[spmem:s3] =	stream.indirect.scatter.add.f32 [tilespmem:s12], [sflag:$0x3], $0x80, s10, s16, $0xb8;
	[tilespmem:$0x1D000] =	vst v63  }
0x17b: {  	_ =	swait.ge [sflag:s19], $0x4000  }
0x17c: {  	[sflag:s19] =	ssyncset.done $0x0  }
0x17d: {  	s11 =	rddreg [dreg:$0xb];
	[sflag:s19] =	ssyncadd.s32 $0xFFFFC000  }
0x17e: {  	[spmem:s3] =	stream.indirect.scatter.add.f32 [tilespmem:s17], [sflag:$0x4], $0x80, s11, s16, $0xb8;
	[tilespmem:$0x1D000] =	vst v63  }
0x17f: {  	_ =	swait.ge [sflag:s20], $0x4000  }
0x180: {  	[sflag:s20] =	ssyncset.done $0x0  }
0x181: {  	s9 =	rddreg [dreg:$0xc];
	[sflag:s20] =	ssyncadd.s32 $0xFFFFC000  }
0x182: {  	[tilespmem:s12], [sflag:$0x1] =	stream.indirect.gather [hbm4b:s2+s16], $0x80, s9, s16, $0xb8;
	[tilespmem:$0x1D000] =	vst v63  }
0x183: {  	_ =	swait.ge [sflag:s21], $0x4000  }
0x184: {  	[sflag:s21] =	ssyncset.done $0x0  }
0x185: {  	s10 =	rddreg [dreg:$0xd];
	[sflag:s21] =	ssyncadd.s32 $0xFFFFC000  }
0x186: {  	[tilespmem:s17], [sflag:$0x2] =	stream.indirect.gather [hbm4b:s2+s16], $0x80, s10, s16, $0xb8;
	[tilespmem:$0x1D000] =	vst v63  }
0x187: {  	_ =	swait.ge [sflag:s18], $0x4000  }
0x188: {  	[sflag:s18] =	ssyncset.done $0x0  }
0x189: {  	s11 =	rddreg [dreg:$0xe];
	[sflag:s18] =	ssyncadd.s32 $0xFFFFC000  }
0x18a: {  	[spmem:s3] =	stream.indirect.scatter.add.f32 [tilespmem:s12], [sflag:$0x3], $0x80, s11, s16, $0xb8;
	[tilespmem:$0x1D000] =	vst v63  }
0x18b: {  	_ =	swait.ge [sflag:s19], $0x4000  }
0x18c: {  	[sflag:s19] =	ssyncset.done $0x0  }
0x18d: {  	s9 =	rddreg [dreg:$0xf];
	[sflag:s19] =	ssyncadd.s32 $0xFFFFC000  }
0x18e: {  	[spmem:s3] =	stream.indirect.scatter.add.f32 [tilespmem:s17], [sflag:$0x4], $0x80, s9, s16, $0xb8;
	[tilespmem:$0x1D000] =	vst v63  }
0x18f: {  	_ =	swait.ge [sflag:s20], $0x4000  }
0x190: {  	[sflag:s20] =	ssyncset.done $0x0  }
0x191: {  	s10 =	rddreg [dreg:$0x10];
	[sflag:s20] =	ssyncadd.s32 $0xFFFFC000  }
0x192: {  	[tilespmem:s12], [sflag:$0x1] =	stream.indirect.gather [hbm4b:s2+s16], $0x80, s10, s16, $0xb8;
	[tilespmem:$0x1D000] =	vst v63  }
0x193: {  	_ =	swait.ge [sflag:s21], $0x4000  }
0x194: {  	[sflag:s21] =	ssyncset.done $0x0  }
0x195: {  	s11 =	rddreg [dreg:$0x11];
	[sflag:s21] =	ssyncadd.s32 $0xFFFFC000  }
0x196: {  	[tilespmem:s17], [sflag:$0x2] =	stream.indirect.gather [hbm4b:s2+s16], $0x80, s11, s16, $0xb8;
	[tilespmem:$0x1D000] =	vst v63  }
0x197: {  	_ =	swait.ge [sflag:s18], $0x4000  }
0x198: {  	[sflag:s18] =	ssyncset.done $0x0  }
0x199: {  	s9 =	rddreg [dreg:$0x12];
	[sflag:s18] =	ssyncadd.s32 $0xFFFFC000  }
0x19a: {  	[spmem:s3] =	stream.indirect.scatter.add.f32 [tilespmem:s12], [sflag:$0x3], $0x80, s9, s16, $0xb8;
	[tilespmem:$0x1D000] =	vst v63  }
0x19b: {  	_ =	swait.ge [sflag:s19], $0x4000  }
0x19c: {  	[sflag:s19] =	ssyncset.done $0x0  }
0x19d: {  	s10 =	rddreg [dreg:$0x13];
	[sflag:s19] =	ssyncadd.s32 $0xFFFFC000  }
0x19e: {  	[spmem:s3] =	stream.indirect.scatter.add.f32 [tilespmem:s17], [sflag:$0x4], $0x80, s10, s16, $0xb8;
	[tilespmem:$0x1D000] =	vst v63  }
0x19f: {  	_ =	swait.ge [sflag:s20], $0x4000  }
0x1a0: {  	[sflag:s20] =	ssyncset.done $0x0  }
0x1a1: {  	s11 =	rddreg [dreg:$0x14];
	[sflag:s20] =	ssyncadd.s32 $0xFFFFC000  }
0x1a2: {  	[tilespmem:s12], [sflag:$0x1] =	stream.indirect.gather [hbm4b:s2+s16], $0x80, s11, s16, $0xb8;
	[tilespmem:$0x1D000] =	vst v63  }
0x1a3: {  	_ =	swait.ge [sflag:s21], $0x4000  }
0x1a4: {  	[sflag:s21] =	ssyncset.done $0x0  }
0x1a5: {  	s9 =	rddreg [dreg:$0x15];
	[sflag:s21] =	ssyncadd.s32 $0xFFFFC000  }
0x1a6: {  	[tilespmem:s17], [sflag:$0x2] =	stream.indirect.gather [hbm4b:s2+s16], $0x80, s9, s16, $0xb8;
	[tilespmem:$0x1D000] =	vst v63  }
0x1a7: {  	_ =	swait.ge [sflag:s18], $0x4000  }
0x1a8: {  	[sflag:s18] =	ssyncset.done $0x0  }
0x1a9: {  	[sflag:s18] =	ssyncadd.s32 $0xFFFFC000  }
0x1aa: {  	[spmem:s3] =	stream.indirect.scatter.add.f32 [tilespmem:s12], [sflag:$0x3], $0x80, s22, s16, $0xb8;
	[tilespmem:$0x1D000] =	vst v63  }
0x1ab: {  	_ =	swait.ge [sflag:s19], $0x4000  }
0x1ac: {  	[sflag:s19] =	ssyncset.done $0x0  }
0x1ad: {  	[sflag:s19] =	ssyncadd.s32 $0xFFFFC000  }
0x1ae: {  	[spmem:s3] =	stream.indirect.scatter.add.f32 [tilespmem:s17], [sflag:$0x4], $0x80, s23, s16, $0xb8;
	[tilespmem:$0x1D000] =	vst v63  }
0x1af: {  	_ =	swait.ge [sflag:s20], $0x4000  }
0x1b0: {  	[sflag:s20] =	ssyncset.done $0x0  }
0x1b1: {  	[sflag:s20] =	ssyncadd.s32 $0xFFFFC000  }
0x1b2: {  	[tilespmem:s12], [sflag:$0x1] =	stream.indirect.gather [hbm4b:s2+s16], $0x80, s24, s16, $0xb8;
	[tilespmem:$0x1D000] =	vst v63  }
0x1b3: {  	_ =	swait.ge [sflag:s21], $0x4000  }
0x1b4: {  	[sflag:s21] =	ssyncset.done $0x0  }
0x1b5: {  	[sflag:s21] =	ssyncadd.s32 $0xFFFFC000  }
0x1b6: {  	[tilespmem:s17], [sflag:$0x2] =	stream.indirect.gather [hbm4b:s2+s16], $0x80, s25, s16, $0xb8;
	[tilespmem:$0x1D000] =	vst v63  }
0x1b7: {  	_ =	swait.ge [sflag:s18], $0x4000  }
0x1b8: {  	[sflag:s18] =	ssyncset.done $0x0  }
0x1b9: {  	[sflag:s18] =	ssyncadd.s32 $0xFFFFC000  }
0x1ba: {  	[spmem:s3] =	stream.indirect.scatter.add.f32 [tilespmem:s12], [sflag:$0x3], $0x80, s26, s16, $0xb8;
	[tilespmem:$0x1D000] =	vst v63  }
0x1bb: {  	_ =	swait.ge [sflag:s19], $0x4000  }
0x1bc: {  	[sflag:s19] =	ssyncset.done $0x0  }
0x1bd: {  	[sflag:s19] =	ssyncadd.s32 $0xFFFFC000  }
0x1be: {  	[spmem:s3] =	stream.indirect.scatter.add.f32 [tilespmem:s17], [sflag:$0x4], $0x80, s28, s16, $0xb8;
	[tilespmem:$0x1D000] =	vst v63  }
0x1bf: {  	_ =	swait.ge [sflag:s20], $0x4000  }
0x1c0: {  	[sflag:s20] =	ssyncset.done $0x0  }
0x1c1: {  	[sflag:s20] =	ssyncadd.s32 $0xFFFFC000  }
0x1c2: {  	[tilespmem:s12], [sflag:$0x1] =	stream.indirect.gather [hbm4b:s2+s16], $0x80, s29, s16, $0xb8;
	[tilespmem:$0x1D000] =	vst v63  }
0x1c3: {  	_ =	swait.ge [sflag:s21], $0x4000  }
0x1c4: {  	[sflag:s21] =	ssyncset.done $0x0  }
0x1c5: {  	[sflag:s21] =	ssyncadd.s32 $0xFFFFC000  }
0x1c6: {  	[tilespmem:s17], [sflag:$0x2] =	stream.indirect.gather [hbm4b:s2+s16], $0x80, s30, s16, $0xb8;
	[tilespmem:$0x1D000] =	vst v63  }
0x1c7: {  	_ =	swait.ge [sflag:s18], $0x4000  }
0x1c8: {  	[sflag:s18] =	ssyncset.done $0x0  }
0x1c9: {  	[sflag:s18] =	ssyncadd.s32 $0xFFFFC000  }
0x1ca: {  	[spmem:s3] =	stream.indirect.scatter.add.f32 [tilespmem:s12], [sflag:$0x3], $0x80, s31, s16, $0xb8;
	[tilespmem:$0x1D000] =	vst v63  }
0x1cb: {  	_ =	swait.ge [sflag:s19], $0x4000  }
0x1cc: {  	[sflag:s19] =	ssyncset.done $0x0  }
0x1cd: {  	[sflag:s19] =	ssyncadd.s32 $0xFFFFC000  }
0x1ce: {  	[spmem:s3] =	stream.indirect.scatter.add.f32 [tilespmem:s17], [sflag:$0x4], $0x80, s1, s16, $0xb8;
	[tilespmem:$0x1D000] =	vst v63  }
0x1cf: {  	_ =	swait.ge [sflag:s20], $0x4000  }
0x1d0: {  	[sflag:s20] =	ssyncset.done $0x0  }
0x1d1: {  	[sflag:s20] =	ssyncadd.s32 $0xFFFFC000  }
0x1d2: {  	[tilespmem:s12], [sflag:$0x1] =	stream.indirect.gather [hbm4b:s2+s16], $0x80, s0, s16, $0xb8;
	[tilespmem:$0x1D000] =	vst v63  }
0x1d3: {  	_ =	swait.ge [sflag:s21], $0x4000  }
0x1d4: {  	[sflag:s21] =	ssyncset.done $0x0  }
0x1d5: {  	[sflag:s21] =	ssyncadd.s32 $0xFFFFC000  }
0x1d6: {  	[tilespmem:s17], [sflag:$0x2] =	stream.indirect.gather [hbm4b:s2+s16], $0x80, s6, s16, $0xb8;
	[tilespmem:$0x1D000] =	vst v63  }
0x1d7: {  	_ =	swait.ge [sflag:s18], $0x4000  }
0x1d8: {  	[sflag:s18] =	ssyncset.done $0x0  }
0x1d9: {  	[sflag:s18] =	ssyncadd.s32 $0xFFFFC000  }
0x1da: {  	[spmem:s3] =	stream.indirect.scatter.add.f32 [tilespmem:s12], [sflag:$0x3], $0x80, s7, s16, $0xb8;
	[tilespmem:$0x1D000] =	vst v63  }
0x1db: {  	_ =	swait.ge [sflag:s19], $0x4000  }
0x1dc: {  	[sflag:s19] =	ssyncset.done $0x0  }
0x1dd: {  	[sflag:s19] =	ssyncadd.s32 $0xFFFFC000  }
0x1de: {  	[spmem:s3] =	stream.indirect.scatter.add.f32 [tilespmem:s17], [sflag:$0x4], $0x80, s8, s16, $0xb8;
	[tilespmem:$0x1D000] =	vst v63  }
0x1df: {  	_ =	swait.ge [sflag:s20], $0x4000  }
0x1e0: {  	[sflag:s20] =	ssyncset.done $0x0  }
0x1e1: {  	[sflag:s20] =	ssyncadd.s32 $0xFFFFC000  }
0x1e2: {  	_ =	swait.ge [sflag:s21], $0x4000  }
0x1e3: {  	[sflag:s21] =	ssyncset.done $0x0  }
0x1e4: {  	[sflag:s21] =	ssyncadd.s32 $0xFFFFC000  }
0x1e5: {  	s10 =	stileid.u32;
	[bflag:$0x0] =	sbarrier.arrive $0xFFFF  }
0x1e6: {  	s5 =	sshll.u32 s10, $0x6;
	s9 =	rddreg [dreg:$0x16]  }
0x1e7: {  	s5 =	sor.u32 $0x1C05, s5;
	s11 =	rddreg [dreg:$0x17];
	s9 =	sshrl.u32 s9, $0x3  }
0x1e8: {  	[hbm:s11], [sflag:s5] =	dma.local [spmem:s9], $0x2800  }
0x1e9: {  	_ =	swait.ge [sflag:s13], $0x2800  }
0x1ea: {  	s10 =	rddreg [dreg:$0x1d]  }
0x1eb: {  	s11 =	rddreg [dreg:$0x18];
	s9 =	sadd.s32 $0x1, s10  }
0x1ec: {  	p0 =	sne.s32 s9, s11  }
.Ltmp2:
0x1ed: {  	_ = 	snop;
	(pc) =	sbr.rel @p0 .LBB2_1-.Ltmp2, $3  }
0x1ee: {  	_ =	sdelay $0x1  }
0x1ef: {  	[sflag:s13] =	ssyncset.done $0x0  }
0x1f0: {  	[sflag:s13] =	ssyncadd.s32 $0xFFFFD800  }
0x1f1: {  	_ =	sfence.sel $0x180000  }
0x1f2: {  	[bflag:$0x0] =	sbarrier.arrive $0xFFFF  }
0x1f3: {  	_ =	strace $0x9000004A  }
0x1f4: {  	s0 =	stileid.u32;
	[bflag:$0x2] =	sbarrier.arrive $0xFFFF  }
0x1f5: {  	p0 =	sne.s32 s0, $0x0;
	s0 =	rddreg [dreg:$0x3]  }
0x1f6: {  	s0 =	sadd.s32 @!p0 $0x100000, s0  }
0x1f7: {  	[sflag:s0] =	ssyncadd.tile.s32 @!p0 $0x1;
	_ =	shalt  }
.Lfunc_end2:
_tile_overlayer_lowered:
.L_overlay_start_2:
0x1f8: {  	(tag) =	ssettag $0x2  }
0x1f9: {  	s0 =	rddreg [dreg:$0x0];
	s2 =	stileid.u32  }
0x1fa: {  	s1 =	rddreg [dreg:$0x1];
	p0 =	sne.s32 s2, $0x0  }
0x1fb: {  	s3 =	rddreg [dreg:$0x2];
	[bflag:$0x3] =	sbarrier.arrive $0xFFFF;
	s2 =	simm.s32 @!p0 $0x1C05  }
0x1fc: {  	[timem:s3], [sflag:s2] =	dma.local @!p0 [hbm:s0], s1  }
0x1fd: {  	s0 =	simm.s32 @!p0 $0x5  }
0x1fe: {  	_ =	swait.ge @!p0 [sflag:s0], s1  }
0x1ff: {  	s1 =	ssub.s32 @!p0 $0x0, s1;
	[sflag:s0] =	ssyncset.done @!p0 $0x0  }
0x200: {  	[sflag:s0] =	ssyncadd.s32 @!p0 s1  }
0x201: {  	[bflag:$0x3] =	sbarrier.arrive $0xFFFF  }
0x202: {  	_ =	shalt  }

// kernel: kernel.14.cloned.1.call-start
scs
__scs_entry_jumppad:
0x0: {  	(pc) =	sbr.rel $0x88, $3  }
0x1: {  	(tag) =	ssettag $0x0;
	lr =	simm.s32 $0x1  }
0x2: {  	[smem:$0x3F9B] =	sst lr;
	_ =	strace $0xD0000000  }
0x3: {  	_ = 	snop  }
0x4: {  	_ = 	snop  }
0x5: {  	_ = 	snop  }
0x6: {  	_ = 	snop  }
0x7: {  	_ = 	snop  }
__scs_overlays_trampoline_lowered:
0x8: {  	[smem:$0x3FAA] =	sst s0  }
0x9: {  	[smem:$0x3FAB] =	sst s1  }
0xa: {  	[smem:$0x3FAC] =	sst s2  }
0xb: {  	[smem:$0x3FAD] =	sst s3  }
0xc: {  	[smem:$0x3FAE] =	sst s4  }
0xd: {  	[smem:$0x3FAF] =	sst s5  }
0xe: {  	[smem:$0x3FB0] =	sst s6  }
0xf: {  	[smem:$0x3FB1] =	sst s7  }
0x10: {  	[smem:$0x3FB2] =	sst s8  }
0x11: {  	[smem:$0x3FB3] =	sst s9;
	s0 =	simm.s32 @!p0 $0x0  }
0x12: {  	s1 =	sld [smem:$0x3F99];
	s0 =	simm.s32 @p0 $0x1  }
0x13: {  	[smem:$0x3FB4] =	sst s0;
	s0 =	simm.s32 @!p1 $0x0  }
0x14: {  	s2 =	sld [smem:$0x3F98];
	s0 =	simm.s32 @p1 $0x1  }
0x15: {  	[smem:$0x3FB5] =	sst s0;
	s0 =	simm.s32 @!p2 $0x0  }
0x16: {  	s3 =	sld [smem:$0x3FDB];
	s0 =	simm.s32 @p2 $0x1  }
0x17: {  	s4 =	simm.s32 $0x1BF5;
	[smem:$0x3FB7] =	sst s0  }
0x18: {  	s0 =	sld [smem:$0x3F9A];
	_ =	swait.ge [sflag:s4], $0x0  }
0x19: {  	s7 =	sld [smem:$0x3F9B]  }
0x1a: {  	s8 =	sadd.s32 $0xFFFFE003, lr  }
0x1b: {  	s9 =	sadd.s32 $0xFFFFFEF7, lr;
	s5 =	simm.s32 $0xFFFFFFFF;
	p2 =	slt.u32 s8, $0xFFFFF086  }
0x1c: {  	p1 =	slt.u32 s9, $0xF7A;
	s5 =	simm.s32 @!p2 $0x0  }
0x1d: {  	s5 =	simm.s32 @p1 $0x1;
	p0 =	seq.s32 s7, s2  }
0x1e: {  	s7 =	smul.u32 @!p0 $0xF7A, s2;
	p2 =	seq.s32 @!p0 s5, $0x0  }
0x1f: {  	s9 =	smul.u32 $0xF7A, s1;
	s8 =	simm.s32 @!p0 $0x1BF5;
	p2 =	por !p2, p0  }
0x20: {  	[sflag:s8] =	ssyncset.s32 @!p0 $0xFFFFF086;
	s6 =	sadd.s32 @!p0 s3, s7;
	s7 =	simm.s32 @!p0 $0x108  }
0x21: {  	s3 =	sadd.s32 s3, s9;
	s6 =	sadd.s32 @!p0 $0x88, s6;
	s7 =	simm.s32 @p2 $0x1082  }
0x22: {  	[simem:s7], [sflag:s8] =	dma.local @!p0 [hbm:s6], $0xF7A  }
0x23: {  	s9 =	sor.u32 $0xD0000000, s2;
	s6 =	simm.s32 $0x108;
	_ =	swait.ge @!p0 [sflag:s8], $0x0  }
0x24: {  	s3 =	sadd.s32 $0x88, s3;
	s6 =	simm.s32 @!p1 $0x1082;
	[sflag:s4] =	ssyncset.s32 $0xFFFFF086  }
0x25: {  	[simem:s6], [sflag:s4] =	dma.local [hbm:s3], $0xF7A  }
0x26: {  	[smem:$0x3F9B] =	sst s1;
	(tag) =	ssettag s2;
	_ =	strace s9  }
0x27: {  	s1 =	sld [smem:$0x3FAB]  }
0x28: {  	s2 =	sld [smem:$0x3FAC]  }
0x29: {  	s4 =	sld [smem:$0x3FAE]  }
0x2a: {  	p0 =	seq.s32 s5, $0x0;
	s5 =	sld [smem:$0x3FAF]  }
0x2b: {  	s6 =	sld [smem:$0x3FB0]  }
0x2c: {  	s7 =	sld [smem:$0x3FB1]  }
0x2d: {  	s3 =	simm.s32 $0x108;
	s8 =	sld [smem:$0x3FB2]  }
0x2e: {  	s3 =	simm.s32 @!p0 $0x1082;
	s9 =	sld [smem:$0x3FB3]  }
0x2f: {  	lr =	sadd.s32 s0, s3;
	s0 =	sld [smem:$0x3FAA]  }
0x30: {  	s3 =	sld [smem:$0x3FAD]  }
0x31: {  	[smem:$0x3FB6] =	sst s10  }
0x32: {  	s10 =	sld [smem:$0x3FB4];
	_ =	sdelay $0x3  }
0x33: {  	p0 =	seq.s32 s10, $0x1;
	s10 =	sld [smem:$0x3FB6];
	_ =	sdelay $0x3  }
0x34: {  	[smem:$0x3FB6] =	sst s10  }
0x35: {  	s10 =	sld [smem:$0x3FB5];
	_ =	sdelay $0x3  }
0x36: {  	p1 =	seq.s32 s10, $0x1;
	s10 =	sld [smem:$0x3FB6];
	_ =	sdelay $0x3  }
0x37: {  	[smem:$0x3FB6] =	sst s10  }
0x38: {  	s10 =	sld [smem:$0x3FB7]  }
0x39: {  	_ = 	snop;
	(pc) =	sbr.ind lr, $3  }
0x3a: {  	_ = 	snop  }
0x3b: {  	_ = 	snop  }
0x3c: {  	p2 =	seq.s32 s10, $0x1;
	s10 =	sld [smem:$0x3FB6]  }
0x3d: {  	_ =	shalt  }
0x3e: {  	_ =	shalt  }
0x3f: {  	_ =	shalt  }
0x40: {  	_ =	shalt  }
0x41: {  	_ =	shalt  }
0x42: {  	_ =	shalt  }
0x43: {  	_ =	shalt  }
0x44: {  	_ =	shalt  }
0x45: {  	_ =	shalt  }
0x46: {  	_ =	shalt  }
0x47: {  	_ =	shalt  }
0x48: {  	_ =	shalt  }
0x49: {  	_ =	shalt  }
0x4a: {  	_ =	shalt  }
0x4b: {  	_ =	shalt  }
0x4c: {  	_ =	shalt  }
0x4d: {  	_ =	shalt  }
0x4e: {  	_ =	shalt  }
0x4f: {  	_ =	shalt  }
0x50: {  	_ =	shalt  }
0x51: {  	_ =	shalt  }
0x52: {  	_ =	shalt  }
0x53: {  	_ =	shalt  }
0x54: {  	_ =	shalt  }
0x55: {  	_ =	shalt  }
0x56: {  	_ =	shalt  }
0x57: {  	_ =	shalt  }
0x58: {  	_ =	shalt  }
0x59: {  	_ =	shalt  }
0x5a: {  	_ =	shalt  }
0x5b: {  	_ =	shalt  }
0x5c: {  	_ =	shalt  }
0x5d: {  	_ =	shalt  }
0x5e: {  	_ =	shalt  }
0x5f: {  	_ =	shalt  }
0x60: {  	_ =	shalt  }
0x61: {  	_ =	shalt  }
0x62: {  	_ =	shalt  }
0x63: {  	_ =	shalt  }
0x64: {  	_ =	shalt  }
0x65: {  	_ =	shalt  }
0x66: {  	_ =	shalt  }
0x67: {  	_ =	shalt  }
0x68: {  	_ =	shalt  }
0x69: {  	_ =	shalt  }
0x6a: {  	_ =	shalt  }
0x6b: {  	_ =	shalt  }
0x6c: {  	_ =	shalt  }
0x6d: {  	_ =	shalt  }
0x6e: {  	_ =	shalt  }
0x6f: {  	_ =	shalt  }
0x70: {  	_ =	shalt  }
0x71: {  	_ =	shalt  }
0x72: {  	_ =	shalt  }
0x73: {  	_ =	shalt  }
0x74: {  	_ =	shalt  }
0x75: {  	_ =	shalt  }
0x76: {  	_ =	shalt  }
0x77: {  	_ =	shalt  }
0x78: {  	_ =	shalt  }
0x79: {  	_ =	shalt  }
0x7a: {  	_ =	shalt  }
0x7b: {  	_ =	shalt  }
0x7c: {  	_ =	shalt  }
0x7d: {  	_ =	shalt  }
0x7e: {  	_ =	shalt  }
0x7f: {  	_ =	shalt  }
0x80: {  	_ =	shalt  }
0x81: {  	_ =	shalt  }
0x82: {  	_ =	shalt  }
0x83: {  	_ =	shalt  }
0x84: {  	_ =	shalt  }
0x85: {  	_ =	shalt  }
0x86: {  	_ =	shalt  }
0x87: {  	_ =	shalt  }
.Lfunc_end0:
.L_simem_size_0:
called_computation.2_lowered:
.L_overlay_start_0:
0x88: {  	s2 =	sld [smem:$0x3FD9]  }
0x89: {  	s3 =	sld [smem:$0x3FFE];
	_ =	sdelay $0x1  }
0x8a: {  	s1 =	srdreg.scid  }
0x8b: {  	s0 =	sand.u32 $0x1, s1  }
0x8c: {  	s16 =	sshll.u32 s0, $0xA;
	s2 =	sadd.s32 s3, s2  }
0x8d: {  	s2 =	sadd.s32 s2, s16  }
0x8e: {  	[smem:$0x3FC2] =	sst s2  }
0x8f: {  	_ = 	snop  }
0x90: {  	(tm) =	ssettm $0x1  }
0x91: {  	s17 =	sld [smem:$0x3FFB];
	_ =	sdelay $0x3  }
0x92: {  	_ =	strace s17  }
0x93: {  	s2 =	sld [smem:$0x3FFC];
	_ =	sdelay $0x3  }
0x94: {  	_ =	strace s2  }
0x95: {  	s2 =	sld [smem:$0x3FFD];
	_ =	sdelay $0x3  }
0x96: {  	_ =	strace s2  }
0x97: {  	_ =	strace $0x8FFFFFFF  }
0x98: {  	s18 =	sld [smem:$0x3FDB];
	_ =	sdelay $0x1  }
0x99: {  	s19 =	simm.s32 $_scs_section_size  }
0x9a: {  	s4 =	simm.s32 $_size__tile_overlayer_lowered;
	s5 =	simm.s32 $_tile_overlayer_lowered  }
0x9b: {  	s22 =	simm.s32 $0x1BFF;
	s21 =	sshll.u32 s5, $0x1;
	s2 =	sadd.s32 s19, s18  }
0x9c: {  	s6 =	simm.s32 $0x0;
	s20 =	sshll.u32 s4, $0x1;
	s4 =	sadd.s32 s21, s2  }
0x9d: {  	[timem:s6], [sflag:s22] =	dma.local [hbm:s4], s20  }
0x9e: {  	_ =	swait.ge [sflag:s22], s20  }
0x9f: {  	s3 =	ssub.s32 $0x0, s20;
	[sflag:s22] =	ssyncset.done $0x0  }
0xa0: {  	[sflag:s22] =	ssyncadd.s32 s3;
	_ =	sdelay $0x1  }
0xa1: {  	s23 =	simm.s32 $0x1B8B  }
0xa2: {  	_ =	swait.ge [sflag:s23], $0x1  }
0xa3: {  	[sflag:s23] =	ssyncset.done $0x0  }
0xa4: {  	s25 =	simm.s32 $0x1B8E;
	s24 =	sld [smem:$0x3FFE];
	[sflag:s23] =	ssyncadd.s32 $0xFFFFFFFF  }
0xa5: {  	s26 =	simm.s32 $execute0_lowered;
	[smem:$0x3FD2] =	sst s25  }
0xa6: {  	s4 =	sshll.u32 s26, $0x1;
	_ =	strace $0x8000004C;
	[dreg:$0x1] =	wrdreg $0xFFFFFFFF  }
0xa7: {  	s28 =	simm.s32 $_size_execute0_lowered;
	s2 =	sadd.s32 s2, s4;
	[dreg:$0x0] =	wrdreg $0x0  }
0xa8: {  	s4 =	sshll.u32 s28, $0x1;
	[dreg:$0x2] =	wrdreg s2  }
0xa9: {  	[dreg:$0x3] =	wrdreg s4  }
0xaa: {  	[dreg:$0x4] =	wrdreg $0xC0  }
0xab: {  	_ =	task [dreg:s6], $0x5FFFF  }
0xac: {  	[dreg:$0x1] =	wrdreg $0xFFFFFFFF  }
0xad: {  	[dreg:$0x0] =	wrdreg $0x60  }
0xae: {  	[dreg:$0x2] =	wrdreg s24  }
0xaf: {  	[dreg:$0x3] =	wrdreg $0x0  }
0xb0: {  	[dreg:$0x4] =	wrdreg $0x9  }
0xb1: {  	_ =	task.clear_ibuf [dreg:s6], $0x5FFFF;
	_ =	strace $0x9000004C  }
0xb2: {  	s29 =	simm.s32 $0x9;
	_ =	strace $0x8000004E  }
0xb3: {  	_ =	swait.ge [sflag:s29], $0x1  }
0xb4: {  	[sflag:s29] =	ssyncadd.s32 $0xFFFFFFFF  }
0xb5: {  	_ =	strace $0x9000004E  }
0xb6: {  	_ =	sfence  }
0xb7: {  	s30 =	sld [smem:$0x0];
	_ =	sdelay $0x2  }
0xb8: {  	s31 =	sshll.u32 s1, $0xD;
	s1 =	sshrl.u32 s1, $0x2  }
0xb9: {  	s3 =	sand.u32 $0x4000, s31;
	s1 =	sadd.s32 s1, s30  }
0xba: {  	s0 =	sor.u32 s3, s0;
	s1 =	sshll.u32 s1, $0x11  }
0xbb: {  	s0 =	sor.u32 s1, s0  }
0xbc: {  	s0 =	sadd.s32 $0x8F2B, s0  }
0xbd: {  	[sflag:s0] =	ssyncadd.remote.s32 $0x1  }
0xbe: {  	_ =	sfence.sel $0xFFFF  }
0xbf: {  	[dreg:$0x0] =	wrdreg $0xFFFFFFFF;
	(pc) =	sbr.abs _section_cstart, $3  }
0xc0: {  	[dreg:$0x1] =	wrdreg $0xFFFFFFFF  }
0xc1: {  	_ =	task.clear_ibuf [dreg:s6], $0x2FFFF;
	_ =	strace $0x9FFFFFFF  }
0xc2: {  	(tm) =	ssettm $0x7FFFFFFF  }
0xc3: {  	_ =	shalt  }
tec
execute0_lowered:
.L_overlay_start_1:
0x0: {  	(tag) =	ssettag $0x1  }
0x1: {  	s0 =	rddreg [dreg:$0x0]  }
0x2: {  	s2 =	rddreg [dreg:$0x1];
	s3 =	simm.s32 $0x0;
	s8 =	stileid.u32  }
0x3: {  	s4 =	srdreg.scid;
	s25 =	simm.s32 $0x14080;
	s10 =	simm.s32 $0x14100  }
0x4: {  	s12 =	simm.s32 $0x14180;
	s14 =	simm.s32 $0x14900;
	s16 =	simm.s32 $0x14980  }
0x5: {  	s17 =	simm.s32 $0x14200;
	s18 =	simm.s32 $0x14280;
	[smem:$0x7FF] =	sst s3  }
0x6: {  	s19 =	simm.s32 $0x14A00;
	_ =	strace $0x8000004D;
	[dreg:$0x5] =	wrdreg s25  }
0x7: {  	s20 =	simm.s32 $0x14A80;
	s28 =	simm.s32 $0x14580;
	[dreg:$0x7] =	wrdreg s10  }
0x8: {  	s29 =	simm.s32 $0x14D00;
	s30 =	simm.s32 $0x14D80;
	[dreg:$0x8] =	wrdreg s12  }
0x9: {  	s31 =	simm.s32 $0x14600;
	s1 =	smul.u32 $0x500, s8;
	[dreg:$0x9] =	wrdreg s14  }
0xa: {  	s5 =	smul.u32 $0x2800, s8;
	s6 =	sand.u32 $0x1, s4;
	[dreg:$0xa] =	wrdreg s16  }
0xb: {  	s8 =	smul.u32 $0x50000, s8;
	s4 =	sadd.s32 $0x574600, s0;
	[dreg:$0xb] =	wrdreg s17  }
0xc: {  	s7 =	ssub.s32 $0x2, s6;
	s22 =	sshll.u32 s6, $0x1;
	[dreg:$0xc] =	wrdreg s18  }
0xd: {  	s13 =	smul.u32 $0xA000, s6;
	s14 =	simm.s32 $0x15000;
	[dreg:$0xd] =	wrdreg s19  }
0xe: {  	s16 =	simm.s32 $0x14000;
	[dreg:$0xe] =	wrdreg s20;
	s17 =	simm.s32 $0x14800  }
0xf: {  	s18 =	simm.s32 $0x80;
	s19 =	simm.s32 $0x19000;
	s20 =	simm.s32 $0x1  }
0x10: {  	s25 =	simm.s32 $0x14400;
	s1 =	sadd.s32 s1, s0;
	[dreg:$0x15] =	wrdreg s22  }
0x11: {  	s23 =	sshrl.u32 s8, $0x2;
	s8 =	simm.s32 $0x14880;
	[dreg:$0x13] =	wrdreg s25  }
0x12: {  	s0 =	sadd.s32 s5, s0;
	s22 =	simm.s32 $0x14380;
	[dreg:$0x6] =	wrdreg s8  }
0x13: {  	s10 =	simm.s32 $0x14F80;
	s0 =	sadd.s32 $0x614600, s0;
	[dreg:$0x10] =	wrdreg s22  }
0x14: {  	s21 =	sshrl.u32 s7, $0x1;
	s24 =	sadd.s32 $0x1600, s1;
	[dreg:$0x17] =	wrdreg s0  }
0x15: {  	s5 =	ssub.s32 s7, s21;
	s7 =	sadd.s32 s23, s2;
	[dreg:$0x3] =	wrdreg s24  }
0x16: {  	s25 =	simm.s32 $0x14C80;
	s21 =	simm.s32 $0x14300;
	[dreg:$0x16] =	wrdreg s7  }
0x17: {  	s1 =	sadd.s32 s13, s1;
	s23 =	simm.s32 $0x14B00;
	[dreg:$0xf] =	wrdreg s21  }
0x18: {  	s22 =	simm.s32 $0x3;
	s5 =	smax.u32 s5, $0x1;
	[dreg:$0x11] =	wrdreg s23  }
0x19: {  	s8 =	simm.s32 $0x14E00;
	s26 =	sadd.s32 $0x4000, s7;
	[dreg:$0x18] =	wrdreg s5  }
0x1a: {  	s9 =	sadd.s32 $0x8000, s7;
	s11 =	sadd.s32 $0xC000, s7;
	[dreg:$0x19] =	wrdreg s26  }
0x1b: {  	s15 =	sadd.s32 $0x10000, s7;
	s1 =	sadd.s32 $0x560600, s1;
	[dreg:$0x1a] =	wrdreg s9  }
0x1c: {  	s24 =	simm.s32 $0x14B80;
	s21 =	simm.s32 $0x2;
	[dreg:$0x1b] =	wrdreg s11  }
0x1d: {  	s23 =	simm.s32 $0x4;
	s0 =	simm.s32 $0x14680;
	[dreg:$0x1c] =	wrdreg s15  }
0x1e: {  	s7 =	simm.s32 $0x14780;
	[dreg:$0x1d] =	wrdreg s1;
	s15 =	simm.s32 $0x5  }
0x1f: {  	[dreg:$0x12] =	wrdreg s24;
	s26 =	simm.s32 $0x14480;
	s24 =	simm.s32 $0x14C00  }
0x20: {  	s1 =	simm.s32 $0x14E80;
	s5 =	simm.s32 $0x14700;
	s9 =	simm.s32 $0x14F00  }
0x21: {  	v0 =	vimm.f32 $0.0e+00;
	s11 =	simm.s32 $0x0;
	[dreg:$0x14] =	wrdreg s26;
	s26 =	simm.s32 $0x14500  }
.LBB2_1:
0x22: {  	[dreg:$0x1e] =	wrdreg s11;
	p1 =	por $0x1, $0x1;
	s11 =	simm.s32 $0x0  }
.LBB2_2:
0x23: {  	p0 =	por p1, p1;
	s12 =	simm.s32 $0x0;
	s13 =	simm.s32 $0x200  }
.LBB2_3:
0x24: {  	p1 =	sne.s32 s13, $0xFE00;
	[tilespmem:s12+$0x15070] =	vst v0  }
0x25: {  	[tilespmem:s12+$0x15000] =	vst v0  }
0x26: {  	[tilespmem:s12+$0x15010] =	vst v0  }
.Ltmp0:
0x27: {  	[tilespmem:s12+$0x15020] =	vst v0;
	(pc) =	sbr.rel @p1 .LBB2_3-.Ltmp0, $4  }
0x28: {  	[tilespmem:s12+$0x15030] =	vst v0  }
0x29: {  	[tilespmem:s12+$0x15040] =	vst v0  }
0x2a: {  	[tilespmem:s12+$0x15050] =	vst v0  }
0x2b: {  	[tilespmem:s12+$0x15060] =	vst v0;
	s12 =	sshra.s32 s13, $0x2;
	s13 =	sadd.s32 $0x200, s13  }
0x2c: {  	[tilespmem:s12+$0x15070] =	vst v0  }
0x2d: {  	[tilespmem:s12+$0x15000] =	vst v0  }
0x2e: {  	[tilespmem:s12+$0x15010] =	vst v0  }
0x2f: {  	[tilespmem:s12+$0x15020] =	vst v0  }
0x30: {  	[tilespmem:s12+$0x15030] =	vst v0  }
0x31: {  	[tilespmem:s12+$0x15040] =	vst v0  }
0x32: {  	[tilespmem:s12+$0x15050] =	vst v0  }
0x33: {  	[tilespmem:s12+$0x15060] =	vst v0;
	s6 =	rddreg [dreg:$0x16]  }
0x34: {  	[spmem:s6] =	stream.linear.scatter [tilespmem:s14], [sflag:$0x5], $0x4000, $0x38;
	[tilespmem:$0x1D000] =	vst v63  }
0x35: {  	_ =	swait.ge [sflag:s15], $0x4000  }
0x36: {  	[sflag:s15] =	ssyncset.done $0x0  }
0x37: {  	s12 =	rddreg [dreg:$0x19];
	[sflag:s15] =	ssyncadd.s32 $0xFFFFC000  }
0x38: {  	[spmem:s12] =	stream.linear.scatter [tilespmem:s14], [sflag:$0x5], $0x4000, $0x38;
	[tilespmem:$0x1D000] =	vst v63  }
0x39: {  	_ =	swait.ge [sflag:s15], $0x4000  }
0x3a: {  	[sflag:s15] =	ssyncset.done $0x0  }
0x3b: {  	s13 =	rddreg [dreg:$0x1a];
	[sflag:s15] =	ssyncadd.s32 $0xFFFFC000  }
0x3c: {  	[spmem:s13] =	stream.linear.scatter [tilespmem:s14], [sflag:$0x5], $0x4000, $0x38;
	[tilespmem:$0x1D000] =	vst v63  }
0x3d: {  	_ =	swait.ge [sflag:s15], $0x4000  }
0x3e: {  	[sflag:s15] =	ssyncset.done $0x0  }
0x3f: {  	s12 =	rddreg [dreg:$0x1b];
	[sflag:s15] =	ssyncadd.s32 $0xFFFFC000  }
0x40: {  	[spmem:s12] =	stream.linear.scatter [tilespmem:s14], [sflag:$0x5], $0x4000, $0x38;
	[tilespmem:$0x1D000] =	vst v63  }
0x41: {  	_ =	swait.ge [sflag:s15], $0x4000  }
0x42: {  	[sflag:s15] =	ssyncset.done $0x0  }
0x43: {  	s13 =	rddreg [dreg:$0x1c];
	[sflag:s15] =	ssyncadd.s32 $0xFFFFC000  }
0x44: {  	[spmem:s13] =	stream.linear.scatter [tilespmem:s14], [sflag:$0x5], $0x4000, $0x38;
	[tilespmem:$0x1D000] =	vst v63  }
0x45: {  	_ =	swait.ge [sflag:s15], $0x4000  }
0x46: {  	[sflag:s15] =	ssyncset.done $0x0  }
0x47: {  	[sflag:s15] =	ssyncadd.s32 $0xFFFFC000  }
0x48: {  	s12 =	smul.u32 $0x5000, s11;
	[bflag:$0x0] =	sbarrier.arrive $0xFFFF  }
0x49: {  	s13 =	rddreg [dreg:$0x1d]  }
0x4a: {  	s6 =	sadd.s32 s12, s13  }
0x4b: {  	[dreg:$0x4] =	wrdreg s6  }
0x4c: {  	s6 =	rddreg [dreg:$0x4]  }
0x4d: {  	s6 =	sadd.s32 $0x0, s6  }
0x4e: {  	[tilespmem:s16], [sflag:$0x5] =	stream.linear.gather [hbm4b:s6+s3], $0x800, $0x38;
	[tilespmem:$0x1D000] =	vst v63  }
0x4f: {  	_ =	swait.ge [sflag:s15], $0x800  }
0x50: {  	s12 =	rddreg [dreg:$0x3];
	[sflag:s15] =	ssyncset.done $0x0  }
0x51: {  	[sflag:s15] =	ssyncadd.s32 $0xFFFFF800;
	s6 =	sadd.s32 $0x0, s12  }
0x52: {  	[tilespmem:s17], [sflag:$0x5] =	stream.linear.gather [hbm4b:s6+s3], $0x800, $0x38;
	[tilespmem:$0x1D000] =	vst v63  }
0x53: {  	_ =	swait.ge [sflag:s15], $0x800  }
0x54: {  	[sflag:s15] =	ssyncset.done $0x0  }
0x55: {  	[sflag:s15] =	ssyncadd.s32 $0xFFFFF800  }
0x56: {  	[tilespmem:s14], [sflag:$0x1] =	stream.indirect.gather [hbm4b:s4+s18], $0x80, s16, s18, $0xb8;
	[tilespmem:$0x1D000] =	vst v63  }
0x57: {  	s13 =	rddreg [dreg:$0x5]  }
0x58: {  	[tilespmem:s19], [sflag:$0x2] =	stream.indirect.gather [hbm4b:s4+s18], $0x80, s13, s18, $0xb8;
	[tilespmem:$0x1D000] =	vst v63  }
0x59: {  	_ =	swait.ge [sflag:s20], $0x4000  }
0x5a: {  	[sflag:s20] =	ssyncset.done $0x0  }
0x5b: {  	[sflag:s20] =	ssyncadd.s32 $0xFFFFC000  }
0x5c: {  	[spmem:s2] =	stream.indirect.scatter.add.f32 [tilespmem:s14], [sflag:$0x3], $0x80, s17, s18, $0xb8;
	[tilespmem:$0x1D000] =	vst v63  }
0x5d: {  	_ =	swait.ge [sflag:s21], $0x4000  }
0x5e: {  	[sflag:s21] =	ssyncset.done $0x0  }
0x5f: {  	s12 =	rddreg [dreg:$0x6];
	[sflag:s21] =	ssyncadd.s32 $0xFFFFC000  }
0x60: {  	[spmem:s2] =	stream.indirect.scatter.add.f32 [tilespmem:s19], [sflag:$0x4], $0x80, s12, s18, $0xb8;
	[tilespmem:$0x1D000] =	vst v63  }
0x61: {  	_ =	swait.ge [sflag:s22], $0x4000  }
0x62: {  	[sflag:s22] =	ssyncset.done $0x0  }
0x63: {  	s13 =	rddreg [dreg:$0x7];
	[sflag:s22] =	ssyncadd.s32 $0xFFFFC000  }
0x64: {  	[tilespmem:s14], [sflag:$0x1] =	stream.indirect.gather [hbm4b:s4+s18], $0x80, s13, s18, $0xb8;
	[tilespmem:$0x1D000] =	vst v63  }
0x65: {  	_ =	swait.ge [sflag:s23], $0x4000  }
0x66: {  	[sflag:s23] =	ssyncset.done $0x0  }
0x67: {  	s12 =	rddreg [dreg:$0x8];
	[sflag:s23] =	ssyncadd.s32 $0xFFFFC000  }
0x68: {  	[tilespmem:s19], [sflag:$0x2] =	stream.indirect.gather [hbm4b:s4+s18], $0x80, s12, s18, $0xb8;
	[tilespmem:$0x1D000] =	vst v63  }
0x69: {  	_ =	swait.ge [sflag:s20], $0x4000  }
0x6a: {  	[sflag:s20] =	ssyncset.done $0x0  }
0x6b: {  	s13 =	rddreg [dreg:$0x9];
	[sflag:s20] =	ssyncadd.s32 $0xFFFFC000  }
0x6c: {  	[spmem:s2] =	stream.indirect.scatter.add.f32 [tilespmem:s14], [sflag:$0x3], $0x80, s13, s18, $0xb8;
	[tilespmem:$0x1D000] =	vst v63  }
0x6d: {  	_ =	swait.ge [sflag:s21], $0x4000  }
0x6e: {  	[sflag:s21] =	ssyncset.done $0x0  }
0x6f: {  	s12 =	rddreg [dreg:$0xa];
	[sflag:s21] =	ssyncadd.s32 $0xFFFFC000  }
0x70: {  	[spmem:s2] =	stream.indirect.scatter.add.f32 [tilespmem:s19], [sflag:$0x4], $0x80, s12, s18, $0xb8;
	[tilespmem:$0x1D000] =	vst v63  }
0x71: {  	_ =	swait.ge [sflag:s22], $0x4000  }
0x72: {  	[sflag:s22] =	ssyncset.done $0x0  }
0x73: {  	s13 =	rddreg [dreg:$0xb];
	[sflag:s22] =	ssyncadd.s32 $0xFFFFC000  }
0x74: {  	[tilespmem:s14], [sflag:$0x1] =	stream.indirect.gather [hbm4b:s4+s18], $0x80, s13, s18, $0xb8;
	[tilespmem:$0x1D000] =	vst v63  }
0x75: {  	_ =	swait.ge [sflag:s23], $0x4000  }
0x76: {  	[sflag:s23] =	ssyncset.done $0x0  }
0x77: {  	s12 =	rddreg [dreg:$0xc];
	[sflag:s23] =	ssyncadd.s32 $0xFFFFC000  }
0x78: {  	[tilespmem:s19], [sflag:$0x2] =	stream.indirect.gather [hbm4b:s4+s18], $0x80, s12, s18, $0xb8;
	[tilespmem:$0x1D000] =	vst v63  }
0x79: {  	_ =	swait.ge [sflag:s20], $0x4000  }
0x7a: {  	[sflag:s20] =	ssyncset.done $0x0  }
0x7b: {  	s13 =	rddreg [dreg:$0xd];
	[sflag:s20] =	ssyncadd.s32 $0xFFFFC000  }
0x7c: {  	[spmem:s2] =	stream.indirect.scatter.add.f32 [tilespmem:s14], [sflag:$0x3], $0x80, s13, s18, $0xb8;
	[tilespmem:$0x1D000] =	vst v63  }
0x7d: {  	_ =	swait.ge [sflag:s21], $0x4000  }
0x7e: {  	[sflag:s21] =	ssyncset.done $0x0  }
0x7f: {  	s12 =	rddreg [dreg:$0xe];
	[sflag:s21] =	ssyncadd.s32 $0xFFFFC000  }
0x80: {  	[spmem:s2] =	stream.indirect.scatter.add.f32 [tilespmem:s19], [sflag:$0x4], $0x80, s12, s18, $0xb8;
	[tilespmem:$0x1D000] =	vst v63  }
0x81: {  	_ =	swait.ge [sflag:s22], $0x4000  }
0x82: {  	[sflag:s22] =	ssyncset.done $0x0  }
0x83: {  	s13 =	rddreg [dreg:$0xf];
	[sflag:s22] =	ssyncadd.s32 $0xFFFFC000  }
0x84: {  	[tilespmem:s14], [sflag:$0x1] =	stream.indirect.gather [hbm4b:s4+s18], $0x80, s13, s18, $0xb8;
	[tilespmem:$0x1D000] =	vst v63  }
0x85: {  	_ =	swait.ge [sflag:s23], $0x4000  }
0x86: {  	[sflag:s23] =	ssyncset.done $0x0  }
0x87: {  	s12 =	rddreg [dreg:$0x10];
	[sflag:s23] =	ssyncadd.s32 $0xFFFFC000  }
0x88: {  	[tilespmem:s19], [sflag:$0x2] =	stream.indirect.gather [hbm4b:s4+s18], $0x80, s12, s18, $0xb8;
	[tilespmem:$0x1D000] =	vst v63  }
0x89: {  	_ =	swait.ge [sflag:s20], $0x4000  }
0x8a: {  	[sflag:s20] =	ssyncset.done $0x0  }
0x8b: {  	s13 =	rddreg [dreg:$0x11];
	[sflag:s20] =	ssyncadd.s32 $0xFFFFC000  }
0x8c: {  	[spmem:s2] =	stream.indirect.scatter.add.f32 [tilespmem:s14], [sflag:$0x3], $0x80, s13, s18, $0xb8;
	[tilespmem:$0x1D000] =	vst v63  }
0x8d: {  	_ =	swait.ge [sflag:s21], $0x4000  }
0x8e: {  	[sflag:s21] =	ssyncset.done $0x0  }
0x8f: {  	s12 =	rddreg [dreg:$0x12];
	[sflag:s21] =	ssyncadd.s32 $0xFFFFC000  }
0x90: {  	[spmem:s2] =	stream.indirect.scatter.add.f32 [tilespmem:s19], [sflag:$0x4], $0x80, s12, s18, $0xb8;
	[tilespmem:$0x1D000] =	vst v63  }
0x91: {  	_ =	swait.ge [sflag:s22], $0x4000  }
0x92: {  	[sflag:s22] =	ssyncset.done $0x0  }
0x93: {  	s13 =	rddreg [dreg:$0x13];
	[sflag:s22] =	ssyncadd.s32 $0xFFFFC000  }
0x94: {  	[tilespmem:s14], [sflag:$0x1] =	stream.indirect.gather [hbm4b:s4+s18], $0x80, s13, s18, $0xb8;
	[tilespmem:$0x1D000] =	vst v63  }
0x95: {  	_ =	swait.ge [sflag:s23], $0x4000  }
0x96: {  	[sflag:s23] =	ssyncset.done $0x0  }
0x97: {  	s12 =	rddreg [dreg:$0x14];
	[sflag:s23] =	ssyncadd.s32 $0xFFFFC000  }
0x98: {  	[tilespmem:s19], [sflag:$0x2] =	stream.indirect.gather [hbm4b:s4+s18], $0x80, s12, s18, $0xb8;
	[tilespmem:$0x1D000] =	vst v63  }
0x99: {  	_ =	swait.ge [sflag:s20], $0x4000  }
0x9a: {  	[sflag:s20] =	ssyncset.done $0x0  }
0x9b: {  	[sflag:s20] =	ssyncadd.s32 $0xFFFFC000  }
0x9c: {  	[spmem:s2] =	stream.indirect.scatter.add.f32 [tilespmem:s14], [sflag:$0x3], $0x80, s24, s18, $0xb8;
	[tilespmem:$0x1D000] =	vst v63  }
0x9d: {  	_ =	swait.ge [sflag:s21], $0x4000  }
0x9e: {  	[sflag:s21] =	ssyncset.done $0x0  }
0x9f: {  	[sflag:s21] =	ssyncadd.s32 $0xFFFFC000  }
0xa0: {  	[spmem:s2] =	stream.indirect.scatter.add.f32 [tilespmem:s19], [sflag:$0x4], $0x80, s25, s18, $0xb8;
	[tilespmem:$0x1D000] =	vst v63  }
0xa1: {  	_ =	swait.ge [sflag:s22], $0x4000  }
0xa2: {  	[sflag:s22] =	ssyncset.done $0x0  }
0xa3: {  	[sflag:s22] =	ssyncadd.s32 $0xFFFFC000  }
0xa4: {  	[tilespmem:s14], [sflag:$0x1] =	stream.indirect.gather [hbm4b:s4+s18], $0x80, s26, s18, $0xb8;
	[tilespmem:$0x1D000] =	vst v63  }
0xa5: {  	_ =	swait.ge [sflag:s23], $0x4000  }
0xa6: {  	[sflag:s23] =	ssyncset.done $0x0  }
0xa7: {  	[sflag:s23] =	ssyncadd.s32 $0xFFFFC000  }
0xa8: {  	[tilespmem:s19], [sflag:$0x2] =	stream.indirect.gather [hbm4b:s4+s18], $0x80, s28, s18, $0xb8;
	[tilespmem:$0x1D000] =	vst v63  }
0xa9: {  	_ =	swait.ge [sflag:s20], $0x4000  }
0xaa: {  	[sflag:s20] =	ssyncset.done $0x0  }
0xab: {  	[sflag:s20] =	ssyncadd.s32 $0xFFFFC000  }
0xac: {  	[spmem:s2] =	stream.indirect.scatter.add.f32 [tilespmem:s14], [sflag:$0x3], $0x80, s29, s18, $0xb8;
	[tilespmem:$0x1D000] =	vst v63  }
0xad: {  	_ =	swait.ge [sflag:s21], $0x4000  }
0xae: {  	[sflag:s21] =	ssyncset.done $0x0  }
0xaf: {  	[sflag:s21] =	ssyncadd.s32 $0xFFFFC000  }
0xb0: {  	[spmem:s2] =	stream.indirect.scatter.add.f32 [tilespmem:s19], [sflag:$0x4], $0x80, s30, s18, $0xb8;
	[tilespmem:$0x1D000] =	vst v63  }
0xb1: {  	_ =	swait.ge [sflag:s22], $0x4000  }
0xb2: {  	[sflag:s22] =	ssyncset.done $0x0  }
0xb3: {  	[sflag:s22] =	ssyncadd.s32 $0xFFFFC000  }
0xb4: {  	[tilespmem:s14], [sflag:$0x1] =	stream.indirect.gather [hbm4b:s4+s18], $0x80, s31, s18, $0xb8;
	[tilespmem:$0x1D000] =	vst v63  }
0xb5: {  	_ =	swait.ge [sflag:s23], $0x4000  }
0xb6: {  	[sflag:s23] =	ssyncset.done $0x0  }
0xb7: {  	[sflag:s23] =	ssyncadd.s32 $0xFFFFC000  }
0xb8: {  	[tilespmem:s19], [sflag:$0x2] =	stream.indirect.gather [hbm4b:s4+s18], $0x80, s0, s18, $0xb8;
	[tilespmem:$0x1D000] =	vst v63  }
0xb9: {  	_ =	swait.ge [sflag:s20], $0x4000  }
0xba: {  	[sflag:s20] =	ssyncset.done $0x0  }
0xbb: {  	[sflag:s20] =	ssyncadd.s32 $0xFFFFC000  }
0xbc: {  	[spmem:s2] =	stream.indirect.scatter.add.f32 [tilespmem:s14], [sflag:$0x3], $0x80, s8, s18, $0xb8;
	[tilespmem:$0x1D000] =	vst v63  }
0xbd: {  	_ =	swait.ge [sflag:s21], $0x4000  }
0xbe: {  	[sflag:s21] =	ssyncset.done $0x0  }
0xbf: {  	[sflag:s21] =	ssyncadd.s32 $0xFFFFC000  }
0xc0: {  	[spmem:s2] =	stream.indirect.scatter.add.f32 [tilespmem:s19], [sflag:$0x4], $0x80, s1, s18, $0xb8;
	[tilespmem:$0x1D000] =	vst v63  }
0xc1: {  	_ =	swait.ge [sflag:s22], $0x4000  }
0xc2: {  	[sflag:s22] =	ssyncset.done $0x0  }
0xc3: {  	[sflag:s22] =	ssyncadd.s32 $0xFFFFC000  }
0xc4: {  	[tilespmem:s14], [sflag:$0x1] =	stream.indirect.gather [hbm4b:s4+s18], $0x80, s5, s18, $0xb8;
	[tilespmem:$0x1D000] =	vst v63  }
0xc5: {  	_ =	swait.ge [sflag:s23], $0x4000  }
0xc6: {  	[sflag:s23] =	ssyncset.done $0x0  }
0xc7: {  	[sflag:s23] =	ssyncadd.s32 $0xFFFFC000  }
0xc8: {  	[tilespmem:s19], [sflag:$0x2] =	stream.indirect.gather [hbm4b:s4+s18], $0x80, s7, s18, $0xb8;
	[tilespmem:$0x1D000] =	vst v63  }
0xc9: {  	_ =	swait.ge [sflag:s20], $0x4000  }
0xca: {  	[sflag:s20] =	ssyncset.done $0x0  }
0xcb: {  	[sflag:s20] =	ssyncadd.s32 $0xFFFFC000  }
0xcc: {  	[spmem:s2] =	stream.indirect.scatter.add.f32 [tilespmem:s14], [sflag:$0x3], $0x80, s9, s18, $0xb8;
	[tilespmem:$0x1D000] =	vst v63  }
0xcd: {  	_ =	swait.ge [sflag:s21], $0x4000  }
0xce: {  	[sflag:s21] =	ssyncset.done $0x0  }
0xcf: {  	[sflag:s21] =	ssyncadd.s32 $0xFFFFC000  }
0xd0: {  	[spmem:s2] =	stream.indirect.scatter.add.f32 [tilespmem:s19], [sflag:$0x4], $0x80, s10, s18, $0xb8;
	[tilespmem:$0x1D000] =	vst v63  }
0xd1: {  	_ =	swait.ge [sflag:s22], $0x4000  }
0xd2: {  	s13 =	rddreg [dreg:$0x15]  }
0xd3: {  	[sflag:s22] =	ssyncset.done $0x0;
	s6 =	sor.u32 s13, s11  }
0xd4: {  	[sflag:s22] =	ssyncadd.s32 $0xFFFFC000;
	[dreg:$0x1f] =	wrdreg s6  }
0xd5: {  	s12 =	simm.s32 $0x100;
	_ =	swait.ge [sflag:s23], $0x4000  }
0xd6: {  	s13 =	simm.s32 $0x200;
	s6 =	rddreg [dreg:$0x4];
	[sflag:s23] =	ssyncset.done $0x0  }
.LBB2_5:
0xd7: {  	[sflag:s23] =	ssyncadd.s32 $0xFFFFC000;
	s6 =	sadd.s32 s12, s6  }
0xd8: {  	[tilespmem:s16], [sflag:$0x5] =	stream.linear.gather [hbm4b:s6+s3], $0x800, $0x38;
	[tilespmem:$0x1D000] =	vst v63  }
0xd9: {  	_ =	swait.ge [sflag:s15], $0x800  }
0xda: {  	s6 =	rddreg [dreg:$0x3];
	[sflag:s15] =	ssyncset.done $0x0  }
0xdb: {  	[sflag:s15] =	ssyncadd.s32 $0xFFFFF800;
	s6 =	sadd.s32 s12, s6  }
0xdc: {  	[tilespmem:s17], [sflag:$0x5] =	stream.linear.gather [hbm4b:s6+s3], $0x800, $0x38;
	[tilespmem:$0x1D000] =	vst v63  }
0xdd: {  	_ =	swait.ge [sflag:s15], $0x800  }
0xde: {  	[sflag:s15] =	ssyncset.done $0x0  }
0xdf: {  	s11 =	smov.u32 s13;
	[sflag:s15] =	ssyncadd.s32 $0xFFFFF800  }
0xe0: {  	[tilespmem:s14], [sflag:$0x1] =	stream.indirect.gather [hbm4b:s4+s18], $0x80, s16, s18, $0xb8;
	[tilespmem:$0x1D000] =	vst v63  }
0xe1: {  	s12 =	smov.u32 s11;
	s11 =	rddreg [dreg:$0x5]  }
0xe2: {  	[tilespmem:s19], [sflag:$0x2] =	stream.indirect.gather [hbm4b:s4+s18], $0x80, s11, s18, $0xb8;
	[tilespmem:$0x1D000] =	vst v63  }
0xe3: {  	_ =	swait.ge [sflag:s20], $0x4000  }
0xe4: {  	[sflag:s20] =	ssyncset.done $0x0  }
0xe5: {  	[sflag:s20] =	ssyncadd.s32 $0xFFFFC000  }
0xe6: {  	[spmem:s2] =	stream.indirect.scatter.add.f32 [tilespmem:s14], [sflag:$0x3], $0x80, s17, s18, $0xb8;
	[tilespmem:$0x1D000] =	vst v63  }
0xe7: {  	_ =	swait.ge [sflag:s21], $0x4000  }
0xe8: {  	[sflag:s21] =	ssyncset.done $0x0  }
0xe9: {  	s11 =	rddreg [dreg:$0x6];
	[sflag:s21] =	ssyncadd.s32 $0xFFFFC000  }
0xea: {  	[spmem:s2] =	stream.indirect.scatter.add.f32 [tilespmem:s19], [sflag:$0x4], $0x80, s11, s18, $0xb8;
	[tilespmem:$0x1D000] =	vst v63  }
0xeb: {  	_ =	swait.ge [sflag:s22], $0x4000  }
0xec: {  	[sflag:s22] =	ssyncset.done $0x0  }
0xed: {  	s11 =	rddreg [dreg:$0x7];
	[sflag:s22] =	ssyncadd.s32 $0xFFFFC000  }
0xee: {  	[tilespmem:s14], [sflag:$0x1] =	stream.indirect.gather [hbm4b:s4+s18], $0x80, s11, s18, $0xb8;
	[tilespmem:$0x1D000] =	vst v63  }
0xef: {  	_ =	swait.ge [sflag:s23], $0x4000  }
0xf0: {  	[sflag:s23] =	ssyncset.done $0x0  }
0xf1: {  	s11 =	rddreg [dreg:$0x8];
	[sflag:s23] =	ssyncadd.s32 $0xFFFFC000  }
0xf2: {  	[tilespmem:s19], [sflag:$0x2] =	stream.indirect.gather [hbm4b:s4+s18], $0x80, s11, s18, $0xb8;
	[tilespmem:$0x1D000] =	vst v63  }
0xf3: {  	_ =	swait.ge [sflag:s20], $0x4000  }
0xf4: {  	[sflag:s20] =	ssyncset.done $0x0  }
0xf5: {  	s11 =	rddreg [dreg:$0x9];
	[sflag:s20] =	ssyncadd.s32 $0xFFFFC000  }
0xf6: {  	[spmem:s2] =	stream.indirect.scatter.add.f32 [tilespmem:s14], [sflag:$0x3], $0x80, s11, s18, $0xb8;
	[tilespmem:$0x1D000] =	vst v63  }
0xf7: {  	_ =	swait.ge [sflag:s21], $0x4000  }
0xf8: {  	[sflag:s21] =	ssyncset.done $0x0  }
0xf9: {  	s11 =	rddreg [dreg:$0xa];
	[sflag:s21] =	ssyncadd.s32 $0xFFFFC000  }
0xfa: {  	[spmem:s2] =	stream.indirect.scatter.add.f32 [tilespmem:s19], [sflag:$0x4], $0x80, s11, s18, $0xb8;
	[tilespmem:$0x1D000] =	vst v63  }
0xfb: {  	_ =	swait.ge [sflag:s22], $0x4000  }
0xfc: {  	[sflag:s22] =	ssyncset.done $0x0  }
0xfd: {  	s11 =	rddreg [dreg:$0xb];
	[sflag:s22] =	ssyncadd.s32 $0xFFFFC000  }
0xfe: {  	[tilespmem:s14], [sflag:$0x1] =	stream.indirect.gather [hbm4b:s4+s18], $0x80, s11, s18, $0xb8;
	[tilespmem:$0x1D000] =	vst v63  }
0xff: {  	_ =	swait.ge [sflag:s23], $0x4000  }
0x100: {  	[sflag:s23] =	ssyncset.done $0x0  }
0x101: {  	s11 =	rddreg [dreg:$0xc];
	[sflag:s23] =	ssyncadd.s32 $0xFFFFC000  }
0x102: {  	[tilespmem:s19], [sflag:$0x2] =	stream.indirect.gather [hbm4b:s4+s18], $0x80, s11, s18, $0xb8;
	[tilespmem:$0x1D000] =	vst v63  }
0x103: {  	_ =	swait.ge [sflag:s20], $0x4000  }
0x104: {  	[sflag:s20] =	ssyncset.done $0x0  }
0x105: {  	s11 =	rddreg [dreg:$0xd];
	[sflag:s20] =	ssyncadd.s32 $0xFFFFC000  }
0x106: {  	[spmem:s2] =	stream.indirect.scatter.add.f32 [tilespmem:s14], [sflag:$0x3], $0x80, s11, s18, $0xb8;
	[tilespmem:$0x1D000] =	vst v63  }
0x107: {  	_ =	swait.ge [sflag:s21], $0x4000  }
0x108: {  	[sflag:s21] =	ssyncset.done $0x0  }
0x109: {  	s11 =	rddreg [dreg:$0xe];
	[sflag:s21] =	ssyncadd.s32 $0xFFFFC000  }
0x10a: {  	[spmem:s2] =	stream.indirect.scatter.add.f32 [tilespmem:s19], [sflag:$0x4], $0x80, s11, s18, $0xb8;
	[tilespmem:$0x1D000] =	vst v63  }
0x10b: {  	_ =	swait.ge [sflag:s22], $0x4000  }
0x10c: {  	[sflag:s22] =	ssyncset.done $0x0  }
0x10d: {  	s11 =	rddreg [dreg:$0xf];
	[sflag:s22] =	ssyncadd.s32 $0xFFFFC000  }
0x10e: {  	[tilespmem:s14], [sflag:$0x1] =	stream.indirect.gather [hbm4b:s4+s18], $0x80, s11, s18, $0xb8;
	[tilespmem:$0x1D000] =	vst v63  }
0x10f: {  	_ =	swait.ge [sflag:s23], $0x4000  }
0x110: {  	[sflag:s23] =	ssyncset.done $0x0  }
0x111: {  	s11 =	rddreg [dreg:$0x10];
	[sflag:s23] =	ssyncadd.s32 $0xFFFFC000  }
0x112: {  	[tilespmem:s19], [sflag:$0x2] =	stream.indirect.gather [hbm4b:s4+s18], $0x80, s11, s18, $0xb8;
	[tilespmem:$0x1D000] =	vst v63  }
0x113: {  	_ =	swait.ge [sflag:s20], $0x4000  }
0x114: {  	[sflag:s20] =	ssyncset.done $0x0  }
0x115: {  	s11 =	rddreg [dreg:$0x11];
	[sflag:s20] =	ssyncadd.s32 $0xFFFFC000  }
0x116: {  	[spmem:s2] =	stream.indirect.scatter.add.f32 [tilespmem:s14], [sflag:$0x3], $0x80, s11, s18, $0xb8;
	[tilespmem:$0x1D000] =	vst v63  }
0x117: {  	_ =	swait.ge [sflag:s21], $0x4000  }
0x118: {  	[sflag:s21] =	ssyncset.done $0x0  }
0x119: {  	s11 =	rddreg [dreg:$0x12];
	[sflag:s21] =	ssyncadd.s32 $0xFFFFC000  }
0x11a: {  	[spmem:s2] =	stream.indirect.scatter.add.f32 [tilespmem:s19], [sflag:$0x4], $0x80, s11, s18, $0xb8;
	[tilespmem:$0x1D000] =	vst v63  }
0x11b: {  	_ =	swait.ge [sflag:s22], $0x4000  }
0x11c: {  	[sflag:s22] =	ssyncset.done $0x0  }
0x11d: {  	s11 =	rddreg [dreg:$0x13];
	[sflag:s22] =	ssyncadd.s32 $0xFFFFC000  }
0x11e: {  	[tilespmem:s14], [sflag:$0x1] =	stream.indirect.gather [hbm4b:s4+s18], $0x80, s11, s18, $0xb8;
	[tilespmem:$0x1D000] =	vst v63  }
0x11f: {  	_ =	swait.ge [sflag:s23], $0x4000  }
0x120: {  	[sflag:s23] =	ssyncset.done $0x0  }
0x121: {  	s11 =	rddreg [dreg:$0x14];
	[sflag:s23] =	ssyncadd.s32 $0xFFFFC000  }
0x122: {  	[tilespmem:s19], [sflag:$0x2] =	stream.indirect.gather [hbm4b:s4+s18], $0x80, s11, s18, $0xb8;
	[tilespmem:$0x1D000] =	vst v63  }
0x123: {  	_ =	swait.ge [sflag:s20], $0x4000  }
0x124: {  	[sflag:s20] =	ssyncset.done $0x0  }
0x125: {  	[sflag:s20] =	ssyncadd.s32 $0xFFFFC000  }
0x126: {  	[spmem:s2] =	stream.indirect.scatter.add.f32 [tilespmem:s14], [sflag:$0x3], $0x80, s24, s18, $0xb8;
	[tilespmem:$0x1D000] =	vst v63  }
0x127: {  	_ =	swait.ge [sflag:s21], $0x4000  }
0x128: {  	[sflag:s21] =	ssyncset.done $0x0  }
0x129: {  	[sflag:s21] =	ssyncadd.s32 $0xFFFFC000  }
0x12a: {  	[spmem:s2] =	stream.indirect.scatter.add.f32 [tilespmem:s19], [sflag:$0x4], $0x80, s25, s18, $0xb8;
	[tilespmem:$0x1D000] =	vst v63  }
0x12b: {  	_ =	swait.ge [sflag:s22], $0x4000  }
0x12c: {  	[sflag:s22] =	ssyncset.done $0x0  }
0x12d: {  	[sflag:s22] =	ssyncadd.s32 $0xFFFFC000  }
0x12e: {  	[tilespmem:s14], [sflag:$0x1] =	stream.indirect.gather [hbm4b:s4+s18], $0x80, s26, s18, $0xb8;
	[tilespmem:$0x1D000] =	vst v63  }
0x12f: {  	_ =	swait.ge [sflag:s23], $0x4000  }
0x130: {  	[sflag:s23] =	ssyncset.done $0x0  }
0x131: {  	[sflag:s23] =	ssyncadd.s32 $0xFFFFC000  }
0x132: {  	[tilespmem:s19], [sflag:$0x2] =	stream.indirect.gather [hbm4b:s4+s18], $0x80, s28, s18, $0xb8;
	[tilespmem:$0x1D000] =	vst v63  }
0x133: {  	_ =	swait.ge [sflag:s20], $0x4000  }
0x134: {  	[sflag:s20] =	ssyncset.done $0x0  }
0x135: {  	[sflag:s20] =	ssyncadd.s32 $0xFFFFC000  }
0x136: {  	[spmem:s2] =	stream.indirect.scatter.add.f32 [tilespmem:s14], [sflag:$0x3], $0x80, s29, s18, $0xb8;
	[tilespmem:$0x1D000] =	vst v63  }
0x137: {  	_ =	swait.ge [sflag:s21], $0x4000  }
0x138: {  	[sflag:s21] =	ssyncset.done $0x0  }
0x139: {  	[sflag:s21] =	ssyncadd.s32 $0xFFFFC000  }
0x13a: {  	[spmem:s2] =	stream.indirect.scatter.add.f32 [tilespmem:s19], [sflag:$0x4], $0x80, s30, s18, $0xb8;
	[tilespmem:$0x1D000] =	vst v63  }
0x13b: {  	_ =	swait.ge [sflag:s22], $0x4000  }
0x13c: {  	[sflag:s22] =	ssyncset.done $0x0  }
0x13d: {  	[sflag:s22] =	ssyncadd.s32 $0xFFFFC000  }
0x13e: {  	[tilespmem:s14], [sflag:$0x1] =	stream.indirect.gather [hbm4b:s4+s18], $0x80, s31, s18, $0xb8;
	[tilespmem:$0x1D000] =	vst v63  }
0x13f: {  	_ =	swait.ge [sflag:s23], $0x4000  }
0x140: {  	[sflag:s23] =	ssyncset.done $0x0  }
0x141: {  	[sflag:s23] =	ssyncadd.s32 $0xFFFFC000  }
0x142: {  	[tilespmem:s19], [sflag:$0x2] =	stream.indirect.gather [hbm4b:s4+s18], $0x80, s0, s18, $0xb8;
	[tilespmem:$0x1D000] =	vst v63  }
0x143: {  	_ =	swait.ge [sflag:s20], $0x4000  }
0x144: {  	[sflag:s20] =	ssyncset.done $0x0  }
0x145: {  	[sflag:s20] =	ssyncadd.s32 $0xFFFFC000  }
0x146: {  	[spmem:s2] =	stream.indirect.scatter.add.f32 [tilespmem:s14], [sflag:$0x3], $0x80, s8, s18, $0xb8;
	[tilespmem:$0x1D000] =	vst v63  }
0x147: {  	_ =	swait.ge [sflag:s21], $0x4000  }
0x148: {  	[sflag:s21] =	ssyncset.done $0x0  }
0x149: {  	[sflag:s21] =	ssyncadd.s32 $0xFFFFC000  }
0x14a: {  	[spmem:s2] =	stream.indirect.scatter.add.f32 [tilespmem:s19], [sflag:$0x4], $0x80, s1, s18, $0xb8;
	[tilespmem:$0x1D000] =	vst v63  }
0x14b: {  	_ =	swait.ge [sflag:s22], $0x4000  }
0x14c: {  	[sflag:s22] =	ssyncset.done $0x0  }
0x14d: {  	[sflag:s22] =	ssyncadd.s32 $0xFFFFC000  }
0x14e: {  	[tilespmem:s14], [sflag:$0x1] =	stream.indirect.gather [hbm4b:s4+s18], $0x80, s5, s18, $0xb8;
	[tilespmem:$0x1D000] =	vst v63  }
0x14f: {  	_ =	swait.ge [sflag:s23], $0x4000  }
0x150: {  	[sflag:s23] =	ssyncset.done $0x0  }
0x151: {  	[sflag:s23] =	ssyncadd.s32 $0xFFFFC000  }
0x152: {  	[tilespmem:s19], [sflag:$0x2] =	stream.indirect.gather [hbm4b:s4+s18], $0x80, s7, s18, $0xb8;
	[tilespmem:$0x1D000] =	vst v63  }
0x153: {  	_ =	swait.ge [sflag:s20], $0x4000  }
0x154: {  	[sflag:s20] =	ssyncset.done $0x0  }
0x155: {  	[sflag:s20] =	ssyncadd.s32 $0xFFFFC000  }
0x156: {  	[spmem:s2] =	stream.indirect.scatter.add.f32 [tilespmem:s14], [sflag:$0x3], $0x80, s9, s18, $0xb8;
	[tilespmem:$0x1D000] =	vst v63  }
0x157: {  	_ =	swait.ge [sflag:s21], $0x4000  }
0x158: {  	[sflag:s21] =	ssyncset.done $0x0  }
0x159: {  	p1 =	sne.s32 s13, $0x400;
	[sflag:s21] =	ssyncadd.s32 $0xFFFFC000  }
0x15a: {  	[spmem:s2] =	stream.indirect.scatter.add.f32 [tilespmem:s19], [sflag:$0x4], $0x80, s10, s18, $0xb8;
	[tilespmem:$0x1D000] =	vst v63  }
.Ltmp1:
0x15b: {  	_ =	swait.ge [sflag:s22], $0x4000;
	(pc) =	sbr.rel @p1 .LBB2_5-.Ltmp1, $4  }
0x15c: {  	[sflag:s22] =	ssyncset.done $0x0  }
0x15d: {  	[sflag:s22] =	ssyncadd.s32 $0xFFFFC000  }
0x15e: {  	_ =	swait.ge [sflag:s23], $0x4000  }
0x15f: {  	s13 =	sadd.s32 $0x100, s13;
	s6 =	rddreg [dreg:$0x4];
	[sflag:s23] =	ssyncset.done $0x0  }
0x160: {  	[sflag:s23] =	ssyncadd.s32 $0xFFFFC000;
	s6 =	sadd.s32 s12, s6  }
0x161: {  	[tilespmem:s16], [sflag:$0x5] =	stream.linear.gather [hbm4b:s6+s3], $0x800, $0x38;
	[tilespmem:$0x1D000] =	vst v63  }
0x162: {  	_ =	swait.ge [sflag:s15], $0x800  }
0x163: {  	s13 =	rddreg [dreg:$0x3];
	[sflag:s15] =	ssyncset.done $0x0  }
0x164: {  	[sflag:s15] =	ssyncadd.s32 $0xFFFFF800;
	s6 =	sadd.s32 s12, s13  }
0x165: {  	[tilespmem:s17], [sflag:$0x5] =	stream.linear.gather [hbm4b:s6+s3], $0x800, $0x38;
	[tilespmem:$0x1D000] =	vst v63  }
0x166: {  	_ =	swait.ge [sflag:s15], $0x800  }
0x167: {  	[sflag:s15] =	ssyncset.done $0x0  }
0x168: {  	[sflag:s15] =	ssyncadd.s32 $0xFFFFF800  }
0x169: {  	[tilespmem:s14], [sflag:$0x1] =	stream.indirect.gather [hbm4b:s4+s18], $0x80, s16, s18, $0xb8;
	[tilespmem:$0x1D000] =	vst v63  }
0x16a: {  	s11 =	rddreg [dreg:$0x5]  }
0x16b: {  	[tilespmem:s19], [sflag:$0x2] =	stream.indirect.gather [hbm4b:s4+s18], $0x80, s11, s18, $0xb8;
	[tilespmem:$0x1D000] =	vst v63  }
0x16c: {  	_ =	swait.ge [sflag:s20], $0x4000  }
0x16d: {  	[sflag:s20] =	ssyncset.done $0x0  }
0x16e: {  	[sflag:s20] =	ssyncadd.s32 $0xFFFFC000  }
0x16f: {  	[spmem:s2] =	stream.indirect.scatter.add.f32 [tilespmem:s14], [sflag:$0x3], $0x80, s17, s18, $0xb8;
	[tilespmem:$0x1D000] =	vst v63  }
0x170: {  	_ =	swait.ge [sflag:s21], $0x4000  }
0x171: {  	[sflag:s21] =	ssyncset.done $0x0  }
0x172: {  	s12 =	rddreg [dreg:$0x6];
	[sflag:s21] =	ssyncadd.s32 $0xFFFFC000  }
0x173: {  	[spmem:s2] =	stream.indirect.scatter.add.f32 [tilespmem:s19], [sflag:$0x4], $0x80, s12, s18, $0xb8;
	[tilespmem:$0x1D000] =	vst v63  }
0x174: {  	_ =	swait.ge [sflag:s22], $0x4000  }
0x175: {  	[sflag:s22] =	ssyncset.done $0x0  }
0x176: {  	s13 =	rddreg [dreg:$0x7];
	[sflag:s22] =	ssyncadd.s32 $0xFFFFC000  }
0x177: {  	[tilespmem:s14], [sflag:$0x1] =	stream.indirect.gather [hbm4b:s4+s18], $0x80, s13, s18, $0xb8;
	[tilespmem:$0x1D000] =	vst v63  }
0x178: {  	_ =	swait.ge [sflag:s23], $0x4000  }
0x179: {  	[sflag:s23] =	ssyncset.done $0x0  }
0x17a: {  	s11 =	rddreg [dreg:$0x8];
	[sflag:s23] =	ssyncadd.s32 $0xFFFFC000  }
0x17b: {  	[tilespmem:s19], [sflag:$0x2] =	stream.indirect.gather [hbm4b:s4+s18], $0x80, s11, s18, $0xb8;
	[tilespmem:$0x1D000] =	vst v63  }
0x17c: {  	_ =	swait.ge [sflag:s20], $0x4000  }
0x17d: {  	[sflag:s20] =	ssyncset.done $0x0  }
0x17e: {  	s12 =	rddreg [dreg:$0x9];
	[sflag:s20] =	ssyncadd.s32 $0xFFFFC000  }
0x17f: {  	[spmem:s2] =	stream.indirect.scatter.add.f32 [tilespmem:s14], [sflag:$0x3], $0x80, s12, s18, $0xb8;
	[tilespmem:$0x1D000] =	vst v63  }
0x180: {  	_ =	swait.ge [sflag:s21], $0x4000  }
0x181: {  	[sflag:s21] =	ssyncset.done $0x0  }
0x182: {  	s13 =	rddreg [dreg:$0xa];
	[sflag:s21] =	ssyncadd.s32 $0xFFFFC000  }
0x183: {  	[spmem:s2] =	stream.indirect.scatter.add.f32 [tilespmem:s19], [sflag:$0x4], $0x80, s13, s18, $0xb8;
	[tilespmem:$0x1D000] =	vst v63  }
0x184: {  	_ =	swait.ge [sflag:s22], $0x4000  }
0x185: {  	[sflag:s22] =	ssyncset.done $0x0  }
0x186: {  	s11 =	rddreg [dreg:$0xb];
	[sflag:s22] =	ssyncadd.s32 $0xFFFFC000  }
0x187: {  	[tilespmem:s14], [sflag:$0x1] =	stream.indirect.gather [hbm4b:s4+s18], $0x80, s11, s18, $0xb8;
	[tilespmem:$0x1D000] =	vst v63  }
0x188: {  	_ =	swait.ge [sflag:s23], $0x4000  }
0x189: {  	[sflag:s23] =	ssyncset.done $0x0  }
0x18a: {  	s12 =	rddreg [dreg:$0xc];
	[sflag:s23] =	ssyncadd.s32 $0xFFFFC000  }
0x18b: {  	[tilespmem:s19], [sflag:$0x2] =	stream.indirect.gather [hbm4b:s4+s18], $0x80, s12, s18, $0xb8;
	[tilespmem:$0x1D000] =	vst v63  }
0x18c: {  	_ =	swait.ge [sflag:s20], $0x4000  }
0x18d: {  	[sflag:s20] =	ssyncset.done $0x0  }
0x18e: {  	s13 =	rddreg [dreg:$0xd];
	[sflag:s20] =	ssyncadd.s32 $0xFFFFC000  }
0x18f: {  	[spmem:s2] =	stream.indirect.scatter.add.f32 [tilespmem:s14], [sflag:$0x3], $0x80, s13, s18, $0xb8;
	[tilespmem:$0x1D000] =	vst v63  }
0x190: {  	_ =	swait.ge [sflag:s21], $0x4000  }
0x191: {  	[sflag:s21] =	ssyncset.done $0x0  }
0x192: {  	s11 =	rddreg [dreg:$0xe];
	[sflag:s21] =	ssyncadd.s32 $0xFFFFC000  }
0x193: {  	[spmem:s2] =	stream.indirect.scatter.add.f32 [tilespmem:s19], [sflag:$0x4], $0x80, s11, s18, $0xb8;
	[tilespmem:$0x1D000] =	vst v63  }
0x194: {  	_ =	swait.ge [sflag:s22], $0x4000  }
0x195: {  	[sflag:s22] =	ssyncset.done $0x0  }
0x196: {  	s12 =	rddreg [dreg:$0xf];
	[sflag:s22] =	ssyncadd.s32 $0xFFFFC000  }
0x197: {  	[tilespmem:s14], [sflag:$0x1] =	stream.indirect.gather [hbm4b:s4+s18], $0x80, s12, s18, $0xb8;
	[tilespmem:$0x1D000] =	vst v63  }
0x198: {  	_ =	swait.ge [sflag:s23], $0x4000  }
0x199: {  	[sflag:s23] =	ssyncset.done $0x0  }
0x19a: {  	s13 =	rddreg [dreg:$0x10];
	[sflag:s23] =	ssyncadd.s32 $0xFFFFC000  }
0x19b: {  	[tilespmem:s19], [sflag:$0x2] =	stream.indirect.gather [hbm4b:s4+s18], $0x80, s13, s18, $0xb8;
	[tilespmem:$0x1D000] =	vst v63  }
0x19c: {  	_ =	swait.ge [sflag:s20], $0x4000  }
0x19d: {  	[sflag:s20] =	ssyncset.done $0x0  }
0x19e: {  	s11 =	rddreg [dreg:$0x11];
	[sflag:s20] =	ssyncadd.s32 $0xFFFFC000  }
0x19f: {  	[spmem:s2] =	stream.indirect.scatter.add.f32 [tilespmem:s14], [sflag:$0x3], $0x80, s11, s18, $0xb8;
	[tilespmem:$0x1D000] =	vst v63  }
0x1a0: {  	_ =	swait.ge [sflag:s21], $0x4000  }
0x1a1: {  	[sflag:s21] =	ssyncset.done $0x0  }
0x1a2: {  	s12 =	rddreg [dreg:$0x12];
	[sflag:s21] =	ssyncadd.s32 $0xFFFFC000  }
0x1a3: {  	[spmem:s2] =	stream.indirect.scatter.add.f32 [tilespmem:s19], [sflag:$0x4], $0x80, s12, s18, $0xb8;
	[tilespmem:$0x1D000] =	vst v63  }
0x1a4: {  	_ =	swait.ge [sflag:s22], $0x4000  }
0x1a5: {  	[sflag:s22] =	ssyncset.done $0x0  }
0x1a6: {  	s13 =	rddreg [dreg:$0x13];
	[sflag:s22] =	ssyncadd.s32 $0xFFFFC000  }
0x1a7: {  	[tilespmem:s14], [sflag:$0x1] =	stream.indirect.gather [hbm4b:s4+s18], $0x80, s13, s18, $0xb8;
	[tilespmem:$0x1D000] =	vst v63  }
0x1a8: {  	_ =	swait.ge [sflag:s23], $0x4000  }
0x1a9: {  	[sflag:s23] =	ssyncset.done $0x0  }
0x1aa: {  	s11 =	rddreg [dreg:$0x14];
	[sflag:s23] =	ssyncadd.s32 $0xFFFFC000  }
0x1ab: {  	[tilespmem:s19], [sflag:$0x2] =	stream.indirect.gather [hbm4b:s4+s18], $0x80, s11, s18, $0xb8;
	[tilespmem:$0x1D000] =	vst v63  }
0x1ac: {  	_ =	swait.ge [sflag:s20], $0x4000  }
0x1ad: {  	[sflag:s20] =	ssyncset.done $0x0  }
0x1ae: {  	[sflag:s20] =	ssyncadd.s32 $0xFFFFC000  }
0x1af: {  	[spmem:s2] =	stream.indirect.scatter.add.f32 [tilespmem:s14], [sflag:$0x3], $0x80, s24, s18, $0xb8;
	[tilespmem:$0x1D000] =	vst v63  }
0x1b0: {  	_ =	swait.ge [sflag:s21], $0x4000  }
0x1b1: {  	[sflag:s21] =	ssyncset.done $0x0  }
0x1b2: {  	[sflag:s21] =	ssyncadd.s32 $0xFFFFC000  }
0x1b3: {  	[spmem:s2] =	stream.indirect.scatter.add.f32 [tilespmem:s19], [sflag:$0x4], $0x80, s25, s18, $0xb8;
	[tilespmem:$0x1D000] =	vst v63  }
0x1b4: {  	_ =	swait.ge [sflag:s22], $0x4000  }
0x1b5: {  	[sflag:s22] =	ssyncset.done $0x0  }
0x1b6: {  	[sflag:s22] =	ssyncadd.s32 $0xFFFFC000  }
0x1b7: {  	[tilespmem:s14], [sflag:$0x1] =	stream.indirect.gather [hbm4b:s4+s18], $0x80, s26, s18, $0xb8;
	[tilespmem:$0x1D000] =	vst v63  }
0x1b8: {  	_ =	swait.ge [sflag:s23], $0x4000  }
0x1b9: {  	[sflag:s23] =	ssyncset.done $0x0  }
0x1ba: {  	[sflag:s23] =	ssyncadd.s32 $0xFFFFC000  }
0x1bb: {  	[tilespmem:s19], [sflag:$0x2] =	stream.indirect.gather [hbm4b:s4+s18], $0x80, s28, s18, $0xb8;
	[tilespmem:$0x1D000] =	vst v63  }
0x1bc: {  	_ =	swait.ge [sflag:s20], $0x4000  }
0x1bd: {  	[sflag:s20] =	ssyncset.done $0x0  }
0x1be: {  	[sflag:s20] =	ssyncadd.s32 $0xFFFFC000  }
0x1bf: {  	[spmem:s2] =	stream.indirect.scatter.add.f32 [tilespmem:s14], [sflag:$0x3], $0x80, s29, s18, $0xb8;
	[tilespmem:$0x1D000] =	vst v63  }
0x1c0: {  	_ =	swait.ge [sflag:s21], $0x4000  }
0x1c1: {  	[sflag:s21] =	ssyncset.done $0x0  }
0x1c2: {  	[sflag:s21] =	ssyncadd.s32 $0xFFFFC000  }
0x1c3: {  	[spmem:s2] =	stream.indirect.scatter.add.f32 [tilespmem:s19], [sflag:$0x4], $0x80, s30, s18, $0xb8;
	[tilespmem:$0x1D000] =	vst v63  }
0x1c4: {  	_ =	swait.ge [sflag:s22], $0x4000  }
0x1c5: {  	[sflag:s22] =	ssyncset.done $0x0  }
0x1c6: {  	[sflag:s22] =	ssyncadd.s32 $0xFFFFC000  }
0x1c7: {  	[tilespmem:s14], [sflag:$0x1] =	stream.indirect.gather [hbm4b:s4+s18], $0x80, s31, s18, $0xb8;
	[tilespmem:$0x1D000] =	vst v63  }
0x1c8: {  	_ =	swait.ge [sflag:s23], $0x4000  }
0x1c9: {  	[sflag:s23] =	ssyncset.done $0x0  }
0x1ca: {  	[sflag:s23] =	ssyncadd.s32 $0xFFFFC000  }
0x1cb: {  	[tilespmem:s19], [sflag:$0x2] =	stream.indirect.gather [hbm4b:s4+s18], $0x80, s0, s18, $0xb8;
	[tilespmem:$0x1D000] =	vst v63  }
0x1cc: {  	_ =	swait.ge [sflag:s20], $0x4000  }
0x1cd: {  	[sflag:s20] =	ssyncset.done $0x0  }
0x1ce: {  	[sflag:s20] =	ssyncadd.s32 $0xFFFFC000  }
0x1cf: {  	[spmem:s2] =	stream.indirect.scatter.add.f32 [tilespmem:s14], [sflag:$0x3], $0x80, s8, s18, $0xb8;
	[tilespmem:$0x1D000] =	vst v63  }
0x1d0: {  	_ =	swait.ge [sflag:s21], $0x4000  }
0x1d1: {  	[sflag:s21] =	ssyncset.done $0x0  }
0x1d2: {  	[sflag:s21] =	ssyncadd.s32 $0xFFFFC000  }
0x1d3: {  	[spmem:s2] =	stream.indirect.scatter.add.f32 [tilespmem:s19], [sflag:$0x4], $0x80, s1, s18, $0xb8;
	[tilespmem:$0x1D000] =	vst v63  }
0x1d4: {  	_ =	swait.ge [sflag:s22], $0x4000  }
0x1d5: {  	[sflag:s22] =	ssyncset.done $0x0  }
0x1d6: {  	[sflag:s22] =	ssyncadd.s32 $0xFFFFC000  }
0x1d7: {  	[tilespmem:s14], [sflag:$0x1] =	stream.indirect.gather [hbm4b:s4+s18], $0x80, s5, s18, $0xb8;
	[tilespmem:$0x1D000] =	vst v63  }
0x1d8: {  	_ =	swait.ge [sflag:s23], $0x4000  }
0x1d9: {  	[sflag:s23] =	ssyncset.done $0x0  }
0x1da: {  	[sflag:s23] =	ssyncadd.s32 $0xFFFFC000  }
0x1db: {  	[tilespmem:s19], [sflag:$0x2] =	stream.indirect.gather [hbm4b:s4+s18], $0x80, s7, s18, $0xb8;
	[tilespmem:$0x1D000] =	vst v63  }
0x1dc: {  	_ =	swait.ge [sflag:s20], $0x4000  }
0x1dd: {  	[sflag:s20] =	ssyncset.done $0x0  }
0x1de: {  	[sflag:s20] =	ssyncadd.s32 $0xFFFFC000  }
0x1df: {  	[spmem:s2] =	stream.indirect.scatter.add.f32 [tilespmem:s14], [sflag:$0x3], $0x80, s9, s18, $0xb8;
	[tilespmem:$0x1D000] =	vst v63  }
0x1e0: {  	_ =	swait.ge [sflag:s21], $0x4000  }
0x1e1: {  	[sflag:s21] =	ssyncset.done $0x0  }
0x1e2: {  	[sflag:s21] =	ssyncadd.s32 $0xFFFFC000  }
0x1e3: {  	[spmem:s2] =	stream.indirect.scatter.add.f32 [tilespmem:s19], [sflag:$0x4], $0x80, s10, s18, $0xb8;
	[tilespmem:$0x1D000] =	vst v63  }
0x1e4: {  	_ =	swait.ge [sflag:s22], $0x4000  }
0x1e5: {  	[sflag:s22] =	ssyncset.done $0x0  }
0x1e6: {  	[sflag:s22] =	ssyncadd.s32 $0xFFFFC000  }
0x1e7: {  	_ =	swait.ge [sflag:s23], $0x4000  }
0x1e8: {  	[sflag:s23] =	ssyncset.done $0x0  }
0x1e9: {  	s12 =	rddreg [dreg:$0x1f];
	[sflag:s23] =	ssyncadd.s32 $0xFFFFC000  }
0x1ea: {  	s6 =	smul.u32 $0x28000, s12;
	[bflag:$0x0] =	sbarrier.arrive $0xFFFF  }
0x1eb: {  	s11 =	stileid.u32;
	s13 =	rddreg [dreg:$0x17]  }
0x1ec: {  	s11 =	sshll.u32 s11, $0x6;
	s6 =	sadd.s32 s13, s6;
	s13 =	rddreg [dreg:$0x16]  }
.Ltmp2:
0x1ed: {  	s11 =	sor.u32 $0x1C05, s11;
	s12 =	sshrl.u32 s13, $0x3;
	(pc) =	sbr.rel @p0 .LBB2_2-.Ltmp2, $4  }
0x1ee: {  	[hbm:s6], [sflag:s11] =	dma.local [spmem:s12], $0x2800  }
0x1ef: {  	_ =	swait.ge [sflag:s15], $0x2800  }
0x1f0: {  	[sflag:s15] =	ssyncset.done $0x0  }
0x1f1: {  	p1 =	por $0x0, $0x0;
	s11 =	simm.s32 $0x1;
	[sflag:s15] =	ssyncadd.s32 $0xFFFFD800  }
0x1f2: {  	s11 =	rddreg [dreg:$0x1e]  }
0x1f3: {  	s6 =	rddreg [dreg:$0x18];
	s11 =	sadd.s32 $0x1, s11  }
0x1f4: {  	p0 =	sne.s32 s11, s6  }
.Ltmp3:
0x1f5: {  	_ = 	snop;
	(pc) =	sbr.rel @p0 .LBB2_1-.Ltmp3, $1  }
0x1f6: {  	_ =	sdelay $0x3  }
0x1f7: {  	_ =	sfence.sel $0x180000  }
0x1f8: {  	[bflag:$0x0] =	sbarrier.arrive $0xFFFF  }
0x1f9: {  	_ =	strace $0x9000004D  }
0x1fa: {  	s0 =	stileid.u32;
	[bflag:$0x2] =	sbarrier.arrive $0xFFFF  }
0x1fb: {  	p0 =	sne.s32 s0, $0x0;
	s0 =	rddreg [dreg:$0x2]  }
0x1fc: {  	s0 =	sadd.s32 @!p0 $0x100000, s0  }
0x1fd: {  	[sflag:s0] =	ssyncadd.tile.s32 @!p0 $0x1;
	_ =	shalt  }
.Lfunc_end2:
_tile_overlayer_lowered:
.L_overlay_start_2:
0x1fe: {  	(tag) =	ssettag $0x2  }
0x1ff: {  	s0 =	rddreg [dreg:$0x0];
	s2 =	stileid.u32  }
0x200: {  	s1 =	rddreg [dreg:$0x1];
	p0 =	sne.s32 s2, $0x0  }
0x201: {  	s3 =	rddreg [dreg:$0x2];
	[bflag:$0x3] =	sbarrier.arrive $0xFFFF;
	s2 =	simm.s32 @!p0 $0x1C05  }
0x202: {  	[timem:s3], [sflag:s2] =	dma.local @!p0 [hbm:s0], s1  }
0x203: {  	s0 =	simm.s32 @!p0 $0x5  }
0x204: {  	_ =	swait.ge @!p0 [sflag:s0], s1  }
0x205: {  	s1 =	ssub.s32 @!p0 $0x0, s1;
	[sflag:s0] =	ssyncset.done @!p0 $0x0  }
0x206: {  	[sflag:s0] =	ssyncadd.s32 @!p0 s1  }
0x207: {  	[bflag:$0x3] =	sbarrier.arrive $0xFFFF  }
0x208: {  	_ =	shalt  }

// kernel: kernel.8.cloned.1.call-start
scs
__scs_entry_jumppad:
0x0: {  	(pc) =	sbr.rel $0x88, $3  }
0x1: {  	(tag) =	ssettag $0x0;
	lr =	simm.s32 $0x1  }
0x2: {  	[smem:$0x3F9B] =	sst lr;
	_ =	strace $0xD0000000  }
0x3: {  	_ = 	snop  }
0x4: {  	_ = 	snop  }
0x5: {  	_ = 	snop  }
0x6: {  	_ = 	snop  }
0x7: {  	_ = 	snop  }
__scs_overlays_trampoline_lowered:
0x8: {  	[smem:$0x3FAA] =	sst s0  }
0x9: {  	[smem:$0x3FAB] =	sst s1  }
0xa: {  	[smem:$0x3FAC] =	sst s2  }
0xb: {  	[smem:$0x3FAD] =	sst s3  }
0xc: {  	[smem:$0x3FAE] =	sst s4  }
0xd: {  	[smem:$0x3FAF] =	sst s5  }
0xe: {  	[smem:$0x3FB0] =	sst s6  }
0xf: {  	[smem:$0x3FB1] =	sst s7  }
0x10: {  	[smem:$0x3FB2] =	sst s8  }
0x11: {  	[smem:$0x3FB3] =	sst s9;
	s0 =	simm.s32 @!p0 $0x0  }
0x12: {  	s1 =	sld [smem:$0x3F99];
	s0 =	simm.s32 @p0 $0x1  }
0x13: {  	[smem:$0x3FB4] =	sst s0;
	s0 =	simm.s32 @!p1 $0x0  }
0x14: {  	s2 =	sld [smem:$0x3F98];
	s0 =	simm.s32 @p1 $0x1  }
0x15: {  	[smem:$0x3FB5] =	sst s0;
	s0 =	simm.s32 @!p2 $0x0  }
0x16: {  	s3 =	sld [smem:$0x3FDB];
	s0 =	simm.s32 @p2 $0x1  }
0x17: {  	s4 =	simm.s32 $0x1BF5;
	[smem:$0x3FB7] =	sst s0  }
0x18: {  	s0 =	sld [smem:$0x3F9A];
	_ =	swait.ge [sflag:s4], $0x0  }
0x19: {  	s7 =	sld [smem:$0x3F9B]  }
0x1a: {  	s8 =	sadd.s32 $0xFFFFE003, lr  }
0x1b: {  	s9 =	sadd.s32 $0xFFFFFEF7, lr;
	s5 =	simm.s32 $0xFFFFFFFF;
	p2 =	slt.u32 s8, $0xFFFFF086  }
0x1c: {  	p1 =	slt.u32 s9, $0xF7A;
	s5 =	simm.s32 @!p2 $0x0  }
0x1d: {  	s5 =	simm.s32 @p1 $0x1;
	p0 =	seq.s32 s7, s2  }
0x1e: {  	s7 =	smul.u32 @!p0 $0xF7A, s2;
	p2 =	seq.s32 @!p0 s5, $0x0  }
0x1f: {  	s9 =	smul.u32 $0xF7A, s1;
	s8 =	simm.s32 @!p0 $0x1BF5;
	p2 =	por !p2, p0  }
0x20: {  	[sflag:s8] =	ssyncset.s32 @!p0 $0xFFFFF086;
	s6 =	sadd.s32 @!p0 s3, s7;
	s7 =	simm.s32 @!p0 $0x108  }
0x21: {  	s3 =	sadd.s32 s3, s9;
	s6 =	sadd.s32 @!p0 $0x88, s6;
	s7 =	simm.s32 @p2 $0x1082  }
0x22: {  	[simem:s7], [sflag:s8] =	dma.local @!p0 [hbm:s6], $0xF7A  }
0x23: {  	s9 =	sor.u32 $0xD0000000, s2;
	s6 =	simm.s32 $0x108;
	_ =	swait.ge @!p0 [sflag:s8], $0x0  }
0x24: {  	s3 =	sadd.s32 $0x88, s3;
	s6 =	simm.s32 @!p1 $0x1082;
	[sflag:s4] =	ssyncset.s32 $0xFFFFF086  }
0x25: {  	[simem:s6], [sflag:s4] =	dma.local [hbm:s3], $0xF7A  }
0x26: {  	[smem:$0x3F9B] =	sst s1;
	(tag) =	ssettag s2;
	_ =	strace s9  }
0x27: {  	s1 =	sld [smem:$0x3FAB]  }
0x28: {  	s2 =	sld [smem:$0x3FAC]  }
0x29: {  	s4 =	sld [smem:$0x3FAE]  }
0x2a: {  	p0 =	seq.s32 s5, $0x0;
	s5 =	sld [smem:$0x3FAF]  }
0x2b: {  	s6 =	sld [smem:$0x3FB0]  }
0x2c: {  	s7 =	sld [smem:$0x3FB1]  }
0x2d: {  	s3 =	simm.s32 $0x108;
	s8 =	sld [smem:$0x3FB2]  }
0x2e: {  	s3 =	simm.s32 @!p0 $0x1082;
	s9 =	sld [smem:$0x3FB3]  }
0x2f: {  	lr =	sadd.s32 s0, s3;
	s0 =	sld [smem:$0x3FAA]  }
0x30: {  	s3 =	sld [smem:$0x3FAD]  }
0x31: {  	[smem:$0x3FB6] =	sst s10  }
0x32: {  	s10 =	sld [smem:$0x3FB4];
	_ =	sdelay $0x3  }
0x33: {  	p0 =	seq.s32 s10, $0x1;
	s10 =	sld [smem:$0x3FB6];
	_ =	sdelay $0x3  }
0x34: {  	[smem:$0x3FB6] =	sst s10  }
0x35: {  	s10 =	sld [smem:$0x3FB5];
	_ =	sdelay $0x3  }
0x36: {  	p1 =	seq.s32 s10, $0x1;
	s10 =	sld [smem:$0x3FB6];
	_ =	sdelay $0x3  }
0x37: {  	[smem:$0x3FB6] =	sst s10  }
0x38: {  	s10 =	sld [smem:$0x3FB7]  }
0x39: {  	_ = 	snop;
	(pc) =	sbr.ind lr, $3  }
0x3a: {  	_ = 	snop  }
0x3b: {  	_ = 	snop  }
0x3c: {  	p2 =	seq.s32 s10, $0x1;
	s10 =	sld [smem:$0x3FB6]  }
0x3d: {  	_ =	shalt  }
0x3e: {  	_ =	shalt  }
0x3f: {  	_ =	shalt  }
0x40: {  	_ =	shalt  }
0x41: {  	_ =	shalt  }
0x42: {  	_ =	shalt  }
0x43: {  	_ =	shalt  }
0x44: {  	_ =	shalt  }
0x45: {  	_ =	shalt  }
0x46: {  	_ =	shalt  }
0x47: {  	_ =	shalt  }
0x48: {  	_ =	shalt  }
0x49: {  	_ =	shalt  }
0x4a: {  	_ =	shalt  }
0x4b: {  	_ =	shalt  }
0x4c: {  	_ =	shalt  }
0x4d: {  	_ =	shalt  }
0x4e: {  	_ =	shalt  }
0x4f: {  	_ =	shalt  }
0x50: {  	_ =	shalt  }
0x51: {  	_ =	shalt  }
0x52: {  	_ =	shalt  }
0x53: {  	_ =	shalt  }
0x54: {  	_ =	shalt  }
0x55: {  	_ =	shalt  }
0x56: {  	_ =	shalt  }
0x57: {  	_ =	shalt  }
0x58: {  	_ =	shalt  }
0x59: {  	_ =	shalt  }
0x5a: {  	_ =	shalt  }
0x5b: {  	_ =	shalt  }
0x5c: {  	_ =	shalt  }
0x5d: {  	_ =	shalt  }
0x5e: {  	_ =	shalt  }
0x5f: {  	_ =	shalt  }
0x60: {  	_ =	shalt  }
0x61: {  	_ =	shalt  }
0x62: {  	_ =	shalt  }
0x63: {  	_ =	shalt  }
0x64: {  	_ =	shalt  }
0x65: {  	_ =	shalt  }
0x66: {  	_ =	shalt  }
0x67: {  	_ =	shalt  }
0x68: {  	_ =	shalt  }
0x69: {  	_ =	shalt  }
0x6a: {  	_ =	shalt  }
0x6b: {  	_ =	shalt  }
0x6c: {  	_ =	shalt  }
0x6d: {  	_ =	shalt  }
0x6e: {  	_ =	shalt  }
0x6f: {  	_ =	shalt  }
0x70: {  	_ =	shalt  }
0x71: {  	_ =	shalt  }
0x72: {  	_ =	shalt  }
0x73: {  	_ =	shalt  }
0x74: {  	_ =	shalt  }
0x75: {  	_ =	shalt  }
0x76: {  	_ =	shalt  }
0x77: {  	_ =	shalt  }
0x78: {  	_ =	shalt  }
0x79: {  	_ =	shalt  }
0x7a: {  	_ =	shalt  }
0x7b: {  	_ =	shalt  }
0x7c: {  	_ =	shalt  }
0x7d: {  	_ =	shalt  }
0x7e: {  	_ =	shalt  }
0x7f: {  	_ =	shalt  }
0x80: {  	_ =	shalt  }
0x81: {  	_ =	shalt  }
0x82: {  	_ =	shalt  }
0x83: {  	_ =	shalt  }
0x84: {  	_ =	shalt  }
0x85: {  	_ =	shalt  }
0x86: {  	_ =	shalt  }
0x87: {  	_ =	shalt  }
.Lfunc_end0:
.L_simem_size_0:
called_computation_lowered:
.L_overlay_start_0:
0x88: {  	s2 =	sld [smem:$0x3FD9]  }
0x89: {  	s3 =	sld [smem:$0x3FFE];
	_ =	sdelay $0x1  }
0x8a: {  	s1 =	srdreg.scid  }
0x8b: {  	s0 =	sand.u32 $0x1, s1  }
0x8c: {  	s17 =	sshll.u32 s0, $0xA;
	s2 =	sadd.s32 s3, s2  }
0x8d: {  	s2 =	sadd.s32 s2, s17  }
0x8e: {  	[smem:$0x3FC2] =	sst s2  }
0x8f: {  	_ = 	snop  }
0x90: {  	s2 =	sld [smem:$0x3FD0];
	(tm) =	ssettm $0x1  }
0x91: {  	s18 =	sld [smem:$0x3FFB];
	_ =	sdelay $0x3  }
0x92: {  	_ =	strace s18  }
0x93: {  	s3 =	sld [smem:$0x3FFC];
	_ =	sdelay $0x3  }
0x94: {  	_ =	strace s3  }
0x95: {  	s3 =	sld [smem:$0x3FFD];
	_ =	sdelay $0x3  }
0x96: {  	_ =	strace s3  }
0x97: {  	_ =	strace $0x8FFFFFFF  }
0x98: {  	s19 =	sld [smem:$0x3FDB];
	_ =	sdelay $0x1  }
0x99: {  	s4 =	simm.s32 $_scs_section_size  }
0x9a: {  	s5 =	simm.s32 $_size__tile_overlayer_lowered;
	s6 =	simm.s32 $_tile_overlayer_lowered  }
0x9b: {  	s22 =	simm.s32 $0x1BFF;
	s21 =	sshll.u32 s6, $0x1;
	s3 =	sadd.s32 s4, s19  }
0x9c: {  	s7 =	simm.s32 $0x0;
	s20 =	sshll.u32 s5, $0x1;
	s5 =	sadd.s32 s21, s3  }
0x9d: {  	[timem:s7], [sflag:s22] =	dma.local [hbm:s5], s20  }
0x9e: {  	_ =	swait.ge [sflag:s22], s20  }
0x9f: {  	s4 =	ssub.s32 $0x0, s20;
	[sflag:s22] =	ssyncset.done $0x0  }
0xa0: {  	[sflag:s22] =	ssyncadd.s32 s4;
	_ =	sdelay $0x1  }
0xa1: {  	s23 =	simm.s32 $0x1B8B  }
0xa2: {  	_ =	swait.ge [sflag:s23], $0x1  }
0xa3: {  	[sflag:s23] =	ssyncset.done $0x0  }
0xa4: {  	s25 =	simm.s32 $0x1B8E;
	s24 =	sld [smem:$0x3FFE];
	[sflag:s23] =	ssyncadd.s32 $0xFFFFFFFF  }
0xa5: {  	s26 =	simm.s32 $execute0_lowered;
	[smem:$0x3FD2] =	sst s25  }
0xa6: {  	s5 =	sshll.u32 s26, $0x1;
	_ =	strace $0x80000046;
	[dreg:$0x1] =	wrdreg $0xFFFFFFFF  }
0xa7: {  	s28 =	simm.s32 $_size_execute0_lowered;
	s3 =	sadd.s32 s3, s5;
	[dreg:$0x0] =	wrdreg $0x0  }
0xa8: {  	s5 =	sshll.u32 s28, $0x1;
	[dreg:$0x2] =	wrdreg s3  }
0xa9: {  	[dreg:$0x3] =	wrdreg s5  }
0xaa: {  	[dreg:$0x4] =	wrdreg $0xC0  }
0xab: {  	_ =	task [dreg:s7], $0x5FFFF  }
0xac: {  	[dreg:$0x1] =	wrdreg $0xFFFFFFFF  }
0xad: {  	[dreg:$0x0] =	wrdreg $0x60  }
0xae: {  	[dreg:$0x2] =	wrdreg s24  }
0xaf: {  	[dreg:$0x3] =	wrdreg s2  }
0xb0: {  	[dreg:$0x4] =	wrdreg $0x9  }
0xb1: {  	_ =	task.clear_ibuf [dreg:s7], $0x5FFFF;
	_ =	strace $0x90000046  }
0xb2: {  	s29 =	simm.s32 $0x9;
	_ =	strace $0x80000048  }
0xb3: {  	_ =	swait.ge [sflag:s29], $0x1  }
0xb4: {  	[sflag:s29] =	ssyncadd.s32 $0xFFFFFFFF  }
0xb5: {  	_ =	strace $0x90000048  }
0xb6: {  	_ =	sfence  }
0xb7: {  	s30 =	sld [smem:$0x0];
	_ =	sdelay $0x2  }
0xb8: {  	s31 =	sshll.u32 s1, $0xD;
	s1 =	sshrl.u32 s1, $0x2  }
0xb9: {  	s3 =	sand.u32 $0x4000, s31;
	s1 =	sadd.s32 s1, s30  }
0xba: {  	s0 =	sor.u32 s3, s0;
	s1 =	sshll.u32 s1, $0x11  }
0xbb: {  	s0 =	sor.u32 s1, s0  }
0xbc: {  	s0 =	sadd.s32 $0x8F2B, s0  }
0xbd: {  	[sflag:s0] =	ssyncadd.remote.s32 $0x1  }
0xbe: {  	_ =	sfence.sel $0xFFFF  }
0xbf: {  	[dreg:$0x0] =	wrdreg $0xFFFFFFFF;
	(pc) =	sbr.abs _section_cstart, $3  }
0xc0: {  	[dreg:$0x1] =	wrdreg $0xFFFFFFFF  }
0xc1: {  	_ =	task.clear_ibuf [dreg:s7], $0x2FFFF;
	_ =	strace $0x9FFFFFFF  }
0xc2: {  	(tm) =	ssettm $0x7FFFFFFF  }
0xc3: {  	_ =	shalt  }
tec
execute0_lowered:
.L_overlay_start_1:
0x0: {  	(tag) =	ssettag $0x1  }
0x1: {  	s0 =	srdreg.scid  }
0x2: {  	s3 =	rddreg [dreg:$0x0];
	s4 =	sand.u32 $0x1, s0  }
0x3: {  	s5 =	rddreg [dreg:$0x1];
	s1 =	stileid.u32;
	s2 =	sshll.u32 s4, $0x4  }
0x4: {  	s0 =	rddreg [dreg:$0x2];
	s6 =	sor.u32 s1, s2  }
0x5: {  	s4 =	ssub.s32 $0x2, s4;
	s2 =	simm.s32 $0x0;
	s7 =	smul.u32 $0x280, s6  }
0x6: {  	s8 =	sshrl.u32 s4, $0x1;
	[smem:$0x7FF] =	sst s2;
	s6 =	smul.u32 $0x500, s6  }
0x7: {  	s31 =	ssub.s32 s4, s8;
	s8 =	simm.s32 $0x0;
	_ =	strace $0x80000047  }
0x8: {  	s3 =	sadd.s32 s7, s3;
	s4 =	sadd.s32 s5, s6;
	s5 =	smax.u32 s31, $0x1  }
0x9: {  	v0 =	vimm.f32 $0.0e+00;
	v1 =	vimm.f32 $1.000000000e+00;
	s6 =	simm.s32 $0x2800;
	s7 =	simm.s32 $0x1;
	s3 =	sadd.s32 $0x1600, s3  }
.LBB2_1:
0xa: {  	s9 =	simm.s32 $0x70;
	s10 =	simm.s32 $0x3C0  }
.LBB2_2:
0xb: {  	p0 =	sne.s32 s10, $0x9FC0;
	[tilespmem:s9+$0x0] =	vst v0  }
0xc: {  	[tilespmem:s9+$0xFFFFFF90] =	vst v0  }
0xd: {  	[tilespmem:s9+$0xFFFFFFA0] =	vst v0  }
.Ltmp0:
0xe: {  	[tilespmem:s9+$0xFFFFFFB0] =	vst v0;
	(pc) =	sbr.rel @p0 .LBB2_2-.Ltmp0, $4  }
0xf: {  	[tilespmem:s9+$0xFFFFFFC0] =	vst v0  }
0x10: {  	[tilespmem:s9+$0xFFFFFFD0] =	vst v0  }
0x11: {  	[tilespmem:s9+$0xFFFFFFE0] =	vst v0  }
0x12: {  	[tilespmem:s9+$0xFFFFFFF0] =	vst v0;
	s9 =	sshra.s32 s10, $0x2;
	s10 =	sadd.s32 $0x200, s10  }
0x13: {  	[tilespmem:s9+$0x0] =	vst v0  }
0x14: {  	[tilespmem:s9+$0xFFFFFF90] =	vst v0  }
0x15: {  	[tilespmem:s9+$0xFFFFFFA0] =	vst v0  }
0x16: {  	[tilespmem:s9+$0xFFFFFFB0] =	vst v0  }
0x17: {  	[tilespmem:s9+$0xFFFFFFC0] =	vst v0  }
0x18: {  	[tilespmem:s9+$0xFFFFFFD0] =	vst v0  }
0x19: {  	[tilespmem:s9+$0xFFFFFFE0] =	vst v0  }
0x1a: {  	[tilespmem:s9+$0xFFFFFFF0] =	vst v0  }
0x1b: {  	[tilespmem:s6], [sflag:$0x1] =	stream.linear.gather [hbm4b:s3+s2], $0x1400, $0x38;
	[tilespmem:$0x3C00] =	vst v63  }
0x1c: {  	_ =	swait.ge [sflag:s7], $0x1400  }
0x1d: {  	[sflag:s7] =	ssyncset.done $0x0  }
0x1e: {  	s9 =	simm.s32 $0x1C0;
	[sflag:s7] =	ssyncadd.s32 $0xFFFFEC00  }
.LBB2_4:
0x1f: {  	s10 =	sshra.s32 s9, $0x2  }
0x20: {  	v2 =	vld [tilespmem:s10+$0x2790];
	_ =	sdelay $0x7  }
0x21: {  	[tilespmem:v2+s2+$0x0] =	vst.idx.add.f32.msk $0xffff, v1  }
0x22: {  	v2 =	vld [tilespmem:s10+$0x27A0];
	_ =	sdelay $0x7  }
0x23: {  	[tilespmem:v2+s2+$0x0] =	vst.idx.add.f32.msk $0xffff, v1  }
0x24: {  	v2 =	vld [tilespmem:s10+$0x27B0];
	_ =	sdelay $0x7  }
0x25: {  	[tilespmem:v2+s2+$0x0] =	vst.idx.add.f32.msk $0xffff, v1  }
0x26: {  	v2 =	vld [tilespmem:s10+$0x27C0];
	_ =	sdelay $0x7  }
0x27: {  	[tilespmem:v2+s2+$0x0] =	vst.idx.add.f32.msk $0xffff, v1  }
0x28: {  	v2 =	vld [tilespmem:s10+$0x27D0];
	_ =	sdelay $0x7  }
0x29: {  	[tilespmem:v2+s2+$0x0] =	vst.idx.add.f32.msk $0xffff, v1  }
0x2a: {  	v2 =	vld [tilespmem:s10+$0x27E0];
	_ =	sdelay $0x7  }
0x2b: {  	[tilespmem:v2+s2+$0x0] =	vst.idx.add.f32.msk $0xffff, v1  }
0x2c: {  	v2 =	vld [tilespmem:s10+$0x27F0];
	_ =	sdelay $0x7  }
0x2d: {  	[tilespmem:v2+s2+$0x0] =	vst.idx.add.f32.msk $0xffff, v1  }
0x2e: {  	v2 =	vld [tilespmem:s10+$0x2800];
	_ =	sdelay $0x2  }
0x2f: {  	p0 =	sne.s32 s9, $0x4FC0  }
.Ltmp1:
0x30: {  	_ = 	snop;
	(pc) =	sbr.rel @p0 .LBB2_4-.Ltmp1, $2  }
0x31: {  	_ =	sdelay $0x2  }
0x32: {  	s9 =	sadd.s32 $0x200, s9;
	[tilespmem:v2+s2+$0x0] =	vst.idx.add.f32.msk $0xffff, v1  }
0x33: {  	s8 =	sadd.s32 $0x1, s8  }
0x34: {  	p0 =	sne.s32 s8, s5  }
.Ltmp2:
0x35: {  	_ = 	snop;
	(pc) =	sbr.rel @p0 .LBB2_1-.Ltmp2, $4  }
0x36: {  	[hbm4b:s4+s2] =	stream.linear.scatter [tilespmem:s2], [sflag:$0x1], $0x2800, $0x38;
	[tilespmem:$0x3C00] =	vst v63  }
0x37: {  	_ =	swait.ge [sflag:s7], $0x2800  }
0x38: {  	[sflag:s7] =	ssyncset.done $0x0  }
0x39: {  	[sflag:s7] =	ssyncadd.s32 $0xFFFFD800  }
0x3a: {  	_ =	sfence.sel $0x180000  }
0x3b: {  	[bflag:$0x0] =	sbarrier.arrive $0xFFFF  }
0x3c: {  	p0 =	sne.s32 s1, $0x0;
	_ =	strace $0x90000047  }
0x3d: {  	s0 =	sadd.s32 @!p0 $0x100000, s0;
	[bflag:$0x2] =	sbarrier.arrive $0xFFFF  }
0x3e: {  	[sflag:s0] =	ssyncadd.tile.s32 @!p0 $0x1;
	_ =	shalt  }
.Lfunc_end2:
_tile_overlayer_lowered:
.L_overlay_start_2:
0x3f: {  	(tag) =	ssettag $0x2  }
0x40: {  	s0 =	rddreg [dreg:$0x0];
	s2 =	stileid.u32  }
0x41: {  	s1 =	rddreg [dreg:$0x1];
	p0 =	sne.s32 s2, $0x0  }
0x42: {  	s3 =	rddreg [dreg:$0x2];
	[bflag:$0x3] =	sbarrier.arrive $0xFFFF;
	s2 =	simm.s32 @!p0 $0x1C01  }
0x43: {  	[timem:s3], [sflag:s2] =	dma.local @!p0 [hbm:s0], s1  }
0x44: {  	s0 =	simm.s32 @!p0 $0x1  }
0x45: {  	_ =	swait.ge @!p0 [sflag:s0], s1  }
0x46: {  	s1 =	ssub.s32 @!p0 $0x0, s1;
	[sflag:s0] =	ssyncset.done @!p0 $0x0  }
0x47: {  	[sflag:s0] =	ssyncadd.s32 @!p0 s1  }
0x48: {  	[bflag:$0x3] =	sbarrier.arrive $0xFFFF  }
0x49: {  	_ =	shalt  }

</sc_bundles>
